<compile_context>
chip_gen: v7x
topology: tpu7x:2x2x1
jax: 0.10.2.dev20260603
libtpu: 0.0.44.dev20260713+nightly
codegen_flags: <defaults>
</compile_context>

<pallas_src>
import functools

import jax
import jax.numpy as jnp
from jax import lax
from jax.experimental import pallas as pl
from jax.experimental.pallas import tpu as pltpu
from jax.experimental.pallas import tpu_sc as plsc

N = 10000
E = 320000
F = 128
C = 47

NC = 2
NS = 16
NW = NC * NS
K = 128
CB = 16
NB = 5
CH = CB * NB
EPT = CH * K
EPAD = NW * EPT
NPAD = 10112
RPT = NPAD // NS
ROW_OFFS = (0, 128, 256, 384, RPT - 128)


def _agg_body(table, src2d, dst2d, acc_out,
              acc_sh, sidx, didx, rows_a, rows_b, sem_a, sem_b):
    c = lax.axis_index("c")
    s = lax.axis_index("s")
    w = c * NS + s

    @pl.loop(0, K)
    def _fill(i):
        for j in range(F // 16):
            rows_a[i, pl.ds(j * 16, 16)] = jnp.zeros((16,), jnp.float32)

    zbase = s * RPT
    for off in ROW_OFFS:
        pltpu.sync_copy(rows_a, acc_sh.at[pl.ds(zbase + off, 128)])
    plsc.subcore_barrier()

    def stage(b):
        ibase = w * CH + b * CB
        pltpu.sync_copy(src2d.at[pl.ds(ibase, CB)], sidx)
        pltpu.sync_copy(dst2d.at[pl.ds(ibase, CB)], didx)

    def fire(j, rows, sem):
        pltpu.async_copy(table.at[sidx.at[j]], rows, sem)

    def drain(rows, sem):
        pltpu.make_async_copy(table.at[sidx.at[0]], rows, sem).wait()

    def scatter(j, rows):
        pltpu.sync_copy(rows, acc_sh.at[didx.at[j]], add=True)

    stage(0)
    fire(0, rows_a, sem_a)

    @pl.loop(0, NB)
    def _blk(b):
        @pl.loop(0, CB // 2 - 1)
        def _pair(p):
            drain(rows_a, sem_a)
            fire(2 * p + 1, rows_b, sem_b)
            scatter(2 * p, rows_a)
            drain(rows_b, sem_b)
            fire(2 * p + 2, rows_a, sem_a)
            scatter(2 * p + 1, rows_b)

        drain(rows_a, sem_a)
        fire(CB - 1, rows_b, sem_b)
        scatter(CB - 2, rows_a)
        drain(rows_b, sem_b)
        scatter(CB - 1, rows_b)

        @pl.when(b < NB - 1)
        def _():
            stage(b + 1)
            fire(0, rows_a, sem_a)

    plsc.subcore_barrier()

    obase = c * NPAD + zbase
    pltpu.sync_copy(acc_sh.at[pl.ds(zbase, RPT)],
                    acc_out.at[pl.ds(obase, RPT)])


_agg = pl.kernel(
    _agg_body,
    out_type=[jax.ShapeDtypeStruct((NC * NPAD, F), jnp.float32)],
    mesh=plsc.VectorSubcoreMesh(core_axis_name="c", subcore_axis_name="s"),
    scratch_types=[
        pltpu.VMEM_SHARED((NPAD, F), jnp.float32),
        pltpu.VMEM((CB, K), jnp.int32),
        pltpu.VMEM((CB, K), jnp.int32),
        pltpu.VMEM((K, F), jnp.float32),
        pltpu.VMEM((K, F), jnp.float32),
        pltpu.SemaphoreType.DMA,
        pltpu.SemaphoreType.DMA,
    ],
)


def _deg_body(dst2d, deg_out, deg_sh, didx, ones1, zrow):
    c = lax.axis_index("c")
    s = lax.axis_index("s")
    w = c * NS + s

    @pl.loop(0, K // 16)
    def _fill1(i):
        ones1[pl.ds(i * 16, 16)] = jnp.ones((16,), jnp.float32)

    @pl.loop(0, RPT // 16)
    def _fill2(i):
        zrow[pl.ds(i * 16, 16)] = jnp.zeros((16,), jnp.float32)

    zrow[pl.ds(RPT - 16, 16)] = jnp.zeros((16,), jnp.float32)

    zbase = s * RPT
    pltpu.sync_copy(zrow, deg_sh.at[pl.ds(zbase, RPT)])
    plsc.subcore_barrier()

    @pl.loop(0, NB)
    def _blk(b):
        pltpu.sync_copy(dst2d.at[pl.ds(w * CH + b * CB, CB)], didx)

        @pl.loop(0, CB)
        def _chunk(j):
            pltpu.sync_copy(ones1, deg_sh.at[didx.at[j]], add=True)

    plsc.subcore_barrier()

    pltpu.sync_copy(deg_sh.at[pl.ds(zbase, RPT)], zrow)
    pltpu.sync_copy(zrow, deg_out.at[pl.ds(c * NPAD + zbase, RPT)])


_deg = pl.kernel(
    _deg_body,
    out_type=[jax.ShapeDtypeStruct((NC * NPAD,), jnp.float32)],
    mesh=plsc.VectorSubcoreMesh(core_axis_name="c", subcore_axis_name="s"),
    scratch_types=[
        pltpu.VMEM_SHARED((NPAD,), jnp.float32),
        pltpu.VMEM((CB, K), jnp.int32),
        pltpu.VMEM((K,), jnp.float32),
        pltpu.VMEM((RPT,), jnp.float32),
    ],
)


def _tc_layer_body(relu, h, aggA, aggB, degA, degB, wsT, wnT, o):
    deg = degA[:, 0:1] + degB[:, 0:1]
    inv = 1.0 / jnp.maximum(deg, 1.0)
    hn = (aggA[...] + aggB[...]) * inv
    acc = (jnp.dot(h[...], wsT[...], preferred_element_type=jnp.float32)
           + jnp.dot(hn, wnT[...], preferred_element_type=jnp.float32))
    if relu:
        acc = jnp.maximum(acc, 0.0)
    o[...] = acc


def _make_tc_layer(relu, out_w):
    R = RPT
    return pl.pallas_call(
        functools.partial(_tc_layer_body, relu),
        grid=(NPAD // R,),
        in_specs=[
            pl.BlockSpec((R, F), lambda i: (i, 0)),
            pl.BlockSpec((R, F), lambda i: (i, 0)),
            pl.BlockSpec((R, F), lambda i: (i + NS, 0)),
            pl.BlockSpec((R, 16), lambda i: (i, 0)),
            pl.BlockSpec((R, 16), lambda i: (i + NS, 0)),
            pl.BlockSpec((F, out_w), lambda i: (0, 0)),
            pl.BlockSpec((F, out_w), lambda i: (0, 0)),
        ],
        out_specs=pl.BlockSpec((R, out_w), lambda i: (i, 0)),
        out_shape=jax.ShapeDtypeStruct((N, out_w), jnp.float32),
    )


_tc_layer0 = _make_tc_layer(True, F)
_tc_layer1 = _make_tc_layer(False, F)


def kernel(x, edge_index, W_self0, W_neigh0, W_self1, W_neigh1):
    src = edge_index[0].astype(jnp.int32)
    dst = edge_index[1].astype(jnp.int32)
    npad = EPAD - E
    pad_iota = jnp.arange(npad, dtype=jnp.int32)
    src2d = jnp.concatenate([src, pad_iota % N]).reshape(EPAD // K, K)
    dst2d = jnp.concatenate(
        [dst, N + pad_iota % (NPAD - N)]).reshape(EPAD // K, K)

    (deg,) = _deg(dst2d)
    (acc0,) = _agg(x, src2d, dst2d)
    deg16 = jnp.broadcast_to(deg[:, None], (NC * NPAD, 16))
    h1 = _tc_layer0(x, acc0, acc0, deg16, deg16, W_self0.T, W_neigh0.T)

    (acc1,) = _agg(h1, src2d, dst2d)
    ws1 = jnp.zeros((F, F), jnp.float32).at[:, :C].set(W_self1.T)
    wn1 = jnp.zeros((F, F), jnp.float32).at[:, :C].set(W_neigh1.T)
    out = _tc_layer1(h1, acc1, acc1, deg16, deg16, ws1, wn1)
    return out[:, :C]

# --- scband reference (transcript-rebuilt; emitter-appended) ---
"""Pipeline reference for scband-sage-29841432773054 (READ-ONLY COPY).

The authoritative reference and input builder live on the scoring server;
editing this copy changes nothing except your own understanding.
"""

import jax, jax.numpy as jnp
import numpy as np

N_NODES = 10000
N_EDGES = 320000
IN_FEATS = 128
N_HIDDEN = 128
N_CLASSES = 47


def setup_inputs(seed: int = 0) -> dict:
    key = jax.random.key(seed)
    k_x, k_e, k0, k1, k2, k3 = jax.random.split(key, 6)
    x = jax.random.normal(k_x, (N_NODES, IN_FEATS), dtype=jnp.float32)
    edge_index = jax.random.randint(k_e, (2, N_EDGES), 0, N_NODES, dtype=jnp.int64)
    # torch Linear weights are [out, in]; no bias (bias=False)
    s0 = 1.0 / np.sqrt(IN_FEATS)
    s1 = 1.0 / np.sqrt(N_HIDDEN)
    W_self0 = jax.random.uniform(k0, (N_HIDDEN, IN_FEATS), jnp.float32, -s0, s0)
    W_neigh0 = jax.random.uniform(k1, (N_HIDDEN, IN_FEATS), jnp.float32, -s0, s0)
    W_self1 = jax.random.uniform(k2, (N_CLASSES, N_HIDDEN), jnp.float32, -s1, s1)
    W_neigh1 = jax.random.uniform(k3, (N_CLASSES, N_HIDDEN), jnp.float32, -s1, s1)
    return {"x": x, "edge_index": edge_index, "W_self0": W_self0,
            "W_neigh0": W_neigh0, "W_self1": W_self1, "W_neigh1": W_neigh1}


def _sage_conv(h, src, dst, W_self, W_neigh):
    # DGL SAGEConv with 'mean' aggregator, bias=False:
    # h_neigh = mean_{u in in-neighbors(v)} h[u]; out = h @ W_self^T + h_neigh @ W_neigh^T
    msgs = jnp.take(h, src, axis=0)
    agg = jax.ops.segment_sum(msgs, dst, num_segments=N_NODES)
    deg = jax.ops.segment_sum(jnp.ones((src.shape[0],), jnp.float32), dst,
                              num_segments=N_NODES)
    deg = jnp.maximum(deg, 1.0)
    h_neigh = agg / deg[:, None]
    return h @ W_self.T + h_neigh @ W_neigh.T


def reference(x, edge_index, W_self0, W_neigh0, W_self1, W_neigh1):
    src = edge_index[0]
    dst = edge_index[1]
    # layer 0 (same block/graph reused for every layer)
    h = _sage_conv(x, src, dst, W_self0, W_neigh0)
    h = jax.nn.relu(h)  # activation; dropout p=0.0 is identity
    # layer 1 (output layer: no activation/dropout)
    h = _sage_conv(h, src, dst, W_self1, W_neigh1)
    return h

if __name__ == "__main__":
    import jax
    _d = setup_inputs()
    print(jax.jit(kernel)(*tuple(_d.values())))

</pallas_src>

<mosaic_0001>
#map = affine_map<(d0, d1) -> (0, 0)>
#map1 = affine_map<(d0, d1) -> (0)>
module attributes {stable_mosaic.version = 14 : i64} {
  func.func @_deg_body(%arg0: i32, %arg1: i32, %arg2: memref<2560x128xi32, #tpu.memory_space<hbm>>, %arg3: memref<20224xf32, #tpu.memory_space<hbm>>, %arg4: memref<10112xf32, #tpu.memory_space<vmem_shared>>, %arg5: memref<16x128xi32, #tpu.memory_space<vmem>>, %arg6: memref<128xf32, #tpu.memory_space<vmem>>, %arg7: memref<632xf32, #tpu.memory_space<vmem>>) attributes {dimension_semantics = [#tpu.dimension_semantics<core_parallel>, #tpu.dimension_semantics<subcore_parallel>], iteration_bounds = array<i64: 2, 16>, scalar_prefetch = 0 : i64, scratch_operands = 4 : i64, tpu.core_type = #tpu.core_type<sc_vector_subcore>, window_params = [{transform_indices = #map}, {transform_indices = #map1}]} {
    %mul3A = arith.constant 16 : i32
    %mul3A_0 = arith.muli %arg0, %mul3A : i32
    %add3A = arith.addi %mul3A_0, %arg1 : i32
    %scan3A = arith.constant 0 : i32
    %scan3A_1 = arith.constant 8 : i32
    %scan3A_2 = arith.addi %scan3A, %scan3A_1 : i32
    %scan3A_3 = arith.constant 1 : i32
    scf.for %scan3A_25 = %scan3A to %scan3A_2 step %scan3A_3  : i32 {
      %mul3A_26 = arith.constant 1 : i32
      %mul3A_27 = arith.muli %scan3A_25, %mul3A_26 : i32
      %add3A_28 = arith.constant 0 : i32
      %add3A_29 = arith.addi %add3A_28, %mul3A_27 : i32
      %broadcast_in_dim3A_30 = arith.constant 1.000000e+00 : f32
      %broadcast_in_dim3A_31 = vector.broadcast %broadcast_in_dim3A_30 : f32 to vector<16xf32>
      %mul3A_32 = arith.constant 16 : i32
      %mul3A_33 = arith.muli %add3A_29, %mul3A_32 : i32
      %swap3A_34 = arith.index_cast %mul3A_33 : i32 to index
      %swap3A_35 = tpu.vector_load %arg6[%swap3A_34] {strides = array<i32>} : memref<128xf32, #tpu.memory_space<vmem>>, vector<16xf32>,
      %swap3A_36 = vector.shape_cast %swap3A_35 : vector<16xf32> to vector<16xf32>
      %swap3A_37 = vector.shape_cast %broadcast_in_dim3A_31 : vector<16xf32> to vector<16xf32>
      tpu.vector_store %arg6[%swap3A_34], %swap3A_37 {strides = array<i32>} : memref<128xf32, #tpu.memory_space<vmem>>, vector<16xf32>,
    }
    %scan3A_4 = arith.constant 8 : i32
    %scan3A_5 = arith.constant 0 : i32
    %scan3A_6 = arith.constant 39 : i32
    %scan3A_7 = arith.addi %scan3A_5, %scan3A_6 : i32
    %scan3A_8 = arith.constant 1 : i32
    scf.for %scan3A_25 = %scan3A_5 to %scan3A_7 step %scan3A_8  : i32 {
      %mul3A_26 = arith.constant 1 : i32
      %mul3A_27 = arith.muli %scan3A_25, %mul3A_26 : i32
      %add3A_28 = arith.constant 0 : i32
      %add3A_29 = arith.addi %add3A_28, %mul3A_27 : i32
      %broadcast_in_dim3A_30 = arith.constant 0.000000e+00 : f32
      %broadcast_in_dim3A_31 = vector.broadcast %broadcast_in_dim3A_30 : f32 to vector<16xf32>
      %mul3A_32 = arith.constant 16 : i32
      %mul3A_33 = arith.muli %add3A_29, %mul3A_32 : i32
      %swap3A_34 = arith.index_cast %mul3A_33 : i32 to index
      %swap3A_35 = tpu.vector_load %arg7[%swap3A_34] {strides = array<i32>} : memref<632xf32, #tpu.memory_space<vmem>>, vector<16xf32>,
      %swap3A_36 = vector.shape_cast %swap3A_35 : vector<16xf32> to vector<16xf32>
      %swap3A_37 = vector.shape_cast %broadcast_in_dim3A_31 : vector<16xf32> to vector<16xf32>
      tpu.vector_store %arg7[%swap3A_34], %swap3A_37 {strides = array<i32>} : memref<632xf32, #tpu.memory_space<vmem>>, vector<16xf32>,
    }
    %scan3A_9 = arith.constant 39 : i32
    %broadcast_in_dim3A = arith.constant 0.000000e+00 : f32
    %broadcast_in_dim3A_10 = vector.broadcast %broadcast_in_dim3A : f32 to vector<16xf32>
    %swap3A = arith.constant 616 : index
    %swap3A_11 = tpu.vector_load %arg7[%swap3A] {strides = array<i32>} : memref<632xf32, #tpu.memory_space<vmem>>, vector<16xf32>,
    %swap3A_12 = vector.shape_cast %swap3A_11 : vector<16xf32> to vector<16xf32>
    %swap3A_13 = vector.shape_cast %broadcast_in_dim3A_10 : vector<16xf32> to vector<16xf32>
    tpu.vector_store %arg7[%swap3A], %swap3A_13 {strides = array<i32>} : memref<632xf32, #tpu.memory_space<vmem>>, vector<16xf32>,
    %mul3A_14 = arith.constant 632 : i32
    %mul3A_15 = arith.muli %arg1, %mul3A_14 : i32
    "tpu.region"() ({
      %run_scoped3A = tpu.sem_alloc : memref<!tpu.dma_semaphore, #tpu.memory_space<semaphore_mem>>
      %dma_start3A = tpu.memref_slice %arg4[%mul3A_15] : memref<10112xf32, #tpu.memory_space<vmem_shared>> -> memref<632xf32, #tpu.memory_space<vmem_shared>>
      %dma_start3A_25 = tpu.memref_slice %arg4[%mul3A_15] : memref<10112xf32, #tpu.memory_space<vmem_shared>> -> memref<632xf32, #tpu.memory_space<vmem_shared>>
      tpu.enqueue_dma source(%arg7 : memref<632xf32, #tpu.memory_space<vmem>>) target(%dma_start3A_25 : memref<632xf32, #tpu.memory_space<vmem_shared>>) target_semaphore(%run_scoped3A : memref<!tpu.dma_semaphore, #tpu.memory_space<semaphore_mem>>)
      %dma_wait3A = tpu.memref_slice %arg4[%mul3A_15] : memref<10112xf32, #tpu.memory_space<vmem_shared>> -> memref<632xf32, #tpu.memory_space<vmem_shared>>
      %dma_wait3A_26 = tpu.memref_slice %arg4[%mul3A_15] : memref<10112xf32, #tpu.memory_space<vmem_shared>> -> memref<632xf32, #tpu.memory_space<vmem_shared>>
      tpu.wait_dma2 semaphore(%run_scoped3A : memref<!tpu.dma_semaphore, #tpu.memory_space<semaphore_mem>>) src(%arg7 : memref<632xf32, #tpu.memory_space<vmem>>) dst(%dma_wait3A_26 : memref<632xf32, #tpu.memory_space<vmem_shared>>)
      tpu.yield
    }) : () -> ()
    %barrier3A = arith.constant 0 : index
    tpu.barrier barrier_id(%barrier3A)
    %scan3A_16 = arith.constant 0 : i32
    %scan3A_17 = arith.constant 5 : i32
    %scan3A_18 = arith.addi %scan3A_16, %scan3A_17 : i32
    %scan3A_19 = arith.constant 1 : i32
    scf.for %scan3A_25 = %scan3A_16 to %scan3A_18 step %scan3A_19  : i32 {
      %mul3A_26 = arith.constant 1 : i32
      %mul3A_27 = arith.muli %scan3A_25, %mul3A_26 : i32
      %add3A_28 = arith.constant 0 : i32
      %add3A_29 = arith.addi %add3A_28, %mul3A_27 : i32
      %mul3A_30 = arith.constant 80 : i32
      %mul3A_31 = arith.muli %add3A, %mul3A_30 : i32
      %mul3A_32 = arith.constant 16 : i32
      %mul3A_33 = arith.muli %add3A_29, %mul3A_32 : i32
      %add3A_34 = arith.addi %mul3A_31, %mul3A_33 : i32
      "tpu.region"() ({
        %run_scoped3A = tpu.sem_alloc : memref<!tpu.dma_semaphore, #tpu.memory_space<semaphore_mem>>
        %dma_start3A = arith.constant 0 : i32
        %dma_start3A_40 = tpu.memref_slice %arg2[%add3A_34, %dma_start3A] : memref<2560x128xi32, #tpu.memory_space<hbm>> -> memref<16x128xi32, #tpu.memory_space<hbm>>
        %dma_start3A_41 = arith.constant 0 : i32
        %dma_start3A_42 = tpu.memref_slice %arg2[%add3A_34, %dma_start3A_41] : memref<2560x128xi32, #tpu.memory_space<hbm>> -> memref<16x128xi32, #tpu.memory_space<hbm>>
        tpu.enqueue_dma source(%dma_start3A_42 : memref<16x128xi32, #tpu.memory_space<hbm>>) target(%arg5 : memref<16x128xi32, #tpu.memory_space<vmem>>) target_semaphore(%run_scoped3A : memref<!tpu.dma_semaphore, #tpu.memory_space<semaphore_mem>>)
        %dma_wait3A = arith.constant 0 : i32
        %dma_wait3A_43 = tpu.memref_slice %arg2[%add3A_34, %dma_wait3A] : memref<2560x128xi32, #tpu.memory_space<hbm>> -> memref<16x128xi32, #tpu.memory_space<hbm>>
        %dma_wait3A_44 = arith.constant 0 : i32
        %dma_wait3A_45 = tpu.memref_slice %arg2[%add3A_34, %dma_wait3A_44] : memref<2560x128xi32, #tpu.memory_space<hbm>> -> memref<16x128xi32, #tpu.memory_space<hbm>>
        tpu.wait_dma2 semaphore(%run_scoped3A : memref<!tpu.dma_semaphore, #tpu.memory_space<semaphore_mem>>) src(%dma_wait3A_45 : memref<16x128xi32, #tpu.memory_space<hbm>>) dst(%arg5 : memref<16x128xi32, #tpu.memory_space<vmem>>)
        tpu.yield
      }) : () -> ()
      %scan3A_35 = arith.constant 0 : i32
      %scan3A_36 = arith.constant 16 : i32
      %scan3A_37 = arith.addi %scan3A_35, %scan3A_36 : i32
      %scan3A_38 = arith.constant 1 : i32
      scf.for %scan3A_40 = %scan3A_35 to %scan3A_37 step %scan3A_38  : i32 {
        %mul3A_41 = arith.constant 1 : i32
        %mul3A_42 = arith.muli %scan3A_40, %mul3A_41 : i32
        %add3A_43 = arith.constant 0 : i32
        %add3A_44 = arith.addi %add3A_43, %mul3A_42 : i32
        "tpu.region"() ({
          %run_scoped3A = tpu.sem_alloc : memref<!tpu.dma_semaphore, #tpu.memory_space<semaphore_mem>>
          %dma_start3A = arith.constant 0 : i32
          %dma_start3A_45 = tpu.memref_slice %arg5[%add3A_44, %dma_start3A] : memref<16x128xi32, #tpu.memory_space<vmem>> -> memref<1x128xi32, #tpu.memory_space<vmem>>
          %dma_start3A_46 = tpu.memref_squeeze %dma_start3A_45 : memref<1x128xi32, #tpu.memory_space<vmem>> -> memref<128xi32, #tpu.memory_space<vmem>>
          %dma_start3A_47 = arith.constant 0 : i32
          %dma_start3A_48 = tpu.memref_slice %arg4[%dma_start3A_47] : memref<10112xf32, #tpu.memory_space<vmem_shared>> -> memref<10112xf32, #tpu.memory_space<vmem_shared>>
          tpu.enqueue_indirect_dma source(%arg6 : memref<128xf32, #tpu.memory_space<vmem>>) target(%dma_start3A_48 : memref<10112xf32, #tpu.memory_space<vmem_shared>>) offsets(%dma_start3A_46 : memref<128xi32, #tpu.memory_space<vmem>>) semaphore(%run_scoped3A : memref<!tpu.dma_semaphore, #tpu.memory_space<semaphore_mem>>) {add = true}
          %dma_wait3A = arith.constant 0 : i32
          %dma_wait3A_49 = tpu.memref_slice %arg5[%add3A_44, %dma_wait3A] : memref<16x128xi32, #tpu.memory_space<vmem>> -> memref<1x128xi32, #tpu.memory_space<vmem>>
          %dma_wait3A_50 = tpu.memref_squeeze %dma_wait3A_49 : memref<1x128xi32, #tpu.memory_space<vmem>> -> memref<128xi32, #tpu.memory_space<vmem>>
          %dma_wait3A_51 = arith.constant 0 : i32
          %dma_wait3A_52 = tpu.memref_slice %arg4[%dma_wait3A_51] : memref<10112xf32, #tpu.memory_space<vmem_shared>> -> memref<10112xf32, #tpu.memory_space<vmem_shared>>
          tpu.wait_indirect_dma semaphore(%run_scoped3A : memref<!tpu.dma_semaphore, #tpu.memory_space<semaphore_mem>>) src(%arg6 : memref<128xf32, #tpu.memory_space<vmem>>) dst(%dma_wait3A_52 : memref<10112xf32, #tpu.memory_space<vmem_shared>>)
          tpu.yield
        }) : () -> ()
      }
      %scan3A_39 = arith.constant 16 : i32
    }
    %scan3A_20 = arith.constant 5 : i32
    %barrier3A_21 = arith.constant 0 : index
    tpu.barrier barrier_id(%barrier3A_21)
    "tpu.region"() ({
      %run_scoped3A = tpu.sem_alloc : memref<!tpu.dma_semaphore, #tpu.memory_space<semaphore_mem>>
      %dma_start3A = tpu.memref_slice %arg4[%mul3A_15] : memref<10112xf32, #tpu.memory_space<vmem_shared>> -> memref<632xf32, #tpu.memory_space<vmem_shared>>
      %dma_start3A_25 = tpu.memref_slice %arg4[%mul3A_15] : memref<10112xf32, #tpu.memory_space<vmem_shared>> -> memref<632xf32, #tpu.memory_space<vmem_shared>>
      tpu.enqueue_dma source(%dma_start3A_25 : memref<632xf32, #tpu.memory_space<vmem_shared>>) target(%arg7 : memref<632xf32, #tpu.memory_space<vmem>>) target_semaphore(%run_scoped3A : memref<!tpu.dma_semaphore, #tpu.memory_space<semaphore_mem>>)
      %dma_wait3A = tpu.memref_slice %arg4[%mul3A_15] : memref<10112xf32, #tpu.memory_space<vmem_shared>> -> memref<632xf32, #tpu.memory_space<vmem_shared>>
      %dma_wait3A_26 = tpu.memref_slice %arg4[%mul3A_15] : memref<10112xf32, #tpu.memory_space<vmem_shared>> -> memref<632xf32, #tpu.memory_space<vmem_shared>>
      tpu.wait_dma2 semaphore(%run_scoped3A : memref<!tpu.dma_semaphore, #tpu.memory_space<semaphore_mem>>) src(%dma_wait3A_26 : memref<632xf32, #tpu.memory_space<vmem_shared>>) dst(%arg7 : memref<632xf32, #tpu.memory_space<vmem>>)
      tpu.yield
    }) : () -> ()
    %mul3A_22 = arith.constant 10112 : i32
    %mul3A_23 = arith.muli %arg0, %mul3A_22 : i32
    %add3A_24 = arith.addi %mul3A_23, %mul3A_15 : i32
    "tpu.region"() ({
      %run_scoped3A = tpu.sem_alloc : memref<!tpu.dma_semaphore, #tpu.memory_space<semaphore_mem>>
      %dma_start3A = tpu.memref_slice %arg3[%add3A_24] : memref<20224xf32, #tpu.memory_space<hbm>> -> memref<632xf32, #tpu.memory_space<hbm>>
      %dma_start3A_25 = tpu.memref_slice %arg3[%add3A_24] : memref<20224xf32, #tpu.memory_space<hbm>> -> memref<632xf32, #tpu.memory_space<hbm>>
      tpu.enqueue_dma source(%arg7 : memref<632xf32, #tpu.memory_space<vmem>>) target(%dma_start3A_25 : memref<632xf32, #tpu.memory_space<hbm>>) target_semaphore(%run_scoped3A : memref<!tpu.dma_semaphore, #tpu.memory_space<semaphore_mem>>)
      %dma_wait3A = tpu.memref_slice %arg3[%add3A_24] : memref<20224xf32, #tpu.memory_space<hbm>> -> memref<632xf32, #tpu.memory_space<hbm>>
      %dma_wait3A_26 = tpu.memref_slice %arg3[%add3A_24] : memref<20224xf32, #tpu.memory_space<hbm>> -> memref<632xf32, #tpu.memory_space<hbm>>
      tpu.wait_dma2 semaphore(%run_scoped3A : memref<!tpu.dma_semaphore, #tpu.memory_space<semaphore_mem>>) src(%arg7 : memref<632xf32, #tpu.memory_space<vmem>>) dst(%dma_wait3A_26 : memref<632xf32, #tpu.memory_space<hbm>>)
      tpu.yield
    }) : () -> ()
    return
  }
}

#map = affine_map<(d0, d1) -> (0, 0)>
module attributes {stable_mosaic.version = 14 : i64} {
  func.func @_agg_body(%arg0: i32, %arg1: i32, %arg2: memref<10000x128xf32, #tpu.memory_space<hbm>>, %arg3: memref<2560x128xi32, #tpu.memory_space<hbm>>, %arg4: memref<2560x128xi32, #tpu.memory_space<hbm>>, %arg5: memref<20224x128xf32, #tpu.memory_space<hbm>>, %arg6: memref<10112x128xf32, #tpu.memory_space<vmem_shared>>, %arg7: memref<16x128xi32, #tpu.memory_space<vmem>>, %arg8: memref<16x128xi32, #tpu.memory_space<vmem>>, %arg9: memref<128x128xf32, #tpu.memory_space<vmem>>, %arg10: memref<128x128xf32, #tpu.memory_space<vmem>>, %arg11: memref<!tpu.dma_semaphore, #tpu.memory_space<semaphore_mem>>, %arg12: memref<!tpu.dma_semaphore, #tpu.memory_space<semaphore_mem>>) attributes {dimension_semantics = [#tpu.dimension_semantics<core_parallel>, #tpu.dimension_semantics<subcore_parallel>], iteration_bounds = array<i64: 2, 16>, scalar_prefetch = 0 : i64, scratch_operands = 7 : i64, tpu.core_type = #tpu.core_type<sc_vector_subcore>, window_params = [{transform_indices = #map}, {transform_indices = #map}, {transform_indices = #map}, {transform_indices = #map}]} {
    %mul3A = arith.constant 16 : i32
    %mul3A_0 = arith.muli %arg0, %mul3A : i32
    %add3A = arith.addi %mul3A_0, %arg1 : i32
    %scan3A = arith.constant 0 : i32
    %scan3A_1 = arith.constant 128 : i32
    %scan3A_2 = arith.addi %scan3A, %scan3A_1 : i32
    %scan3A_3 = arith.constant 1 : i32
    scf.for %scan3A_36 = %scan3A to %scan3A_2 step %scan3A_3  : i32 {
      %mul3A_37 = arith.constant 1 : i32
      %mul3A_38 = arith.muli %scan3A_36, %mul3A_37 : i32
      %add3A_39 = arith.constant 0 : i32
      %add3A_40 = arith.addi %add3A_39, %mul3A_38 : i32
      %broadcast_in_dim3A = arith.constant 0.000000e+00 : f32
      %broadcast_in_dim3A_41 = vector.broadcast %broadcast_in_dim3A : f32 to vector<16xf32>
      %swap3A = arith.index_cast %add3A_40 : i32 to index
      %swap3A_42 = arith.constant 0 : index
      %swap3A_43 = tpu.vector_load %arg9[%swap3A, %swap3A_42] {strides = array<i32>} : memref<128x128xf32, #tpu.memory_space<vmem>>, vector<1x16xf32>,
      %swap3A_44 = vector.shape_cast %swap3A_43 : vector<1x16xf32> to vector<16xf32>
      %swap3A_45 = vector.shape_cast %broadcast_in_dim3A_41 : vector<16xf32> to vector<1x16xf32>
      tpu.vector_store %arg9[%swap3A, %swap3A_42], %swap3A_45 {strides = array<i32>} : memref<128x128xf32, #tpu.memory_space<vmem>>, vector<1x16xf32>,
      %broadcast_in_dim3A_46 = arith.constant 0.000000e+00 : f32
      %broadcast_in_dim3A_47 = vector.broadcast %broadcast_in_dim3A_46 : f32 to vector<16xf32>
      %swap3A_48 = arith.index_cast %add3A_40 : i32 to index
      %swap3A_49 = arith.constant 16 : index
      %swap3A_50 = tpu.vector_load %arg9[%swap3A_48, %swap3A_49] {strides = array<i32>} : memref<128x128xf32, #tpu.memory_space<vmem>>, vector<1x16xf32>,
      %swap3A_51 = vector.shape_cast %swap3A_50 : vector<1x16xf32> to vector<16xf32>
      %swap3A_52 = vector.shape_cast %broadcast_in_dim3A_47 : vector<16xf32> to vector<1x16xf32>
      tpu.vector_store %arg9[%swap3A_48, %swap3A_49], %swap3A_52 {strides = array<i32>} : memref<128x128xf32, #tpu.memory_space<vmem>>, vector<1x16xf32>,
      %broadcast_in_dim3A_53 = arith.constant 0.000000e+00 : f32
      %broadcast_in_dim3A_54 = vector.broadcast %broadcast_in_dim3A_53 : f32 to vector<16xf32>
      %swap3A_55 = arith.index_cast %add3A_40 : i32 to index
      %swap3A_56 = arith.constant 32 : index
      %swap3A_57 = tpu.vector_load %arg9[%swap3A_55, %swap3A_56] {strides = array<i32>} : memref<128x128xf32, #tpu.memory_space<vmem>>, vector<1x16xf32>,
      %swap3A_58 = vector.shape_cast %swap3A_57 : vector<1x16xf32> to vector<16xf32>
      %swap3A_59 = vector.shape_cast %broadcast_in_dim3A_54 : vector<16xf32> to vector<1x16xf32>
      tpu.vector_store %arg9[%swap3A_55, %swap3A_56], %swap3A_59 {strides = array<i32>} : memref<128x128xf32, #tpu.memory_space<vmem>>, vector<1x16xf32>,
      %broadcast_in_dim3A_60 = arith.constant 0.000000e+00 : f32
      %broadcast_in_dim3A_61 = vector.broadcast %broadcast_in_dim3A_60 : f32 to vector<16xf32>
      %swap3A_62 = arith.index_cast %add3A_40 : i32 to index
      %swap3A_63 = arith.constant 48 : index
      %swap3A_64 = tpu.vector_load %arg9[%swap3A_62, %swap3A_63] {strides = array<i32>} : memref<128x128xf32, #tpu.memory_space<vmem>>, vector<1x16xf32>,
      %swap3A_65 = vector.shape_cast %swap3A_64 : vector<1x16xf32> to vector<16xf32>
      %swap3A_66 = vector.shape_cast %broadcast_in_dim3A_61 : vector<16xf32> to vector<1x16xf32>
      tpu.vector_store %arg9[%swap3A_62, %swap3A_63], %swap3A_66 {strides = array<i32>} : memref<128x128xf32, #tpu.memory_space<vmem>>, vector<1x16xf32>,
      %broadcast_in_dim3A_67 = arith.constant 0.000000e+00 : f32
      %broadcast_in_dim3A_68 = vector.broadcast %broadcast_in_dim3A_67 : f32 to vector<16xf32>
      %swap3A_69 = arith.index_cast %add3A_40 : i32 to index
      %swap3A_70 = arith.constant 64 : index
      %swap3A_71 = tpu.vector_load %arg9[%swap3A_69, %swap3A_70] {strides = array<i32>} : memref<128x128xf32, #tpu.memory_space<vmem>>, vector<1x16xf32>,
      %swap3A_72 = vector.shape_cast %swap3A_71 : vector<1x16xf32> to vector<16xf32>
      %swap3A_73 = vector.shape_cast %broadcast_in_dim3A_68 : vector<16xf32> to vector<1x16xf32>
      tpu.vector_store %arg9[%swap3A_69, %swap3A_70], %swap3A_73 {strides = array<i32>} : memref<128x128xf32, #tpu.memory_space<vmem>>, vector<1x16xf32>,
      %broadcast_in_dim3A_74 = arith.constant 0.000000e+00 : f32
      %broadcast_in_dim3A_75 = vector.broadcast %broadcast_in_dim3A_74 : f32 to vector<16xf32>
      %swap3A_76 = arith.index_cast %add3A_40 : i32 to index
      %swap3A_77 = arith.constant 80 : index
      %swap3A_78 = tpu.vector_load %arg9[%swap3A_76, %swap3A_77] {strides = array<i32>} : memref<128x128xf32, #tpu.memory_space<vmem>>, vector<1x16xf32>,
      %swap3A_79 = vector.shape_cast %swap3A_78 : vector<1x16xf32> to vector<16xf32>
      %swap3A_80 = vector.shape_cast %broadcast_in_dim3A_75 : vector<16xf32> to vector<1x16xf32>
      tpu.vector_store %arg9[%swap3A_76, %swap3A_77], %swap3A_80 {strides = array<i32>} : memref<128x128xf32, #tpu.memory_space<vmem>>, vector<1x16xf32>,
      %broadcast_in_dim3A_81 = arith.constant 0.000000e+00 : f32
      %broadcast_in_dim3A_82 = vector.broadcast %broadcast_in_dim3A_81 : f32 to vector<16xf32>
      %swap3A_83 = arith.index_cast %add3A_40 : i32 to index
      %swap3A_84 = arith.constant 96 : index
      %swap3A_85 = tpu.vector_load %arg9[%swap3A_83, %swap3A_84] {strides = array<i32>} : memref<128x128xf32, #tpu.memory_space<vmem>>, vector<1x16xf32>,
      %swap3A_86 = vector.shape_cast %swap3A_85 : vector<1x16xf32> to vector<16xf32>
      %swap3A_87 = vector.shape_cast %broadcast_in_dim3A_82 : vector<16xf32> to vector<1x16xf32>
      tpu.vector_store %arg9[%swap3A_83, %swap3A_84], %swap3A_87 {strides = array<i32>} : memref<128x128xf32, #tpu.memory_space<vmem>>, vector<1x16xf32>,
      %broadcast_in_dim3A_88 = arith.constant 0.000000e+00 : f32
      %broadcast_in_dim3A_89 = vector.broadcast %broadcast_in_dim3A_88 : f32 to vector<16xf32>
      %swap3A_90 = arith.index_cast %add3A_40 : i32 to index
      %swap3A_91 = arith.constant 112 : index
      %swap3A_92 = tpu.vector_load %arg9[%swap3A_90, %swap3A_91] {strides = array<i32>} : memref<128x128xf32, #tpu.memory_space<vmem>>, vector<1x16xf32>,
      %swap3A_93 = vector.shape_cast %swap3A_92 : vector<1x16xf32> to vector<16xf32>
      %swap3A_94 = vector.shape_cast %broadcast_in_dim3A_89 : vector<16xf32> to vector<1x16xf32>
      tpu.vector_store %arg9[%swap3A_90, %swap3A_91], %swap3A_94 {strides = array<i32>} : memref<128x128xf32, #tpu.memory_space<vmem>>, vector<1x16xf32>,
    }
    %scan3A_4 = arith.constant 128 : i32
    %mul3A_5 = arith.constant 632 : i32
    %mul3A_6 = arith.muli %arg1, %mul3A_5 : i32
    %add3A_7 = arith.constant 0 : i32
    %add3A_8 = arith.addi %mul3A_6, %add3A_7 : i32
    "tpu.region"() ({
      %run_scoped3A = tpu.sem_alloc : memref<!tpu.dma_semaphore, #tpu.memory_space<semaphore_mem>>
      %dma_start3A_36 = arith.constant 0 : i32
      %dma_start3A_37 = tpu.memref_slice %arg6[%add3A_8, %dma_start3A_36] : memref<10112x128xf32, #tpu.memory_space<vmem_shared>> -> memref<128x128xf32, #tpu.memory_space<vmem_shared>>
      %dma_start3A_38 = arith.constant 0 : i32
      %dma_start3A_39 = tpu.memref_slice %arg6[%add3A_8, %dma_start3A_38] : memref<10112x128xf32, #tpu.memory_space<vmem_shared>> -> memref<128x128xf32, #tpu.memory_space<vmem_shared>>
      tpu.enqueue_dma source(%arg9 : memref<128x128xf32, #tpu.memory_space<vmem>>) target(%dma_start3A_39 : memref<128x128xf32, #tpu.memory_space<vmem_shared>>) target_semaphore(%run_scoped3A : memref<!tpu.dma_semaphore, #tpu.memory_space<semaphore_mem>>)
      %dma_wait3A = arith.constant 0 : i32
      %dma_wait3A_40 = tpu.memref_slice %arg6[%add3A_8, %dma_wait3A] : memref<10112x128xf32, #tpu.memory_space<vmem_shared>> -> memref<128x128xf32, #tpu.memory_space<vmem_shared>>
      %dma_wait3A_41 = arith.constant 0 : i32
      %dma_wait3A_42 = tpu.memref_slice %arg6[%add3A_8, %dma_wait3A_41] : memref<10112x128xf32, #tpu.memory_space<vmem_shared>> -> memref<128x128xf32, #tpu.memory_space<vmem_shared>>
      tpu.wait_dma2 semaphore(%run_scoped3A : memref<!tpu.dma_semaphore, #tpu.memory_space<semaphore_mem>>) src(%arg9 : memref<128x128xf32, #tpu.memory_space<vmem>>) dst(%dma_wait3A_42 : memref<128x128xf32, #tpu.memory_space<vmem_shared>>)
      tpu.yield
    }) : () -> ()
    %add3A_9 = arith.constant 128 : i32
    %add3A_10 = arith.addi %mul3A_6, %add3A_9 : i32
    "tpu.region"() ({
      %run_scoped3A = tpu.sem_alloc : memref<!tpu.dma_semaphore, #tpu.memory_space<semaphore_mem>>
      %dma_start3A_36 = arith.constant 0 : i32
      %dma_start3A_37 = tpu.memref_slice %arg6[%add3A_10, %dma_start3A_36] : memref<10112x128xf32, #tpu.memory_space<vmem_shared>> -> memref<128x128xf32, #tpu.memory_space<vmem_shared>>
      %dma_start3A_38 = arith.constant 0 : i32
      %dma_start3A_39 = tpu.memref_slice %arg6[%add3A_10, %dma_start3A_38] : memref<10112x128xf32, #tpu.memory_space<vmem_shared>> -> memref<128x128xf32, #tpu.memory_space<vmem_shared>>
      tpu.enqueue_dma source(%arg9 : memref<128x128xf32, #tpu.memory_space<vmem>>) target(%dma_start3A_39 : memref<128x128xf32, #tpu.memory_space<vmem_shared>>) target_semaphore(%run_scoped3A : memref<!tpu.dma_semaphore, #tpu.memory_space<semaphore_mem>>)
      %dma_wait3A = arith.constant 0 : i32
      %dma_wait3A_40 = tpu.memref_slice %arg6[%add3A_10, %dma_wait3A] : memref<10112x128xf32, #tpu.memory_space<vmem_shared>> -> memref<128x128xf32, #tpu.memory_space<vmem_shared>>
      %dma_wait3A_41 = arith.constant 0 : i32
      %dma_wait3A_42 = tpu.memref_slice %arg6[%add3A_10, %dma_wait3A_41] : memref<10112x128xf32, #tpu.memory_space<vmem_shared>> -> memref<128x128xf32, #tpu.memory_space<vmem_shared>>
      tpu.wait_dma2 semaphore(%run_scoped3A : memref<!tpu.dma_semaphore, #tpu.memory_space<semaphore_mem>>) src(%arg9 : memref<128x128xf32, #tpu.memory_space<vmem>>) dst(%dma_wait3A_42 : memref<128x128xf32, #tpu.memory_space<vmem_shared>>)
      tpu.yield
    }) : () -> ()
    %add3A_11 = arith.constant 256 : i32
    %add3A_12 = arith.addi %mul3A_6, %add3A_11 : i32
    "tpu.region"() ({
      %run_scoped3A = tpu.sem_alloc : memref<!tpu.dma_semaphore, #tpu.memory_space<semaphore_mem>>
      %dma_start3A_36 = arith.constant 0 : i32
      %dma_start3A_37 = tpu.memref_slice %arg6[%add3A_12, %dma_start3A_36] : memref<10112x128xf32, #tpu.memory_space<vmem_shared>> -> memref<128x128xf32, #tpu.memory_space<vmem_shared>>
      %dma_start3A_38 = arith.constant 0 : i32
      %dma_start3A_39 = tpu.memref_slice %arg6[%add3A_12, %dma_start3A_38] : memref<10112x128xf32, #tpu.memory_space<vmem_shared>> -> memref<128x128xf32, #tpu.memory_space<vmem_shared>>
      tpu.enqueue_dma source(%arg9 : memref<128x128xf32, #tpu.memory_space<vmem>>) target(%dma_start3A_39 : memref<128x128xf32, #tpu.memory_space<vmem_shared>>) target_semaphore(%run_scoped3A : memref<!tpu.dma_semaphore, #tpu.memory_space<semaphore_mem>>)
      %dma_wait3A = arith.constant 0 : i32
      %dma_wait3A_40 = tpu.memref_slice %arg6[%add3A_12, %dma_wait3A] : memref<10112x128xf32, #tpu.memory_space<vmem_shared>> -> memref<128x128xf32, #tpu.memory_space<vmem_shared>>
      %dma_wait3A_41 = arith.constant 0 : i32
      %dma_wait3A_42 = tpu.memref_slice %arg6[%add3A_12, %dma_wait3A_41] : memref<10112x128xf32, #tpu.memory_space<vmem_shared>> -> memref<128x128xf32, #tpu.memory_space<vmem_shared>>
      tpu.wait_dma2 semaphore(%run_scoped3A : memref<!tpu.dma_semaphore, #tpu.memory_space<semaphore_mem>>) src(%arg9 : memref<128x128xf32, #tpu.memory_space<vmem>>) dst(%dma_wait3A_42 : memref<128x128xf32, #tpu.memory_space<vmem_shared>>)
      tpu.yield
    }) : () -> ()
    %add3A_13 = arith.constant 384 : i32
    %add3A_14 = arith.addi %mul3A_6, %add3A_13 : i32
    "tpu.region"() ({
      %run_scoped3A = tpu.sem_alloc : memref<!tpu.dma_semaphore, #tpu.memory_space<semaphore_mem>>
      %dma_start3A_36 = arith.constant 0 : i32
      %dma_start3A_37 = tpu.memref_slice %arg6[%add3A_14, %dma_start3A_36] : memref<10112x128xf32, #tpu.memory_space<vmem_shared>> -> memref<128x128xf32, #tpu.memory_space<vmem_shared>>
      %dma_start3A_38 = arith.constant 0 : i32
      %dma_start3A_39 = tpu.memref_slice %arg6[%add3A_14, %dma_start3A_38] : memref<10112x128xf32, #tpu.memory_space<vmem_shared>> -> memref<128x128xf32, #tpu.memory_space<vmem_shared>>
      tpu.enqueue_dma source(%arg9 : memref<128x128xf32, #tpu.memory_space<vmem>>) target(%dma_start3A_39 : memref<128x128xf32, #tpu.memory_space<vmem_shared>>) target_semaphore(%run_scoped3A : memref<!tpu.dma_semaphore, #tpu.memory_space<semaphore_mem>>)
      %dma_wait3A = arith.constant 0 : i32
      %dma_wait3A_40 = tpu.memref_slice %arg6[%add3A_14, %dma_wait3A] : memref<10112x128xf32, #tpu.memory_space<vmem_shared>> -> memref<128x128xf32, #tpu.memory_space<vmem_shared>>
      %dma_wait3A_41 = arith.constant 0 : i32
      %dma_wait3A_42 = tpu.memref_slice %arg6[%add3A_14, %dma_wait3A_41] : memref<10112x128xf32, #tpu.memory_space<vmem_shared>> -> memref<128x128xf32, #tpu.memory_space<vmem_shared>>
      tpu.wait_dma2 semaphore(%run_scoped3A : memref<!tpu.dma_semaphore, #tpu.memory_space<semaphore_mem>>) src(%arg9 : memref<128x128xf32, #tpu.memory_space<vmem>>) dst(%dma_wait3A_42 : memref<128x128xf32, #tpu.memory_space<vmem_shared>>)
      tpu.yield
    }) : () -> ()
    %add3A_15 = arith.constant 504 : i32
    %add3A_16 = arith.addi %mul3A_6, %add3A_15 : i32
    "tpu.region"() ({
      %run_scoped3A = tpu.sem_alloc : memref<!tpu.dma_semaphore, #tpu.memory_space<semaphore_mem>>
      %dma_start3A_36 = arith.constant 0 : i32
      %dma_start3A_37 = tpu.memref_slice %arg6[%add3A_16, %dma_start3A_36] : memref<10112x128xf32, #tpu.memory_space<vmem_shared>> -> memref<128x128xf32, #tpu.memory_space<vmem_shared>>
      %dma_start3A_38 = arith.constant 0 : i32
      %dma_start3A_39 = tpu.memref_slice %arg6[%add3A_16, %dma_start3A_38] : memref<10112x128xf32, #tpu.memory_space<vmem_shared>> -> memref<128x128xf32, #tpu.memory_space<vmem_shared>>
      tpu.enqueue_dma source(%arg9 : memref<128x128xf32, #tpu.memory_space<vmem>>) target(%dma_start3A_39 : memref<128x128xf32, #tpu.memory_space<vmem_shared>>) target_semaphore(%run_scoped3A : memref<!tpu.dma_semaphore, #tpu.memory_space<semaphore_mem>>)
      %dma_wait3A = arith.constant 0 : i32
      %dma_wait3A_40 = tpu.memref_slice %arg6[%add3A_16, %dma_wait3A] : memref<10112x128xf32, #tpu.memory_space<vmem_shared>> -> memref<128x128xf32, #tpu.memory_space<vmem_shared>>
      %dma_wait3A_41 = arith.constant 0 : i32
      %dma_wait3A_42 = tpu.memref_slice %arg6[%add3A_16, %dma_wait3A_41] : memref<10112x128xf32, #tpu.memory_space<vmem_shared>> -> memref<128x128xf32, #tpu.memory_space<vmem_shared>>
      tpu.wait_dma2 semaphore(%run_scoped3A : memref<!tpu.dma_semaphore, #tpu.memory_space<semaphore_mem>>) src(%arg9 : memref<128x128xf32, #tpu.memory_space<vmem>>) dst(%dma_wait3A_42 : memref<128x128xf32, #tpu.memory_space<vmem_shared>>)
      tpu.yield
    }) : () -> ()
    %barrier3A = arith.constant 0 : index
    tpu.barrier barrier_id(%barrier3A)
    %mul3A_17 = arith.constant 80 : i32
    %mul3A_18 = arith.muli %add3A, %mul3A_17 : i32
    %add3A_19 = arith.constant 0 : i32
    %add3A_20 = arith.addi %mul3A_18, %add3A_19 : i32
    "tpu.region"() ({
      %run_scoped3A = tpu.sem_alloc : memref<!tpu.dma_semaphore, #tpu.memory_space<semaphore_mem>>
      %dma_start3A_36 = arith.constant 0 : i32
      %dma_start3A_37 = tpu.memref_slice %arg3[%add3A_20, %dma_start3A_36] : memref<2560x128xi32, #tpu.memory_space<hbm>> -> memref<16x128xi32, #tpu.memory_space<hbm>>
      %dma_start3A_38 = arith.constant 0 : i32
      %dma_start3A_39 = tpu.memref_slice %arg3[%add3A_20, %dma_start3A_38] : memref<2560x128xi32, #tpu.memory_space<hbm>> -> memref<16x128xi32, #tpu.memory_space<hbm>>
      tpu.enqueue_dma source(%dma_start3A_39 : memref<16x128xi32, #tpu.memory_space<hbm>>) target(%arg7 : memref<16x128xi32, #tpu.memory_space<vmem>>) target_semaphore(%run_scoped3A : memref<!tpu.dma_semaphore, #tpu.memory_space<semaphore_mem>>)
      %dma_wait3A = arith.constant 0 : i32
      %dma_wait3A_40 = tpu.memref_slice %arg3[%add3A_20, %dma_wait3A] : memref<2560x128xi32, #tpu.memory_space<hbm>> -> memref<16x128xi32, #tpu.memory_space<hbm>>
      %dma_wait3A_41 = arith.constant 0 : i32
      %dma_wait3A_42 = tpu.memref_slice %arg3[%add3A_20, %dma_wait3A_41] : memref<2560x128xi32, #tpu.memory_space<hbm>> -> memref<16x128xi32, #tpu.memory_space<hbm>>
      tpu.wait_dma2 semaphore(%run_scoped3A : memref<!tpu.dma_semaphore, #tpu.memory_space<semaphore_mem>>) src(%dma_wait3A_42 : memref<16x128xi32, #tpu.memory_space<hbm>>) dst(%arg7 : memref<16x128xi32, #tpu.memory_space<vmem>>)
      tpu.yield
    }) : () -> ()
    "tpu.region"() ({
      %run_scoped3A = tpu.sem_alloc : memref<!tpu.dma_semaphore, #tpu.memory_space<semaphore_mem>>
      %dma_start3A_36 = arith.constant 0 : i32
      %dma_start3A_37 = tpu.memref_slice %arg4[%add3A_20, %dma_start3A_36] : memref<2560x128xi32, #tpu.memory_space<hbm>> -> memref<16x128xi32, #tpu.memory_space<hbm>>
      %dma_start3A_38 = arith.constant 0 : i32
      %dma_start3A_39 = tpu.memref_slice %arg4[%add3A_20, %dma_start3A_38] : memref<2560x128xi32, #tpu.memory_space<hbm>> -> memref<16x128xi32, #tpu.memory_space<hbm>>
      tpu.enqueue_dma source(%dma_start3A_39 : memref<16x128xi32, #tpu.memory_space<hbm>>) target(%arg8 : memref<16x128xi32, #tpu.memory_space<vmem>>) target_semaphore(%run_scoped3A : memref<!tpu.dma_semaphore, #tpu.memory_space<semaphore_mem>>)
      %dma_wait3A = arith.constant 0 : i32
      %dma_wait3A_40 = tpu.memref_slice %arg4[%add3A_20, %dma_wait3A] : memref<2560x128xi32, #tpu.memory_space<hbm>> -> memref<16x128xi32, #tpu.memory_space<hbm>>
      %dma_wait3A_41 = arith.constant 0 : i32
      %dma_wait3A_42 = tpu.memref_slice %arg4[%add3A_20, %dma_wait3A_41] : memref<2560x128xi32, #tpu.memory_space<hbm>> -> memref<16x128xi32, #tpu.memory_space<hbm>>
      tpu.wait_dma2 semaphore(%run_scoped3A : memref<!tpu.dma_semaphore, #tpu.memory_space<semaphore_mem>>) src(%dma_wait3A_42 : memref<16x128xi32, #tpu.memory_space<hbm>>) dst(%arg8 : memref<16x128xi32, #tpu.memory_space<vmem>>)
      tpu.yield
    }) : () -> ()
    %dma_start3A = arith.constant 0 : i32
    %dma_start3A_21 = arith.constant 0 : i32
    %dma_start3A_22 = tpu.memref_slice %arg7[%dma_start3A, %dma_start3A_21] : memref<16x128xi32, #tpu.memory_space<vmem>> -> memref<1x128xi32, #tpu.memory_space<vmem>>
    %dma_start3A_23 = tpu.memref_squeeze %dma_start3A_22 : memref<1x128xi32, #tpu.memory_space<vmem>> -> memref<128xi32, #tpu.memory_space<vmem>>
    %dma_start3A_24 = arith.constant 0 : i32
    %dma_start3A_25 = arith.constant 0 : i32
    %dma_start3A_26 = tpu.memref_slice %arg2[%dma_start3A_24, %dma_start3A_25] : memref<10000x128xf32, #tpu.memory_space<hbm>> -> memref<10000x128xf32, #tpu.memory_space<hbm>>
    tpu.enqueue_indirect_dma source(%dma_start3A_26 : memref<10000x128xf32, #tpu.memory_space<hbm>>) target(%arg9 : memref<128x128xf32, #tpu.memory_space<vmem>>) offsets(%dma_start3A_23 : memref<128xi32, #tpu.memory_space<vmem>>) semaphore(%arg11 : memref<!tpu.dma_semaphore, #tpu.memory_space<semaphore_mem>>)
    %scan3A_27 = arith.constant 0 : i32
    %scan3A_28 = arith.constant 5 : i32
    %scan3A_29 = arith.addi %scan3A_27, %scan3A_28 : i32
    %scan3A_30 = arith.constant 1 : i32
    scf.for %scan3A_36 = %scan3A_27 to %scan3A_29 step %scan3A_30  : i32 {
      %mul3A_37 = arith.constant 1 : i32
      %mul3A_38 = arith.muli %scan3A_36, %mul3A_37 : i32
      %add3A_39 = arith.constant 0 : i32
      %add3A_40 = arith.addi %add3A_39, %mul3A_38 : i32
      %scan3A_41 = arith.constant 0 : i32
      %scan3A_42 = arith.constant 7 : i32
      %scan3A_43 = arith.addi %scan3A_41, %scan3A_42 : i32
      %scan3A_44 = arith.constant 1 : i32
      scf.for %scan3A_69 = %scan3A_41 to %scan3A_43 step %scan3A_44  : i32 {
        %mul3A_70 = arith.constant 1 : i32
        %mul3A_71 = arith.muli %scan3A_69, %mul3A_70 : i32
        %add3A_72 = arith.constant 0 : i32
        %add3A_73 = arith.addi %add3A_72, %mul3A_71 : i32
        %dma_wait3A_74 = arith.constant 0 : i32
        %dma_wait3A_75 = arith.constant 0 : i32
        %dma_wait3A_76 = tpu.memref_slice %arg7[%dma_wait3A_74, %dma_wait3A_75] : memref<16x128xi32, #tpu.memory_space<vmem>> -> memref<1x128xi32, #tpu.memory_space<vmem>>
        %dma_wait3A_77 = tpu.memref_squeeze %dma_wait3A_76 : memref<1x128xi32, #tpu.memory_space<vmem>> -> memref<128xi32, #tpu.memory_space<vmem>>
        %dma_wait3A_78 = arith.constant 0 : i32
        %dma_wait3A_79 = arith.constant 0 : i32
        %dma_wait3A_80 = tpu.memref_slice %arg2[%dma_wait3A_78, %dma_wait3A_79] : memref<10000x128xf32, #tpu.memory_space<hbm>> -> memref<10000x128xf32, #tpu.memory_space<hbm>>
        tpu.wait_indirect_dma semaphore(%arg11 : memref<!tpu.dma_semaphore, #tpu.memory_space<semaphore_mem>>) src(%dma_wait3A_80 : memref<10000x128xf32, #tpu.memory_space<hbm>>) dst(%arg9 : memref<128x128xf32, #tpu.memory_space<vmem>>)
        %mul3A_81 = arith.constant 2 : i32
        %mul3A_82 = arith.muli %mul3A_81, %add3A_73 : i32
        %add3A_83 = arith.constant 1 : i32
        %add3A_84 = arith.addi %mul3A_82, %add3A_83 : i32
        %dma_start3A_85 = arith.constant 0 : i32
        %dma_start3A_86 = tpu.memref_slice %arg7[%add3A_84, %dma_start3A_85] : memref<16x128xi32, #tpu.memory_space<vmem>> -> memref<1x128xi32, #tpu.memory_space<vmem>>
        %dma_start3A_87 = tpu.memref_squeeze %dma_start3A_86 : memref<1x128xi32, #tpu.memory_space<vmem>> -> memref<128xi32, #tpu.memory_space<vmem>>
        %dma_start3A_88 = arith.constant 0 : i32
        %dma_start3A_89 = arith.constant 0 : i32
        %dma_start3A_90 = tpu.memref_slice %arg2[%dma_start3A_88, %dma_start3A_89] : memref<10000x128xf32, #tpu.memory_space<hbm>> -> memref<10000x128xf32, #tpu.memory_space<hbm>>
        tpu.enqueue_indirect_dma source(%dma_start3A_90 : memref<10000x128xf32, #tpu.memory_space<hbm>>) target(%arg10 : memref<128x128xf32, #tpu.memory_space<vmem>>) offsets(%dma_start3A_87 : memref<128xi32, #tpu.memory_space<vmem>>) semaphore(%arg12 : memref<!tpu.dma_semaphore, #tpu.memory_space<semaphore_mem>>)
        %mul3A_91 = arith.constant 2 : i32
        %mul3A_92 = arith.muli %mul3A_91, %add3A_73 : i32
        "tpu.region"() ({
          %run_scoped3A_114 = tpu.sem_alloc : memref<!tpu.dma_semaphore, #tpu.memory_space<semaphore_mem>>
          %dma_start3A_115 = arith.constant 0 : i32
          %dma_start3A_116 = tpu.memref_slice %arg8[%mul3A_92, %dma_start3A_115] : memref<16x128xi32, #tpu.memory_space<vmem>> -> memref<1x128xi32, #tpu.memory_space<vmem>>
          %dma_start3A_117 = tpu.memref_squeeze %dma_start3A_116 : memref<1x128xi32, #tpu.memory_space<vmem>> -> memref<128xi32, #tpu.memory_space<vmem>>
          %dma_start3A_118 = arith.constant 0 : i32
          %dma_start3A_119 = arith.constant 0 : i32
          %dma_start3A_120 = tpu.memref_slice %arg6[%dma_start3A_118, %dma_start3A_119] : memref<10112x128xf32, #tpu.memory_space<vmem_shared>> -> memref<10112x128xf32, #tpu.memory_space<vmem_shared>>
          tpu.enqueue_indirect_dma source(%arg9 : memref<128x128xf32, #tpu.memory_space<vmem>>) target(%dma_start3A_120 : memref<10112x128xf32, #tpu.memory_space<vmem_shared>>) offsets(%dma_start3A_117 : memref<128xi32, #tpu.memory_space<vmem>>) semaphore(%run_scoped3A_114 : memref<!tpu.dma_semaphore, #tpu.memory_space<semaphore_mem>>) {add = true}
          %dma_wait3A_121 = arith.constant 0 : i32
          %dma_wait3A_122 = tpu.memref_slice %arg8[%mul3A_92, %dma_wait3A_121] : memref<16x128xi32, #tpu.memory_space<vmem>> -> memref<1x128xi32, #tpu.memory_space<vmem>>
          %dma_wait3A_123 = tpu.memref_squeeze %dma_wait3A_122 : memref<1x128xi32, #tpu.memory_space<vmem>> -> memref<128xi32, #tpu.memory_space<vmem>>
          %dma_wait3A_124 = arith.constant 0 : i32
          %dma_wait3A_125 = arith.constant 0 : i32
          %dma_wait3A_126 = tpu.memref_slice %arg6[%dma_wait3A_124, %dma_wait3A_125] : memref<10112x128xf32, #tpu.memory_space<vmem_shared>> -> memref<10112x128xf32, #tpu.memory_space<vmem_shared>>
          tpu.wait_indirect_dma semaphore(%run_scoped3A_114 : memref<!tpu.dma_semaphore, #tpu.memory_space<semaphore_mem>>) src(%arg9 : memref<128x128xf32, #tpu.memory_space<vmem>>) dst(%dma_wait3A_126 : memref<10112x128xf32, #tpu.memory_space<vmem_shared>>)
          tpu.yield
        }) : () -> ()
        %dma_wait3A_93 = arith.constant 0 : i32
        %dma_wait3A_94 = arith.constant 0 : i32
        %dma_wait3A_95 = tpu.memref_slice %arg7[%dma_wait3A_93, %dma_wait3A_94] : memref<16x128xi32, #tpu.memory_space<vmem>> -> memref<1x128xi32, #tpu.memory_space<vmem>>
        %dma_wait3A_96 = tpu.memref_squeeze %dma_wait3A_95 : memref<1x128xi32, #tpu.memory_space<vmem>> -> memref<128xi32, #tpu.memory_space<vmem>>
        %dma_wait3A_97 = arith.constant 0 : i32
        %dma_wait3A_98 = arith.constant 0 : i32
        %dma_wait3A_99 = tpu.memref_slice %arg2[%dma_wait3A_97, %dma_wait3A_98] : memref<10000x128xf32, #tpu.memory_space<hbm>> -> memref<10000x128xf32, #tpu.memory_space<hbm>>
        tpu.wait_indirect_dma semaphore(%arg12 : memref<!tpu.dma_semaphore, #tpu.memory_space<semaphore_mem>>) src(%dma_wait3A_99 : memref<10000x128xf32, #tpu.memory_space<hbm>>) dst(%arg10 : memref<128x128xf32, #tpu.memory_space<vmem>>)
        %mul3A_100 = arith.constant 2 : i32
        %mul3A_101 = arith.muli %mul3A_100, %add3A_73 : i32
        %add3A_102 = arith.constant 2 : i32
        %add3A_103 = arith.addi %mul3A_101, %add3A_102 : i32
        %dma_start3A_104 = arith.constant 0 : i32
        %dma_start3A_105 = tpu.memref_slice %arg7[%add3A_103, %dma_start3A_104] : memref<16x128xi32, #tpu.memory_space<vmem>> -> memref<1x128xi32, #tpu.memory_space<vmem>>
        %dma_start3A_106 = tpu.memref_squeeze %dma_start3A_105 : memref<1x128xi32, #tpu.memory_space<vmem>> -> memref<128xi32, #tpu.memory_space<vmem>>
        %dma_start3A_107 = arith.constant 0 : i32
        %dma_start3A_108 = arith.constant 0 : i32
        %dma_start3A_109 = tpu.memref_slice %arg2[%dma_start3A_107, %dma_start3A_108] : memref<10000x128xf32, #tpu.memory_space<hbm>> -> memref<10000x128xf32, #tpu.memory_space<hbm>>
        tpu.enqueue_indirect_dma source(%dma_start3A_109 : memref<10000x128xf32, #tpu.memory_space<hbm>>) target(%arg9 : memref<128x128xf32, #tpu.memory_space<vmem>>) offsets(%dma_start3A_106 : memref<128xi32, #tpu.memory_space<vmem>>) semaphore(%arg11 : memref<!tpu.dma_semaphore, #tpu.memory_space<semaphore_mem>>)
        %mul3A_110 = arith.constant 2 : i32
        %mul3A_111 = arith.muli %mul3A_110, %add3A_73 : i32
        %add3A_112 = arith.constant 1 : i32
        %add3A_113 = arith.addi %mul3A_111, %add3A_112 : i32
        "tpu.region"() ({
          %run_scoped3A_114 = tpu.sem_alloc : memref<!tpu.dma_semaphore, #tpu.memory_space<semaphore_mem>>
          %dma_start3A_115 = arith.constant 0 : i32
          %dma_start3A_116 = tpu.memref_slice %arg8[%add3A_113, %dma_start3A_115] : memref<16x128xi32, #tpu.memory_space<vmem>> -> memref<1x128xi32, #tpu.memory_space<vmem>>
          %dma_start3A_117 = tpu.memref_squeeze %dma_start3A_116 : memref<1x128xi32, #tpu.memory_space<vmem>> -> memref<128xi32, #tpu.memory_space<vmem>>
          %dma_start3A_118 = arith.constant 0 : i32
          %dma_start3A_119 = arith.constant 0 : i32
          %dma_start3A_120 = tpu.memref_slice %arg6[%dma_start3A_118, %dma_start3A_119] : memref<10112x128xf32, #tpu.memory_space<vmem_shared>> -> memref<10112x128xf32, #tpu.memory_space<vmem_shared>>
          tpu.enqueue_indirect_dma source(%arg10 : memref<128x128xf32, #tpu.memory_space<vmem>>) target(%dma_start3A_120 : memref<10112x128xf32, #tpu.memory_space<vmem_shared>>) offsets(%dma_start3A_117 : memref<128xi32, #tpu.memory_space<vmem>>) semaphore(%run_scoped3A_114 : memref<!tpu.dma_semaphore, #tpu.memory_space<semaphore_mem>>) {add = true}
          %dma_wait3A_121 = arith.constant 0 : i32
          %dma_wait3A_122 = tpu.memref_slice %arg8[%add3A_113, %dma_wait3A_121] : memref<16x128xi32, #tpu.memory_space<vmem>> -> memref<1x128xi32, #tpu.memory_space<vmem>>
          %dma_wait3A_123 = tpu.memref_squeeze %dma_wait3A_122 : memref<1x128xi32, #tpu.memory_space<vmem>> -> memref<128xi32, #tpu.memory_space<vmem>>
          %dma_wait3A_124 = arith.constant 0 : i32
          %dma_wait3A_125 = arith.constant 0 : i32
          %dma_wait3A_126 = tpu.memref_slice %arg6[%dma_wait3A_124, %dma_wait3A_125] : memref<10112x128xf32, #tpu.memory_space<vmem_shared>> -> memref<10112x128xf32, #tpu.memory_space<vmem_shared>>
          tpu.wait_indirect_dma semaphore(%run_scoped3A_114 : memref<!tpu.dma_semaphore, #tpu.memory_space<semaphore_mem>>) src(%arg10 : memref<128x128xf32, #tpu.memory_space<vmem>>) dst(%dma_wait3A_126 : memref<10112x128xf32, #tpu.memory_space<vmem_shared>>)
          tpu.yield
        }) : () -> ()
      }
      %scan3A_45 = arith.constant 7 : i32
      %dma_wait3A = arith.constant 0 : i32
      %dma_wait3A_46 = arith.constant 0 : i32
      %dma_wait3A_47 = tpu.memref_slice %arg7[%dma_wait3A, %dma_wait3A_46] : memref<16x128xi32, #tpu.memory_space<vmem>> -> memref<1x128xi32, #tpu.memory_space<vmem>>
      %dma_wait3A_48 = tpu.memref_squeeze %dma_wait3A_47 : memref<1x128xi32, #tpu.memory_space<vmem>> -> memref<128xi32, #tpu.memory_space<vmem>>
      %dma_wait3A_49 = arith.constant 0 : i32
      %dma_wait3A_50 = arith.constant 0 : i32
      %dma_wait3A_51 = tpu.memref_slice %arg2[%dma_wait3A_49, %dma_wait3A_50] : memref<10000x128xf32, #tpu.memory_space<hbm>> -> memref<10000x128xf32, #tpu.memory_space<hbm>>
      tpu.wait_indirect_dma semaphore(%arg11 : memref<!tpu.dma_semaphore, #tpu.memory_space<semaphore_mem>>) src(%dma_wait3A_51 : memref<10000x128xf32, #tpu.memory_space<hbm>>) dst(%arg9 : memref<128x128xf32, #tpu.memory_space<vmem>>)
      %dma_start3A_52 = arith.constant 15 : i32
      %dma_start3A_53 = arith.constant 0 : i32
      %dma_start3A_54 = tpu.memref_slice %arg7[%dma_start3A_52, %dma_start3A_53] : memref<16x128xi32, #tpu.memory_space<vmem>> -> memref<1x128xi32, #tpu.memory_space<vmem>>
      %dma_start3A_55 = tpu.memref_squeeze %dma_start3A_54 : memref<1x128xi32, #tpu.memory_space<vmem>> -> memref<128xi32, #tpu.memory_space<vmem>>
      %dma_start3A_56 = arith.constant 0 : i32
      %dma_start3A_57 = arith.constant 0 : i32
      %dma_start3A_58 = tpu.memref_slice %arg2[%dma_start3A_56, %dma_start3A_57] : memref<10000x128xf32, #tpu.memory_space<hbm>> -> memref<10000x128xf32, #tpu.memory_space<hbm>>
      tpu.enqueue_indirect_dma source(%dma_start3A_58 : memref<10000x128xf32, #tpu.memory_space<hbm>>) target(%arg10 : memref<128x128xf32, #tpu.memory_space<vmem>>) offsets(%dma_start3A_55 : memref<128xi32, #tpu.memory_space<vmem>>) semaphore(%arg12 : memref<!tpu.dma_semaphore, #tpu.memory_space<semaphore_mem>>)
      %run_scoped3A = arith.constant 14 : i32
      "tpu.region"() ({
        %run_scoped3A_69 = tpu.sem_alloc : memref<!tpu.dma_semaphore, #tpu.memory_space<semaphore_mem>>
        %dma_start3A_70 = arith.constant 0 : i32
        %dma_start3A_71 = tpu.memref_slice %arg8[%run_scoped3A, %dma_start3A_70] : memref<16x128xi32, #tpu.memory_space<vmem>> -> memref<1x128xi32, #tpu.memory_space<vmem>>
        %dma_start3A_72 = tpu.memref_squeeze %dma_start3A_71 : memref<1x128xi32, #tpu.memory_space<vmem>> -> memref<128xi32, #tpu.memory_space<vmem>>
        %dma_start3A_73 = arith.constant 0 : i32
        %dma_start3A_74 = arith.constant 0 : i32
        %dma_start3A_75 = tpu.memref_slice %arg6[%dma_start3A_73, %dma_start3A_74] : memref<10112x128xf32, #tpu.memory_space<vmem_shared>> -> memref<10112x128xf32, #tpu.memory_space<vmem_shared>>
        tpu.enqueue_indirect_dma source(%arg9 : memref<128x128xf32, #tpu.memory_space<vmem>>) target(%dma_start3A_75 : memref<10112x128xf32, #tpu.memory_space<vmem_shared>>) offsets(%dma_start3A_72 : memref<128xi32, #tpu.memory_space<vmem>>) semaphore(%run_scoped3A_69 : memref<!tpu.dma_semaphore, #tpu.memory_space<semaphore_mem>>) {add = true}
        %dma_wait3A_76 = arith.constant 0 : i32
        %dma_wait3A_77 = tpu.memref_slice %arg8[%run_scoped3A, %dma_wait3A_76] : memref<16x128xi32, #tpu.memory_space<vmem>> -> memref<1x128xi32, #tpu.memory_space<vmem>>
        %dma_wait3A_78 = tpu.memref_squeeze %dma_wait3A_77 : memref<1x128xi32, #tpu.memory_space<vmem>> -> memref<128xi32, #tpu.memory_space<vmem>>
        %dma_wait3A_79 = arith.constant 0 : i32
        %dma_wait3A_80 = arith.constant 0 : i32
        %dma_wait3A_81 = tpu.memref_slice %arg6[%dma_wait3A_79, %dma_wait3A_80] : memref<10112x128xf32, #tpu.memory_space<vmem_shared>> -> memref<10112x128xf32, #tpu.memory_space<vmem_shared>>
        tpu.wait_indirect_dma semaphore(%run_scoped3A_69 : memref<!tpu.dma_semaphore, #tpu.memory_space<semaphore_mem>>) src(%arg9 : memref<128x128xf32, #tpu.memory_space<vmem>>) dst(%dma_wait3A_81 : memref<10112x128xf32, #tpu.memory_space<vmem_shared>>)
        tpu.yield
      }) : () -> ()
      %dma_wait3A_59 = arith.constant 0 : i32
      %dma_wait3A_60 = arith.constant 0 : i32
      %dma_wait3A_61 = tpu.memref_slice %arg7[%dma_wait3A_59, %dma_wait3A_60] : memref<16x128xi32, #tpu.memory_space<vmem>> -> memref<1x128xi32, #tpu.memory_space<vmem>>
      %dma_wait3A_62 = tpu.memref_squeeze %dma_wait3A_61 : memref<1x128xi32, #tpu.memory_space<vmem>> -> memref<128xi32, #tpu.memory_space<vmem>>
      %dma_wait3A_63 = arith.constant 0 : i32
      %dma_wait3A_64 = arith.constant 0 : i32
      %dma_wait3A_65 = tpu.memref_slice %arg2[%dma_wait3A_63, %dma_wait3A_64] : memref<10000x128xf32, #tpu.memory_space<hbm>> -> memref<10000x128xf32, #tpu.memory_space<hbm>>
      tpu.wait_indirect_dma semaphore(%arg12 : memref<!tpu.dma_semaphore, #tpu.memory_space<semaphore_mem>>) src(%dma_wait3A_65 : memref<10000x128xf32, #tpu.memory_space<hbm>>) dst(%arg10 : memref<128x128xf32, #tpu.memory_space<vmem>>)
      %run_scoped3A_66 = arith.constant 15 : i32
      "tpu.region"() ({
        %run_scoped3A_69 = tpu.sem_alloc : memref<!tpu.dma_semaphore, #tpu.memory_space<semaphore_mem>>
        %dma_start3A_70 = arith.constant 0 : i32
        %dma_start3A_71 = tpu.memref_slice %arg8[%run_scoped3A_66, %dma_start3A_70] : memref<16x128xi32, #tpu.memory_space<vmem>> -> memref<1x128xi32, #tpu.memory_space<vmem>>
        %dma_start3A_72 = tpu.memref_squeeze %dma_start3A_71 : memref<1x128xi32, #tpu.memory_space<vmem>> -> memref<128xi32, #tpu.memory_space<vmem>>
        %dma_start3A_73 = arith.constant 0 : i32
        %dma_start3A_74 = arith.constant 0 : i32
        %dma_start3A_75 = tpu.memref_slice %arg6[%dma_start3A_73, %dma_start3A_74] : memref<10112x128xf32, #tpu.memory_space<vmem_shared>> -> memref<10112x128xf32, #tpu.memory_space<vmem_shared>>
        tpu.enqueue_indirect_dma source(%arg10 : memref<128x128xf32, #tpu.memory_space<vmem>>) target(%dma_start3A_75 : memref<10112x128xf32, #tpu.memory_space<vmem_shared>>) offsets(%dma_start3A_72 : memref<128xi32, #tpu.memory_space<vmem>>) semaphore(%run_scoped3A_69 : memref<!tpu.dma_semaphore, #tpu.memory_space<semaphore_mem>>) {add = true}
        %dma_wait3A_76 = arith.constant 0 : i32
        %dma_wait3A_77 = tpu.memref_slice %arg8[%run_scoped3A_66, %dma_wait3A_76] : memref<16x128xi32, #tpu.memory_space<vmem>> -> memref<1x128xi32, #tpu.memory_space<vmem>>
        %dma_wait3A_78 = tpu.memref_squeeze %dma_wait3A_77 : memref<1x128xi32, #tpu.memory_space<vmem>> -> memref<128xi32, #tpu.memory_space<vmem>>
        %dma_wait3A_79 = arith.constant 0 : i32
        %dma_wait3A_80 = arith.constant 0 : i32
        %dma_wait3A_81 = tpu.memref_slice %arg6[%dma_wait3A_79, %dma_wait3A_80] : memref<10112x128xf32, #tpu.memory_space<vmem_shared>> -> memref<10112x128xf32, #tpu.memory_space<vmem_shared>>
        tpu.wait_indirect_dma semaphore(%run_scoped3A_69 : memref<!tpu.dma_semaphore, #tpu.memory_space<semaphore_mem>>) src(%arg10 : memref<128x128xf32, #tpu.memory_space<vmem>>) dst(%dma_wait3A_81 : memref<10112x128xf32, #tpu.memory_space<vmem_shared>>)
        tpu.yield
      }) : () -> ()
      %lt3A = arith.constant 4 : i32
      %lt3A_67 = arith.cmpi slt, %add3A_40, %lt3A : i32
      %convert_element_type3A = arith.extui %lt3A_67 : i1 to i32
      %cond3A = arith.constant 0 : i32
      %cond3A_68 = arith.cmpi ne, %convert_element_type3A, %cond3A : i32
      scf.if %cond3A_68 {
        %add3A_69 = arith.constant 1 : i32
        %add3A_70 = arith.addi %add3A_40, %add3A_69 : i32
        %mul3A_71 = arith.constant 80 : i32
        %mul3A_72 = arith.muli %add3A, %mul3A_71 : i32
        %mul3A_73 = arith.constant 16 : i32
        %mul3A_74 = arith.muli %add3A_70, %mul3A_73 : i32
        %add3A_75 = arith.addi %mul3A_72, %mul3A_74 : i32
        "tpu.region"() ({
          %run_scoped3A_83 = tpu.sem_alloc : memref<!tpu.dma_semaphore, #tpu.memory_space<semaphore_mem>>
          %dma_start3A_84 = arith.constant 0 : i32
          %dma_start3A_85 = tpu.memref_slice %arg3[%add3A_75, %dma_start3A_84] : memref<2560x128xi32, #tpu.memory_space<hbm>> -> memref<16x128xi32, #tpu.memory_space<hbm>>
          %dma_start3A_86 = arith.constant 0 : i32
          %dma_start3A_87 = tpu.memref_slice %arg3[%add3A_75, %dma_start3A_86] : memref<2560x128xi32, #tpu.memory_space<hbm>> -> memref<16x128xi32, #tpu.memory_space<hbm>>
          tpu.enqueue_dma source(%dma_start3A_87 : memref<16x128xi32, #tpu.memory_space<hbm>>) target(%arg7 : memref<16x128xi32, #tpu.memory_space<vmem>>) target_semaphore(%run_scoped3A_83 : memref<!tpu.dma_semaphore, #tpu.memory_space<semaphore_mem>>)
          %dma_wait3A_88 = arith.constant 0 : i32
          %dma_wait3A_89 = tpu.memref_slice %arg3[%add3A_75, %dma_wait3A_88] : memref<2560x128xi32, #tpu.memory_space<hbm>> -> memref<16x128xi32, #tpu.memory_space<hbm>>
          %dma_wait3A_90 = arith.constant 0 : i32
          %dma_wait3A_91 = tpu.memref_slice %arg3[%add3A_75, %dma_wait3A_90] : memref<2560x128xi32, #tpu.memory_space<hbm>> -> memref<16x128xi32, #tpu.memory_space<hbm>>
          tpu.wait_dma2 semaphore(%run_scoped3A_83 : memref<!tpu.dma_semaphore, #tpu.memory_space<semaphore_mem>>) src(%dma_wait3A_91 : memref<16x128xi32, #tpu.memory_space<hbm>>) dst(%arg7 : memref<16x128xi32, #tpu.memory_space<vmem>>)
          tpu.yield
        }) : () -> ()
        "tpu.region"() ({
          %run_scoped3A_83 = tpu.sem_alloc : memref<!tpu.dma_semaphore, #tpu.memory_space<semaphore_mem>>
          %dma_start3A_84 = arith.constant 0 : i32
          %dma_start3A_85 = tpu.memref_slice %arg4[%add3A_75, %dma_start3A_84] : memref<2560x128xi32, #tpu.memory_space<hbm>> -> memref<16x128xi32, #tpu.memory_space<hbm>>
          %dma_start3A_86 = arith.constant 0 : i32
          %dma_start3A_87 = tpu.memref_slice %arg4[%add3A_75, %dma_start3A_86] : memref<2560x128xi32, #tpu.memory_space<hbm>> -> memref<16x128xi32, #tpu.memory_space<hbm>>
          tpu.enqueue_dma source(%dma_start3A_87 : memref<16x128xi32, #tpu.memory_space<hbm>>) target(%arg8 : memref<16x128xi32, #tpu.memory_space<vmem>>) target_semaphore(%run_scoped3A_83 : memref<!tpu.dma_semaphore, #tpu.memory_space<semaphore_mem>>)
          %dma_wait3A_88 = arith.constant 0 : i32
          %dma_wait3A_89 = tpu.memref_slice %arg4[%add3A_75, %dma_wait3A_88] : memref<2560x128xi32, #tpu.memory_space<hbm>> -> memref<16x128xi32, #tpu.memory_space<hbm>>
          %dma_wait3A_90 = arith.constant 0 : i32
          %dma_wait3A_91 = tpu.memref_slice %arg4[%add3A_75, %dma_wait3A_90] : memref<2560x128xi32, #tpu.memory_space<hbm>> -> memref<16x128xi32, #tpu.memory_space<hbm>>
          tpu.wait_dma2 semaphore(%run_scoped3A_83 : memref<!tpu.dma_semaphore, #tpu.memory_space<semaphore_mem>>) src(%dma_wait3A_91 : memref<16x128xi32, #tpu.memory_space<hbm>>) dst(%arg8 : memref<16x128xi32, #tpu.memory_space<vmem>>)
          tpu.yield
        }) : () -> ()
        %dma_start3A_76 = arith.constant 0 : i32
        %dma_start3A_77 = arith.constant 0 : i32
        %dma_start3A_78 = tpu.memref_slice %arg7[%dma_start3A_76, %dma_start3A_77] : memref<16x128xi32, #tpu.memory_space<vmem>> -> memref<1x128xi32, #tpu.memory_space<vmem>>
        %dma_start3A_79 = tpu.memref_squeeze %dma_start3A_78 : memref<1x128xi32, #tpu.memory_space<vmem>> -> memref<128xi32, #tpu.memory_space<vmem>>
        %dma_start3A_80 = arith.constant 0 : i32
        %dma_start3A_81 = arith.constant 0 : i32
        %dma_start3A_82 = tpu.memref_slice %arg2[%dma_start3A_80, %dma_start3A_81] : memref<10000x128xf32, #tpu.memory_space<hbm>> -> memref<10000x128xf32, #tpu.memory_space<hbm>>
        tpu.enqueue_indirect_dma source(%dma_start3A_82 : memref<10000x128xf32, #tpu.memory_space<hbm>>) target(%arg9 : memref<128x128xf32, #tpu.memory_space<vmem>>) offsets(%dma_start3A_79 : memref<128xi32, #tpu.memory_space<vmem>>) semaphore(%arg11 : memref<!tpu.dma_semaphore, #tpu.memory_space<semaphore_mem>>)
      } else {
      }
    }
    %scan3A_31 = arith.constant 5 : i32
    %barrier3A_32 = arith.constant 0 : index
    tpu.barrier barrier_id(%barrier3A_32)
    %mul3A_33 = arith.constant 10112 : i32
    %mul3A_34 = arith.muli %arg0, %mul3A_33 : i32
    %add3A_35 = arith.addi %mul3A_34, %mul3A_6 : i32
    "tpu.region"() ({
      %run_scoped3A = tpu.sem_alloc : memref<!tpu.dma_semaphore, #tpu.memory_space<semaphore_mem>>
      %dma_start3A_36 = arith.constant 0 : i32
      %dma_start3A_37 = tpu.memref_slice %arg5[%add3A_35, %dma_start3A_36] : memref<20224x128xf32, #tpu.memory_space<hbm>> -> memref<632x128xf32, #tpu.memory_space<hbm>>
      %dma_start3A_38 = arith.constant 0 : i32
      %dma_start3A_39 = tpu.memref_slice %arg6[%mul3A_6, %dma_start3A_38] : memref<10112x128xf32, #tpu.memory_space<vmem_shared>> -> memref<632x128xf32, #tpu.memory_space<vmem_shared>>
      tpu.enqueue_dma source(%dma_start3A_39 : memref<632x128xf32, #tpu.memory_space<vmem_shared>>) target(%dma_start3A_37 : memref<632x128xf32, #tpu.memory_space<hbm>>) target_semaphore(%run_scoped3A : memref<!tpu.dma_semaphore, #tpu.memory_space<semaphore_mem>>)
      %dma_wait3A = arith.constant 0 : i32
      %dma_wait3A_40 = tpu.memref_slice %arg5[%add3A_35, %dma_wait3A] : memref<20224x128xf32, #tpu.memory_space<hbm>> -> memref<632x128xf32, #tpu.memory_space<hbm>>
      %dma_wait3A_41 = arith.constant 0 : i32
      %dma_wait3A_42 = tpu.memref_slice %arg6[%mul3A_6, %dma_wait3A_41] : memref<10112x128xf32, #tpu.memory_space<vmem_shared>> -> memref<632x128xf32, #tpu.memory_space<vmem_shared>>
      tpu.wait_dma2 semaphore(%run_scoped3A : memref<!tpu.dma_semaphore, #tpu.memory_space<semaphore_mem>>) src(%dma_wait3A_42 : memref<632x128xf32, #tpu.memory_space<vmem_shared>>) dst(%dma_wait3A_40 : memref<632x128xf32, #tpu.memory_space<hbm>>)
      tpu.yield
    }) : () -> ()
    return
  }
}

#map = affine_map<(d0, d1) -> (0, 0)>
module attributes {stable_mosaic.version = 14 : i64} {
  func.func @_agg_body(%arg0: i32, %arg1: i32, %arg2: memref<10000x128xf32, #tpu.memory_space<hbm>>, %arg3: memref<2560x128xi32, #tpu.memory_space<hbm>>, %arg4: memref<2560x128xi32, #tpu.memory_space<hbm>>, %arg5: memref<20224x128xf32, #tpu.memory_space<hbm>>, %arg6: memref<10112x128xf32, #tpu.memory_space<vmem_shared>>, %arg7: memref<16x128xi32, #tpu.memory_space<vmem>>, %arg8: memref<16x128xi32, #tpu.memory_space<vmem>>, %arg9: memref<128x128xf32, #tpu.memory_space<vmem>>, %arg10: memref<128x128xf32, #tpu.memory_space<vmem>>, %arg11: memref<!tpu.dma_semaphore, #tpu.memory_space<semaphore_mem>>, %arg12: memref<!tpu.dma_semaphore, #tpu.memory_space<semaphore_mem>>) attributes {dimension_semantics = [#tpu.dimension_semantics<core_parallel>, #tpu.dimension_semantics<subcore_parallel>], iteration_bounds = array<i64: 2, 16>, scalar_prefetch = 0 : i64, scratch_operands = 7 : i64, tpu.core_type = #tpu.core_type<sc_vector_subcore>, window_params = [{transform_indices = #map}, {transform_indices = #map}, {transform_indices = #map}, {transform_indices = #map}]} {
    %mul3A = arith.constant 16 : i32
    %mul3A_0 = arith.muli %arg0, %mul3A : i32
    %add3A = arith.addi %mul3A_0, %arg1 : i32
    %scan3A = arith.constant 0 : i32
    %scan3A_1 = arith.constant 128 : i32
    %scan3A_2 = arith.addi %scan3A, %scan3A_1 : i32
    %scan3A_3 = arith.constant 1 : i32
    scf.for %scan3A_36 = %scan3A to %scan3A_2 step %scan3A_3  : i32 {
      %mul3A_37 = arith.constant 1 : i32
      %mul3A_38 = arith.muli %scan3A_36, %mul3A_37 : i32
      %add3A_39 = arith.constant 0 : i32
      %add3A_40 = arith.addi %add3A_39, %mul3A_38 : i32
      %broadcast_in_dim3A = arith.constant 0.000000e+00 : f32
      %broadcast_in_dim3A_41 = vector.broadcast %broadcast_in_dim3A : f32 to vector<16xf32>
      %swap3A = arith.index_cast %add3A_40 : i32 to index
      %swap3A_42 = arith.constant 0 : index
      %swap3A_43 = tpu.vector_load %arg9[%swap3A, %swap3A_42] {strides = array<i32>} : memref<128x128xf32, #tpu.memory_space<vmem>>, vector<1x16xf32>,
      %swap3A_44 = vector.shape_cast %swap3A_43 : vector<1x16xf32> to vector<16xf32>
      %swap3A_45 = vector.shape_cast %broadcast_in_dim3A_41 : vector<16xf32> to vector<1x16xf32>
      tpu.vector_store %arg9[%swap3A, %swap3A_42], %swap3A_45 {strides = array<i32>} : memref<128x128xf32, #tpu.memory_space<vmem>>, vector<1x16xf32>,
      %broadcast_in_dim3A_46 = arith.constant 0.000000e+00 : f32
      %broadcast_in_dim3A_47 = vector.broadcast %broadcast_in_dim3A_46 : f32 to vector<16xf32>
      %swap3A_48 = arith.index_cast %add3A_40 : i32 to index
      %swap3A_49 = arith.constant 16 : index
      %swap3A_50 = tpu.vector_load %arg9[%swap3A_48, %swap3A_49] {strides = array<i32>} : memref<128x128xf32, #tpu.memory_space<vmem>>, vector<1x16xf32>,
      %swap3A_51 = vector.shape_cast %swap3A_50 : vector<1x16xf32> to vector<16xf32>
      %swap3A_52 = vector.shape_cast %broadcast_in_dim3A_47 : vector<16xf32> to vector<1x16xf32>
      tpu.vector_store %arg9[%swap3A_48, %swap3A_49], %swap3A_52 {strides = array<i32>} : memref<128x128xf32, #tpu.memory_space<vmem>>, vector<1x16xf32>,
      %broadcast_in_dim3A_53 = arith.constant 0.000000e+00 : f32
      %broadcast_in_dim3A_54 = vector.broadcast %broadcast_in_dim3A_53 : f32 to vector<16xf32>
      %swap3A_55 = arith.index_cast %add3A_40 : i32 to index
      %swap3A_56 = arith.constant 32 : index
      %swap3A_57 = tpu.vector_load %arg9[%swap3A_55, %swap3A_56] {strides = array<i32>} : memref<128x128xf32, #tpu.memory_space<vmem>>, vector<1x16xf32>,
      %swap3A_58 = vector.shape_cast %swap3A_57 : vector<1x16xf32> to vector<16xf32>
      %swap3A_59 = vector.shape_cast %broadcast_in_dim3A_54 : vector<16xf32> to vector<1x16xf32>
      tpu.vector_store %arg9[%swap3A_55, %swap3A_56], %swap3A_59 {strides = array<i32>} : memref<128x128xf32, #tpu.memory_space<vmem>>, vector<1x16xf32>,
      %broadcast_in_dim3A_60 = arith.constant 0.000000e+00 : f32
      %broadcast_in_dim3A_61 = vector.broadcast %broadcast_in_dim3A_60 : f32 to vector<16xf32>
      %swap3A_62 = arith.index_cast %add3A_40 : i32 to index
      %swap3A_63 = arith.constant 48 : index
      %swap3A_64 = tpu.vector_load %arg9[%swap3A_62, %swap3A_63] {strides = array<i32>} : memref<128x128xf32, #tpu.memory_space<vmem>>, vector<1x16xf32>,
      %swap3A_65 = vector.shape_cast %swap3A_64 : vector<1x16xf32> to vector<16xf32>
      %swap3A_66 = vector.shape_cast %broadcast_in_dim3A_61 : vector<16xf32> to vector<1x16xf32>
      tpu.vector_store %arg9[%swap3A_62, %swap3A_63], %swap3A_66 {strides = array<i32>} : memref<128x128xf32, #tpu.memory_space<vmem>>, vector<1x16xf32>,
      %broadcast_in_dim3A_67 = arith.constant 0.000000e+00 : f32
      %broadcast_in_dim3A_68 = vector.broadcast %broadcast_in_dim3A_67 : f32 to vector<16xf32>
      %swap3A_69 = arith.index_cast %add3A_40 : i32 to index
      %swap3A_70 = arith.constant 64 : index
      %swap3A_71 = tpu.vector_load %arg9[%swap3A_69, %swap3A_70] {strides = array<i32>} : memref<128x128xf32, #tpu.memory_space<vmem>>, vector<1x16xf32>,
      %swap3A_72 = vector.shape_cast %swap3A_71 : vector<1x16xf32> to vector<16xf32>
      %swap3A_73 = vector.shape_cast %broadcast_in_dim3A_68 : vector<16xf32> to vector<1x16xf32>
      tpu.vector_store %arg9[%swap3A_69, %swap3A_70], %swap3A_73 {strides = array<i32>} : memref<128x128xf32, #tpu.memory_space<vmem>>, vector<1x16xf32>,
      %broadcast_in_dim3A_74 = arith.constant 0.000000e+00 : f32
      %broadcast_in_dim3A_75 = vector.broadcast %broadcast_in_dim3A_74 : f32 to vector<16xf32>
      %swap3A_76 = arith.index_cast %add3A_40 : i32 to index
      %swap3A_77 = arith.constant 80 : index
      %swap3A_78 = tpu.vector_load %arg9[%swap3A_76, %swap3A_77] {strides = array<i32>} : memref<128x128xf32, #tpu.memory_space<vmem>>, vector<1x16xf32>,
      %swap3A_79 = vector.shape_cast %swap3A_78 : vector<1x16xf32> to vector<16xf32>
      %swap3A_80 = vector.shape_cast %broadcast_in_dim3A_75 : vector<16xf32> to vector<1x16xf32>
      tpu.vector_store %arg9[%swap3A_76, %swap3A_77], %swap3A_80 {strides = array<i32>} : memref<128x128xf32, #tpu.memory_space<vmem>>, vector<1x16xf32>,
      %broadcast_in_dim3A_81 = arith.constant 0.000000e+00 : f32
      %broadcast_in_dim3A_82 = vector.broadcast %broadcast_in_dim3A_81 : f32 to vector<16xf32>
      %swap3A_83 = arith.index_cast %add3A_40 : i32 to index
      %swap3A_84 = arith.constant 96 : index
      %swap3A_85 = tpu.vector_load %arg9[%swap3A_83, %swap3A_84] {strides = array<i32>} : memref<128x128xf32, #tpu.memory_space<vmem>>, vector<1x16xf32>,
      %swap3A_86 = vector.shape_cast %swap3A_85 : vector<1x16xf32> to vector<16xf32>
      %swap3A_87 = vector.shape_cast %broadcast_in_dim3A_82 : vector<16xf32> to vector<1x16xf32>
      tpu.vector_store %arg9[%swap3A_83, %swap3A_84], %swap3A_87 {strides = array<i32>} : memref<128x128xf32, #tpu.memory_space<vmem>>, vector<1x16xf32>,
      %broadcast_in_dim3A_88 = arith.constant 0.000000e+00 : f32
      %broadcast_in_dim3A_89 = vector.broadcast %broadcast_in_dim3A_88 : f32 to vector<16xf32>
      %swap3A_90 = arith.index_cast %add3A_40 : i32 to index
      %swap3A_91 = arith.constant 112 : index
      %swap3A_92 = tpu.vector_load %arg9[%swap3A_90, %swap3A_91] {strides = array<i32>} : memref<128x128xf32, #tpu.memory_space<vmem>>, vector<1x16xf32>,
      %swap3A_93 = vector.shape_cast %swap3A_92 : vector<1x16xf32> to vector<16xf32>
      %swap3A_94 = vector.shape_cast %broadcast_in_dim3A_89 : vector<16xf32> to vector<1x16xf32>
      tpu.vector_store %arg9[%swap3A_90, %swap3A_91], %swap3A_94 {strides = array<i32>} : memref<128x128xf32, #tpu.memory_space<vmem>>, vector<1x16xf32>,
    }
    %scan3A_4 = arith.constant 128 : i32
    %mul3A_5 = arith.constant 632 : i32
    %mul3A_6 = arith.muli %arg1, %mul3A_5 : i32
    %add3A_7 = arith.constant 0 : i32
    %add3A_8 = arith.addi %mul3A_6, %add3A_7 : i32
    "tpu.region"() ({
      %run_scoped3A = tpu.sem_alloc : memref<!tpu.dma_semaphore, #tpu.memory_space<semaphore_mem>>
      %dma_start3A_36 = arith.constant 0 : i32
      %dma_start3A_37 = tpu.memref_slice %arg6[%add3A_8, %dma_start3A_36] : memref<10112x128xf32, #tpu.memory_space<vmem_shared>> -> memref<128x128xf32, #tpu.memory_space<vmem_shared>>
      %dma_start3A_38 = arith.constant 0 : i32
      %dma_start3A_39 = tpu.memref_slice %arg6[%add3A_8, %dma_start3A_38] : memref<10112x128xf32, #tpu.memory_space<vmem_shared>> -> memref<128x128xf32, #tpu.memory_space<vmem_shared>>
      tpu.enqueue_dma source(%arg9 : memref<128x128xf32, #tpu.memory_space<vmem>>) target(%dma_start3A_39 : memref<128x128xf32, #tpu.memory_space<vmem_shared>>) target_semaphore(%run_scoped3A : memref<!tpu.dma_semaphore, #tpu.memory_space<semaphore_mem>>)
      %dma_wait3A = arith.constant 0 : i32
      %dma_wait3A_40 = tpu.memref_slice %arg6[%add3A_8, %dma_wait3A] : memref<10112x128xf32, #tpu.memory_space<vmem_shared>> -> memref<128x128xf32, #tpu.memory_space<vmem_shared>>
      %dma_wait3A_41 = arith.constant 0 : i32
      %dma_wait3A_42 = tpu.memref_slice %arg6[%add3A_8, %dma_wait3A_41] : memref<10112x128xf32, #tpu.memory_space<vmem_shared>> -> memref<128x128xf32, #tpu.memory_space<vmem_shared>>
      tpu.wait_dma2 semaphore(%run_scoped3A : memref<!tpu.dma_semaphore, #tpu.memory_space<semaphore_mem>>) src(%arg9 : memref<128x128xf32, #tpu.memory_space<vmem>>) dst(%dma_wait3A_42 : memref<128x128xf32, #tpu.memory_space<vmem_shared>>)
      tpu.yield
    }) : () -> ()
    %add3A_9 = arith.constant 128 : i32
    %add3A_10 = arith.addi %mul3A_6, %add3A_9 : i32
    "tpu.region"() ({
      %run_scoped3A = tpu.sem_alloc : memref<!tpu.dma_semaphore, #tpu.memory_space<semaphore_mem>>
      %dma_start3A_36 = arith.constant 0 : i32
      %dma_start3A_37 = tpu.memref_slice %arg6[%add3A_10, %dma_start3A_36] : memref<10112x128xf32, #tpu.memory_space<vmem_shared>> -> memref<128x128xf32, #tpu.memory_space<vmem_shared>>
      %dma_start3A_38 = arith.constant 0 : i32
      %dma_start3A_39 = tpu.memref_slice %arg6[%add3A_10, %dma_start3A_38] : memref<10112x128xf32, #tpu.memory_space<vmem_shared>> -> memref<128x128xf32, #tpu.memory_space<vmem_shared>>
      tpu.enqueue_dma source(%arg9 : memref<128x128xf32, #tpu.memory_space<vmem>>) target(%dma_start3A_39 : memref<128x128xf32, #tpu.memory_space<vmem_shared>>) target_semaphore(%run_scoped3A : memref<!tpu.dma_semaphore, #tpu.memory_space<semaphore_mem>>)
      %dma_wait3A = arith.constant 0 : i32
      %dma_wait3A_40 = tpu.memref_slice %arg6[%add3A_10, %dma_wait3A] : memref<10112x128xf32, #tpu.memory_space<vmem_shared>> -> memref<128x128xf32, #tpu.memory_space<vmem_shared>>
      %dma_wait3A_41 = arith.constant 0 : i32
      %dma_wait3A_42 = tpu.memref_slice %arg6[%add3A_10, %dma_wait3A_41] : memref<10112x128xf32, #tpu.memory_space<vmem_shared>> -> memref<128x128xf32, #tpu.memory_space<vmem_shared>>
      tpu.wait_dma2 semaphore(%run_scoped3A : memref<!tpu.dma_semaphore, #tpu.memory_space<semaphore_mem>>) src(%arg9 : memref<128x128xf32, #tpu.memory_space<vmem>>) dst(%dma_wait3A_42 : memref<128x128xf32, #tpu.memory_space<vmem_shared>>)
      tpu.yield
    }) : () -> ()
    %add3A_11 = arith.constant 256 : i32
    %add3A_12 = arith.addi %mul3A_6, %add3A_11 : i32
    "tpu.region"() ({
      %run_scoped3A = tpu.sem_alloc : memref<!tpu.dma_semaphore, #tpu.memory_space<semaphore_mem>>
      %dma_start3A_36 = arith.constant 0 : i32
      %dma_start3A_37 = tpu.memref_slice %arg6[%add3A_12, %dma_start3A_36] : memref<10112x128xf32, #tpu.memory_space<vmem_shared>> -> memref<128x128xf32, #tpu.memory_space<vmem_shared>>
      %dma_start3A_38 = arith.constant 0 : i32
      %dma_start3A_39 = tpu.memref_slice %arg6[%add3A_12, %dma_start3A_38] : memref<10112x128xf32, #tpu.memory_space<vmem_shared>> -> memref<128x128xf32, #tpu.memory_space<vmem_shared>>
      tpu.enqueue_dma source(%arg9 : memref<128x128xf32, #tpu.memory_space<vmem>>) target(%dma_start3A_39 : memref<128x128xf32, #tpu.memory_space<vmem_shared>>) target_semaphore(%run_scoped3A : memref<!tpu.dma_semaphore, #tpu.memory_space<semaphore_mem>>)
      %dma_wait3A = arith.constant 0 : i32
      %dma_wait3A_40 = tpu.memref_slice %arg6[%add3A_12, %dma_wait3A] : memref<10112x128xf32, #tpu.memory_space<vmem_shared>> -> memref<128x128xf32, #tpu.memory_space<vmem_shared>>
      %dma_wait3A_41 = arith.constant 0 : i32
      %dma_wait3A_42 = tpu.memref_slice %arg6[%add3A_12, %dma_wait3A_41] : memref<10112x128xf32, #tpu.memory_space<vmem_shared>> -> memref<128x128xf32, #tpu.memory_space<vmem_shared>>
      tpu.wait_dma2 semaphore(%run_scoped3A : memref<!tpu.dma_semaphore, #tpu.memory_space<semaphore_mem>>) src(%arg9 : memref<128x128xf32, #tpu.memory_space<vmem>>) dst(%dma_wait3A_42 : memref<128x128xf32, #tpu.memory_space<vmem_shared>>)
      tpu.yield
    }) : () -> ()
    %add3A_13 = arith.constant 384 : i32
    %add3A_14 = arith.addi %mul3A_6, %add3A_13 : i32
    "tpu.region"() ({
      %run_scoped3A = tpu.sem_alloc : memref<!tpu.dma_semaphore, #tpu.memory_space<semaphore_mem>>
      %dma_start3A_36 = arith.constant 0 : i32
      %dma_start3A_37 = tpu.memref_slice %arg6[%add3A_14, %dma_start3A_36] : memref<10112x128xf32, #tpu.memory_space<vmem_shared>> -> memref<128x128xf32, #tpu.memory_space<vmem_shared>>
      %dma_start3A_38 = arith.constant 0 : i32
      %dma_start3A_39 = tpu.memref_slice %arg6[%add3A_14, %dma_start3A_38] : memref<10112x128xf32, #tpu.memory_space<vmem_shared>> -> memref<128x128xf32, #tpu.memory_space<vmem_shared>>
      tpu.enqueue_dma source(%arg9 : memref<128x128xf32, #tpu.memory_space<vmem>>) target(%dma_start3A_39 : memref<128x128xf32, #tpu.memory_space<vmem_shared>>) target_semaphore(%run_scoped3A : memref<!tpu.dma_semaphore, #tpu.memory_space<semaphore_mem>>)
      %dma_wait3A = arith.constant 0 : i32
      %dma_wait3A_40 = tpu.memref_slice %arg6[%add3A_14, %dma_wait3A] : memref<10112x128xf32, #tpu.memory_space<vmem_shared>> -> memref<128x128xf32, #tpu.memory_space<vmem_shared>>
      %dma_wait3A_41 = arith.constant 0 : i32
      %dma_wait3A_42 = tpu.memref_slice %arg6[%add3A_14, %dma_wait3A_41] : memref<10112x128xf32, #tpu.memory_space<vmem_shared>> -> memref<128x128xf32, #tpu.memory_space<vmem_shared>>
      tpu.wait_dma2 semaphore(%run_scoped3A : memref<!tpu.dma_semaphore, #tpu.memory_space<semaphore_mem>>) src(%arg9 : memref<128x128xf32, #tpu.memory_space<vmem>>) dst(%dma_wait3A_42 : memref<128x128xf32, #tpu.memory_space<vmem_shared>>)
      tpu.yield
    }) : () -> ()
    %add3A_15 = arith.constant 504 : i32
    %add3A_16 = arith.addi %mul3A_6, %add3A_15 : i32
    "tpu.region"() ({
      %run_scoped3A = tpu.sem_alloc : memref<!tpu.dma_semaphore, #tpu.memory_space<semaphore_mem>>
      %dma_start3A_36 = arith.constant 0 : i32
      %dma_start3A_37 = tpu.memref_slice %arg6[%add3A_16, %dma_start3A_36] : memref<10112x128xf32, #tpu.memory_space<vmem_shared>> -> memref<128x128xf32, #tpu.memory_space<vmem_shared>>
      %dma_start3A_38 = arith.constant 0 : i32
      %dma_start3A_39 = tpu.memref_slice %arg6[%add3A_16, %dma_start3A_38] : memref<10112x128xf32, #tpu.memory_space<vmem_shared>> -> memref<128x128xf32, #tpu.memory_space<vmem_shared>>
      tpu.enqueue_dma source(%arg9 : memref<128x128xf32, #tpu.memory_space<vmem>>) target(%dma_start3A_39 : memref<128x128xf32, #tpu.memory_space<vmem_shared>>) target_semaphore(%run_scoped3A : memref<!tpu.dma_semaphore, #tpu.memory_space<semaphore_mem>>)
      %dma_wait3A = arith.constant 0 : i32
      %dma_wait3A_40 = tpu.memref_slice %arg6[%add3A_16, %dma_wait3A] : memref<10112x128xf32, #tpu.memory_space<vmem_shared>> -> memref<128x128xf32, #tpu.memory_space<vmem_shared>>
      %dma_wait3A_41 = arith.constant 0 : i32
      %dma_wait3A_42 = tpu.memref_slice %arg6[%add3A_16, %dma_wait3A_41] : memref<10112x128xf32, #tpu.memory_space<vmem_shared>> -> memref<128x128xf32, #tpu.memory_space<vmem_shared>>
      tpu.wait_dma2 semaphore(%run_scoped3A : memref<!tpu.dma_semaphore, #tpu.memory_space<semaphore_mem>>) src(%arg9 : memref<128x128xf32, #tpu.memory_space<vmem>>) dst(%dma_wait3A_42 : memref<128x128xf32, #tpu.memory_space<vmem_shared>>)
      tpu.yield
    }) : () -> ()
    %barrier3A = arith.constant 0 : index
    tpu.barrier barrier_id(%barrier3A)
    %mul3A_17 = arith.constant 80 : i32
    %mul3A_18 = arith.muli %add3A, %mul3A_17 : i32
    %add3A_19 = arith.constant 0 : i32
    %add3A_20 = arith.addi %mul3A_18, %add3A_19 : i32
    "tpu.region"() ({
      %run_scoped3A = tpu.sem_alloc : memref<!tpu.dma_semaphore, #tpu.memory_space<semaphore_mem>>
      %dma_start3A_36 = arith.constant 0 : i32
      %dma_start3A_37 = tpu.memref_slice %arg3[%add3A_20, %dma_start3A_36] : memref<2560x128xi32, #tpu.memory_space<hbm>> -> memref<16x128xi32, #tpu.memory_space<hbm>>
      %dma_start3A_38 = arith.constant 0 : i32
      %dma_start3A_39 = tpu.memref_slice %arg3[%add3A_20, %dma_start3A_38] : memref<2560x128xi32, #tpu.memory_space<hbm>> -> memref<16x128xi32, #tpu.memory_space<hbm>>
      tpu.enqueue_dma source(%dma_start3A_39 : memref<16x128xi32, #tpu.memory_space<hbm>>) target(%arg7 : memref<16x128xi32, #tpu.memory_space<vmem>>) target_semaphore(%run_scoped3A : memref<!tpu.dma_semaphore, #tpu.memory_space<semaphore_mem>>)
      %dma_wait3A = arith.constant 0 : i32
      %dma_wait3A_40 = tpu.memref_slice %arg3[%add3A_20, %dma_wait3A] : memref<2560x128xi32, #tpu.memory_space<hbm>> -> memref<16x128xi32, #tpu.memory_space<hbm>>
      %dma_wait3A_41 = arith.constant 0 : i32
      %dma_wait3A_42 = tpu.memref_slice %arg3[%add3A_20, %dma_wait3A_41] : memref<2560x128xi32, #tpu.memory_space<hbm>> -> memref<16x128xi32, #tpu.memory_space<hbm>>
      tpu.wait_dma2 semaphore(%run_scoped3A : memref<!tpu.dma_semaphore, #tpu.memory_space<semaphore_mem>>) src(%dma_wait3A_42 : memref<16x128xi32, #tpu.memory_space<hbm>>) dst(%arg7 : memref<16x128xi32, #tpu.memory_space<vmem>>)
      tpu.yield
    }) : () -> ()
    "tpu.region"() ({
      %run_scoped3A = tpu.sem_alloc : memref<!tpu.dma_semaphore, #tpu.memory_space<semaphore_mem>>
      %dma_start3A_36 = arith.constant 0 : i32
      %dma_start3A_37 = tpu.memref_slice %arg4[%add3A_20, %dma_start3A_36] : memref<2560x128xi32, #tpu.memory_space<hbm>> -> memref<16x128xi32, #tpu.memory_space<hbm>>
      %dma_start3A_38 = arith.constant 0 : i32
      %dma_start3A_39 = tpu.memref_slice %arg4[%add3A_20, %dma_start3A_38] : memref<2560x128xi32, #tpu.memory_space<hbm>> -> memref<16x128xi32, #tpu.memory_space<hbm>>
      tpu.enqueue_dma source(%dma_start3A_39 : memref<16x128xi32, #tpu.memory_space<hbm>>) target(%arg8 : memref<16x128xi32, #tpu.memory_space<vmem>>) target_semaphore(%run_scoped3A : memref<!tpu.dma_semaphore, #tpu.memory_space<semaphore_mem>>)
      %dma_wait3A = arith.constant 0 : i32
      %dma_wait3A_40 = tpu.memref_slice %arg4[%add3A_20, %dma_wait3A] : memref<2560x128xi32, #tpu.memory_space<hbm>> -> memref<16x128xi32, #tpu.memory_space<hbm>>
      %dma_wait3A_41 = arith.constant 0 : i32
      %dma_wait3A_42 = tpu.memref_slice %arg4[%add3A_20, %dma_wait3A_41] : memref<2560x128xi32, #tpu.memory_space<hbm>> -> memref<16x128xi32, #tpu.memory_space<hbm>>
      tpu.wait_dma2 semaphore(%run_scoped3A : memref<!tpu.dma_semaphore, #tpu.memory_space<semaphore_mem>>) src(%dma_wait3A_42 : memref<16x128xi32, #tpu.memory_space<hbm>>) dst(%arg8 : memref<16x128xi32, #tpu.memory_space<vmem>>)
      tpu.yield
    }) : () -> ()
    %dma_start3A = arith.constant 0 : i32
    %dma_start3A_21 = arith.constant 0 : i32
    %dma_start3A_22 = tpu.memref_slice %arg7[%dma_start3A, %dma_start3A_21] : memref<16x128xi32, #tpu.memory_space<vmem>> -> memref<1x128xi32, #tpu.memory_space<vmem>>
    %dma_start3A_23 = tpu.memref_squeeze %dma_start3A_22 : memref<1x128xi32, #tpu.memory_space<vmem>> -> memref<128xi32, #tpu.memory_space<vmem>>
    %dma_start3A_24 = arith.constant 0 : i32
    %dma_start3A_25 = arith.constant 0 : i32
    %dma_start3A_26 = tpu.memref_slice %arg2[%dma_start3A_24, %dma_start3A_25] : memref<10000x128xf32, #tpu.memory_space<hbm>> -> memref<10000x128xf32, #tpu.memory_space<hbm>>
    tpu.enqueue_indirect_dma source(%dma_start3A_26 : memref<10000x128xf32, #tpu.memory_space<hbm>>) target(%arg9 : memref<128x128xf32, #tpu.memory_space<vmem>>) offsets(%dma_start3A_23 : memref<128xi32, #tpu.memory_space<vmem>>) semaphore(%arg11 : memref<!tpu.dma_semaphore, #tpu.memory_space<semaphore_mem>>)
    %scan3A_27 = arith.constant 0 : i32
    %scan3A_28 = arith.constant 5 : i32
    %scan3A_29 = arith.addi %scan3A_27, %scan3A_28 : i32
    %scan3A_30 = arith.constant 1 : i32
    scf.for %scan3A_36 = %scan3A_27 to %scan3A_29 step %scan3A_30  : i32 {
      %mul3A_37 = arith.constant 1 : i32
      %mul3A_38 = arith.muli %scan3A_36, %mul3A_37 : i32
      %add3A_39 = arith.constant 0 : i32
      %add3A_40 = arith.addi %add3A_39, %mul3A_38 : i32
      %scan3A_41 = arith.constant 0 : i32
      %scan3A_42 = arith.constant 7 : i32
      %scan3A_43 = arith.addi %scan3A_41, %scan3A_42 : i32
      %scan3A_44 = arith.constant 1 : i32
      scf.for %scan3A_69 = %scan3A_41 to %scan3A_43 step %scan3A_44  : i32 {
        %mul3A_70 = arith.constant 1 : i32
        %mul3A_71 = arith.muli %scan3A_69, %mul3A_70 : i32
        %add3A_72 = arith.constant 0 : i32
        %add3A_73 = arith.addi %add3A_72, %mul3A_71 : i32
        %dma_wait3A_74 = arith.constant 0 : i32
        %dma_wait3A_75 = arith.constant 0 : i32
        %dma_wait3A_76 = tpu.memref_slice %arg7[%dma_wait3A_74, %dma_wait3A_75] : memref<16x128xi32, #tpu.memory_space<vmem>> -> memref<1x128xi32, #tpu.memory_space<vmem>>
        %dma_wait3A_77 = tpu.memref_squeeze %dma_wait3A_76 : memref<1x128xi32, #tpu.memory_space<vmem>> -> memref<128xi32, #tpu.memory_space<vmem>>
        %dma_wait3A_78 = arith.constant 0 : i32
        %dma_wait3A_79 = arith.constant 0 : i32
        %dma_wait3A_80 = tpu.memref_slice %arg2[%dma_wait3A_78, %dma_wait3A_79] : memref<10000x128xf32, #tpu.memory_space<hbm>> -> memref<10000x128xf32, #tpu.memory_space<hbm>>
        tpu.wait_indirect_dma semaphore(%arg11 : memref<!tpu.dma_semaphore, #tpu.memory_space<semaphore_mem>>) src(%dma_wait3A_80 : memref<10000x128xf32, #tpu.memory_space<hbm>>) dst(%arg9 : memref<128x128xf32, #tpu.memory_space<vmem>>)
        %mul3A_81 = arith.constant 2 : i32
        %mul3A_82 = arith.muli %mul3A_81, %add3A_73 : i32
        %add3A_83 = arith.constant 1 : i32
        %add3A_84 = arith.addi %mul3A_82, %add3A_83 : i32
        %dma_start3A_85 = arith.constant 0 : i32
        %dma_start3A_86 = tpu.memref_slice %arg7[%add3A_84, %dma_start3A_85] : memref<16x128xi32, #tpu.memory_space<vmem>> -> memref<1x128xi32, #tpu.memory_space<vmem>>
        %dma_start3A_87 = tpu.memref_squeeze %dma_start3A_86 : memref<1x128xi32, #tpu.memory_space<vmem>> -> memref<128xi32, #tpu.memory_space<vmem>>
        %dma_start3A_88 = arith.constant 0 : i32
        %dma_start3A_89 = arith.constant 0 : i32
        %dma_start3A_90 = tpu.memref_slice %arg2[%dma_start3A_88, %dma_start3A_89] : memref<10000x128xf32, #tpu.memory_space<hbm>> -> memref<10000x128xf32, #tpu.memory_space<hbm>>
        tpu.enqueue_indirect_dma source(%dma_start3A_90 : memref<10000x128xf32, #tpu.memory_space<hbm>>) target(%arg10 : memref<128x128xf32, #tpu.memory_space<vmem>>) offsets(%dma_start3A_87 : memref<128xi32, #tpu.memory_space<vmem>>) semaphore(%arg12 : memref<!tpu.dma_semaphore, #tpu.memory_space<semaphore_mem>>)
        %mul3A_91 = arith.constant 2 : i32
        %mul3A_92 = arith.muli %mul3A_91, %add3A_73 : i32
        "tpu.region"() ({
          %run_scoped3A_114 = tpu.sem_alloc : memref<!tpu.dma_semaphore, #tpu.memory_space<semaphore_mem>>
          %dma_start3A_115 = arith.constant 0 : i32
          %dma_start3A_116 = tpu.memref_slice %arg8[%mul3A_92, %dma_start3A_115] : memref<16x128xi32, #tpu.memory_space<vmem>> -> memref<1x128xi32, #tpu.memory_space<vmem>>
          %dma_start3A_117 = tpu.memref_squeeze %dma_start3A_116 : memref<1x128xi32, #tpu.memory_space<vmem>> -> memref<128xi32, #tpu.memory_space<vmem>>
          %dma_start3A_118 = arith.constant 0 : i32
          %dma_start3A_119 = arith.constant 0 : i32
          %dma_start3A_120 = tpu.memref_slice %arg6[%dma_start3A_118, %dma_start3A_119] : memref<10112x128xf32, #tpu.memory_space<vmem_shared>> -> memref<10112x128xf32, #tpu.memory_space<vmem_shared>>
          tpu.enqueue_indirect_dma source(%arg9 : memref<128x128xf32, #tpu.memory_space<vmem>>) target(%dma_start3A_120 : memref<10112x128xf32, #tpu.memory_space<vmem_shared>>) offsets(%dma_start3A_117 : memref<128xi32, #tpu.memory_space<vmem>>) semaphore(%run_scoped3A_114 : memref<!tpu.dma_semaphore, #tpu.memory_space<semaphore_mem>>) {add = true}
          %dma_wait3A_121 = arith.constant 0 : i32
          %dma_wait3A_122 = tpu.memref_slice %arg8[%mul3A_92, %dma_wait3A_121] : memref<16x128xi32, #tpu.memory_space<vmem>> -> memref<1x128xi32, #tpu.memory_space<vmem>>
          %dma_wait3A_123 = tpu.memref_squeeze %dma_wait3A_122 : memref<1x128xi32, #tpu.memory_space<vmem>> -> memref<128xi32, #tpu.memory_space<vmem>>
          %dma_wait3A_124 = arith.constant 0 : i32
          %dma_wait3A_125 = arith.constant 0 : i32
          %dma_wait3A_126 = tpu.memref_slice %arg6[%dma_wait3A_124, %dma_wait3A_125] : memref<10112x128xf32, #tpu.memory_space<vmem_shared>> -> memref<10112x128xf32, #tpu.memory_space<vmem_shared>>
          tpu.wait_indirect_dma semaphore(%run_scoped3A_114 : memref<!tpu.dma_semaphore, #tpu.memory_space<semaphore_mem>>) src(%arg9 : memref<128x128xf32, #tpu.memory_space<vmem>>) dst(%dma_wait3A_126 : memref<10112x128xf32, #tpu.memory_space<vmem_shared>>)
          tpu.yield
        }) : () -> ()
        %dma_wait3A_93 = arith.constant 0 : i32
        %dma_wait3A_94 = arith.constant 0 : i32
        %dma_wait3A_95 = tpu.memref_slice %arg7[%dma_wait3A_93, %dma_wait3A_94] : memref<16x128xi32, #tpu.memory_space<vmem>> -> memref<1x128xi32, #tpu.memory_space<vmem>>
        %dma_wait3A_96 = tpu.memref_squeeze %dma_wait3A_95 : memref<1x128xi32, #tpu.memory_space<vmem>> -> memref<128xi32, #tpu.memory_space<vmem>>
        %dma_wait3A_97 = arith.constant 0 : i32
        %dma_wait3A_98 = arith.constant 0 : i32
        %dma_wait3A_99 = tpu.memref_slice %arg2[%dma_wait3A_97, %dma_wait3A_98] : memref<10000x128xf32, #tpu.memory_space<hbm>> -> memref<10000x128xf32, #tpu.memory_space<hbm>>
        tpu.wait_indirect_dma semaphore(%arg12 : memref<!tpu.dma_semaphore, #tpu.memory_space<semaphore_mem>>) src(%dma_wait3A_99 : memref<10000x128xf32, #tpu.memory_space<hbm>>) dst(%arg10 : memref<128x128xf32, #tpu.memory_space<vmem>>)
        %mul3A_100 = arith.constant 2 : i32
        %mul3A_101 = arith.muli %mul3A_100, %add3A_73 : i32
        %add3A_102 = arith.constant 2 : i32
        %add3A_103 = arith.addi %mul3A_101, %add3A_102 : i32
        %dma_start3A_104 = arith.constant 0 : i32
        %dma_start3A_105 = tpu.memref_slice %arg7[%add3A_103, %dma_start3A_104] : memref<16x128xi32, #tpu.memory_space<vmem>> -> memref<1x128xi32, #tpu.memory_space<vmem>>
        %dma_start3A_106 = tpu.memref_squeeze %dma_start3A_105 : memref<1x128xi32, #tpu.memory_space<vmem>> -> memref<128xi32, #tpu.memory_space<vmem>>
        %dma_start3A_107 = arith.constant 0 : i32
        %dma_start3A_108 = arith.constant 0 : i32
        %dma_start3A_109 = tpu.memref_slice %arg2[%dma_start3A_107, %dma_start3A_108] : memref<10000x128xf32, #tpu.memory_space<hbm>> -> memref<10000x128xf32, #tpu.memory_space<hbm>>
        tpu.enqueue_indirect_dma source(%dma_start3A_109 : memref<10000x128xf32, #tpu.memory_space<hbm>>) target(%arg9 : memref<128x128xf32, #tpu.memory_space<vmem>>) offsets(%dma_start3A_106 : memref<128xi32, #tpu.memory_space<vmem>>) semaphore(%arg11 : memref<!tpu.dma_semaphore, #tpu.memory_space<semaphore_mem>>)
        %mul3A_110 = arith.constant 2 : i32
        %mul3A_111 = arith.muli %mul3A_110, %add3A_73 : i32
        %add3A_112 = arith.constant 1 : i32
        %add3A_113 = arith.addi %mul3A_111, %add3A_112 : i32
        "tpu.region"() ({
          %run_scoped3A_114 = tpu.sem_alloc : memref<!tpu.dma_semaphore, #tpu.memory_space<semaphore_mem>>
          %dma_start3A_115 = arith.constant 0 : i32
          %dma_start3A_116 = tpu.memref_slice %arg8[%add3A_113, %dma_start3A_115] : memref<16x128xi32, #tpu.memory_space<vmem>> -> memref<1x128xi32, #tpu.memory_space<vmem>>
          %dma_start3A_117 = tpu.memref_squeeze %dma_start3A_116 : memref<1x128xi32, #tpu.memory_space<vmem>> -> memref<128xi32, #tpu.memory_space<vmem>>
          %dma_start3A_118 = arith.constant 0 : i32
          %dma_start3A_119 = arith.constant 0 : i32
          %dma_start3A_120 = tpu.memref_slice %arg6[%dma_start3A_118, %dma_start3A_119] : memref<10112x128xf32, #tpu.memory_space<vmem_shared>> -> memref<10112x128xf32, #tpu.memory_space<vmem_shared>>
          tpu.enqueue_indirect_dma source(%arg10 : memref<128x128xf32, #tpu.memory_space<vmem>>) target(%dma_start3A_120 : memref<10112x128xf32, #tpu.memory_space<vmem_shared>>) offsets(%dma_start3A_117 : memref<128xi32, #tpu.memory_space<vmem>>) semaphore(%run_scoped3A_114 : memref<!tpu.dma_semaphore, #tpu.memory_space<semaphore_mem>>) {add = true}
          %dma_wait3A_121 = arith.constant 0 : i32
          %dma_wait3A_122 = tpu.memref_slice %arg8[%add3A_113, %dma_wait3A_121] : memref<16x128xi32, #tpu.memory_space<vmem>> -> memref<1x128xi32, #tpu.memory_space<vmem>>
          %dma_wait3A_123 = tpu.memref_squeeze %dma_wait3A_122 : memref<1x128xi32, #tpu.memory_space<vmem>> -> memref<128xi32, #tpu.memory_space<vmem>>
          %dma_wait3A_124 = arith.constant 0 : i32
          %dma_wait3A_125 = arith.constant 0 : i32
          %dma_wait3A_126 = tpu.memref_slice %arg6[%dma_wait3A_124, %dma_wait3A_125] : memref<10112x128xf32, #tpu.memory_space<vmem_shared>> -> memref<10112x128xf32, #tpu.memory_space<vmem_shared>>
          tpu.wait_indirect_dma semaphore(%run_scoped3A_114 : memref<!tpu.dma_semaphore, #tpu.memory_space<semaphore_mem>>) src(%arg10 : memref<128x128xf32, #tpu.memory_space<vmem>>) dst(%dma_wait3A_126 : memref<10112x128xf32, #tpu.memory_space<vmem_shared>>)
          tpu.yield
        }) : () -> ()
      }
      %scan3A_45 = arith.constant 7 : i32
      %dma_wait3A = arith.constant 0 : i32
      %dma_wait3A_46 = arith.constant 0 : i32
      %dma_wait3A_47 = tpu.memref_slice %arg7[%dma_wait3A, %dma_wait3A_46] : memref<16x128xi32, #tpu.memory_space<vmem>> -> memref<1x128xi32, #tpu.memory_space<vmem>>
      %dma_wait3A_48 = tpu.memref_squeeze %dma_wait3A_47 : memref<1x128xi32, #tpu.memory_space<vmem>> -> memref<128xi32, #tpu.memory_space<vmem>>
      %dma_wait3A_49 = arith.constant 0 : i32
      %dma_wait3A_50 = arith.constant 0 : i32
      %dma_wait3A_51 = tpu.memref_slice %arg2[%dma_wait3A_49, %dma_wait3A_50] : memref<10000x128xf32, #tpu.memory_space<hbm>> -> memref<10000x128xf32, #tpu.memory_space<hbm>>
      tpu.wait_indirect_dma semaphore(%arg11 : memref<!tpu.dma_semaphore, #tpu.memory_space<semaphore_mem>>) src(%dma_wait3A_51 : memref<10000x128xf32, #tpu.memory_space<hbm>>) dst(%arg9 : memref<128x128xf32, #tpu.memory_space<vmem>>)
      %dma_start3A_52 = arith.constant 15 : i32
      %dma_start3A_53 = arith.constant 0 : i32
      %dma_start3A_54 = tpu.memref_slice %arg7[%dma_start3A_52, %dma_start3A_53] : memref<16x128xi32, #tpu.memory_space<vmem>> -> memref<1x128xi32, #tpu.memory_space<vmem>>
      %dma_start3A_55 = tpu.memref_squeeze %dma_start3A_54 : memref<1x128xi32, #tpu.memory_space<vmem>> -> memref<128xi32, #tpu.memory_space<vmem>>
      %dma_start3A_56 = arith.constant 0 : i32
      %dma_start3A_57 = arith.constant 0 : i32
      %dma_start3A_58 = tpu.memref_slice %arg2[%dma_start3A_56, %dma_start3A_57] : memref<10000x128xf32, #tpu.memory_space<hbm>> -> memref<10000x128xf32, #tpu.memory_space<hbm>>
      tpu.enqueue_indirect_dma source(%dma_start3A_58 : memref<10000x128xf32, #tpu.memory_space<hbm>>) target(%arg10 : memref<128x128xf32, #tpu.memory_space<vmem>>) offsets(%dma_start3A_55 : memref<128xi32, #tpu.memory_space<vmem>>) semaphore(%arg12 : memref<!tpu.dma_semaphore, #tpu.memory_space<semaphore_mem>>)
      %run_scoped3A = arith.constant 14 : i32
      "tpu.region"() ({
        %run_scoped3A_69 = tpu.sem_alloc : memref<!tpu.dma_semaphore, #tpu.memory_space<semaphore_mem>>
        %dma_start3A_70 = arith.constant 0 : i32
        %dma_start3A_71 = tpu.memref_slice %arg8[%run_scoped3A, %dma_start3A_70] : memref<16x128xi32, #tpu.memory_space<vmem>> -> memref<1x128xi32, #tpu.memory_space<vmem>>
        %dma_start3A_72 = tpu.memref_squeeze %dma_start3A_71 : memref<1x128xi32, #tpu.memory_space<vmem>> -> memref<128xi32, #tpu.memory_space<vmem>>
        %dma_start3A_73 = arith.constant 0 : i32
        %dma_start3A_74 = arith.constant 0 : i32
        %dma_start3A_75 = tpu.memref_slice %arg6[%dma_start3A_73, %dma_start3A_74] : memref<10112x128xf32, #tpu.memory_space<vmem_shared>> -> memref<10112x128xf32, #tpu.memory_space<vmem_shared>>
        tpu.enqueue_indirect_dma source(%arg9 : memref<128x128xf32, #tpu.memory_space<vmem>>) target(%dma_start3A_75 : memref<10112x128xf32, #tpu.memory_space<vmem_shared>>) offsets(%dma_start3A_72 : memref<128xi32, #tpu.memory_space<vmem>>) semaphore(%run_scoped3A_69 : memref<!tpu.dma_semaphore, #tpu.memory_space<semaphore_mem>>) {add = true}
        %dma_wait3A_76 = arith.constant 0 : i32
        %dma_wait3A_77 = tpu.memref_slice %arg8[%run_scoped3A, %dma_wait3A_76] : memref<16x128xi32, #tpu.memory_space<vmem>> -> memref<1x128xi32, #tpu.memory_space<vmem>>
        %dma_wait3A_78 = tpu.memref_squeeze %dma_wait3A_77 : memref<1x128xi32, #tpu.memory_space<vmem>> -> memref<128xi32, #tpu.memory_space<vmem>>
        %dma_wait3A_79 = arith.constant 0 : i32
        %dma_wait3A_80 = arith.constant 0 : i32
        %dma_wait3A_81 = tpu.memref_slice %arg6[%dma_wait3A_79, %dma_wait3A_80] : memref<10112x128xf32, #tpu.memory_space<vmem_shared>> -> memref<10112x128xf32, #tpu.memory_space<vmem_shared>>
        tpu.wait_indirect_dma semaphore(%run_scoped3A_69 : memref<!tpu.dma_semaphore, #tpu.memory_space<semaphore_mem>>) src(%arg9 : memref<128x128xf32, #tpu.memory_space<vmem>>) dst(%dma_wait3A_81 : memref<10112x128xf32, #tpu.memory_space<vmem_shared>>)
        tpu.yield
      }) : () -> ()
      %dma_wait3A_59 = arith.constant 0 : i32
      %dma_wait3A_60 = arith.constant 0 : i32
      %dma_wait3A_61 = tpu.memref_slice %arg7[%dma_wait3A_59, %dma_wait3A_60] : memref<16x128xi32, #tpu.memory_space<vmem>> -> memref<1x128xi32, #tpu.memory_space<vmem>>
      %dma_wait3A_62 = tpu.memref_squeeze %dma_wait3A_61 : memref<1x128xi32, #tpu.memory_space<vmem>> -> memref<128xi32, #tpu.memory_space<vmem>>
      %dma_wait3A_63 = arith.constant 0 : i32
      %dma_wait3A_64 = arith.constant 0 : i32
      %dma_wait3A_65 = tpu.memref_slice %arg2[%dma_wait3A_63, %dma_wait3A_64] : memref<10000x128xf32, #tpu.memory_space<hbm>> -> memref<10000x128xf32, #tpu.memory_space<hbm>>
      tpu.wait_indirect_dma semaphore(%arg12 : memref<!tpu.dma_semaphore, #tpu.memory_space<semaphore_mem>>) src(%dma_wait3A_65 : memref<10000x128xf32, #tpu.memory_space<hbm>>) dst(%arg10 : memref<128x128xf32, #tpu.memory_space<vmem>>)
      %run_scoped3A_66 = arith.constant 15 : i32
      "tpu.region"() ({
        %run_scoped3A_69 = tpu.sem_alloc : memref<!tpu.dma_semaphore, #tpu.memory_space<semaphore_mem>>
        %dma_start3A_70 = arith.constant 0 : i32
        %dma_start3A_71 = tpu.memref_slice %arg8[%run_scoped3A_66, %dma_start3A_70] : memref<16x128xi32, #tpu.memory_space<vmem>> -> memref<1x128xi32, #tpu.memory_space<vmem>>
        %dma_start3A_72 = tpu.memref_squeeze %dma_start3A_71 : memref<1x128xi32, #tpu.memory_space<vmem>> -> memref<128xi32, #tpu.memory_space<vmem>>
        %dma_start3A_73 = arith.constant 0 : i32
        %dma_start3A_74 = arith.constant 0 : i32
        %dma_start3A_75 = tpu.memref_slice %arg6[%dma_start3A_73, %dma_start3A_74] : memref<10112x128xf32, #tpu.memory_space<vmem_shared>> -> memref<10112x128xf32, #tpu.memory_space<vmem_shared>>
        tpu.enqueue_indirect_dma source(%arg10 : memref<128x128xf32, #tpu.memory_space<vmem>>) target(%dma_start3A_75 : memref<10112x128xf32, #tpu.memory_space<vmem_shared>>) offsets(%dma_start3A_72 : memref<128xi32, #tpu.memory_space<vmem>>) semaphore(%run_scoped3A_69 : memref<!tpu.dma_semaphore, #tpu.memory_space<semaphore_mem>>) {add = true}
        %dma_wait3A_76 = arith.constant 0 : i32
        %dma_wait3A_77 = tpu.memref_slice %arg8[%run_scoped3A_66, %dma_wait3A_76] : memref<16x128xi32, #tpu.memory_space<vmem>> -> memref<1x128xi32, #tpu.memory_space<vmem>>
        %dma_wait3A_78 = tpu.memref_squeeze %dma_wait3A_77 : memref<1x128xi32, #tpu.memory_space<vmem>> -> memref<128xi32, #tpu.memory_space<vmem>>
        %dma_wait3A_79 = arith.constant 0 : i32
        %dma_wait3A_80 = arith.constant 0 : i32
        %dma_wait3A_81 = tpu.memref_slice %arg6[%dma_wait3A_79, %dma_wait3A_80] : memref<10112x128xf32, #tpu.memory_space<vmem_shared>> -> memref<10112x128xf32, #tpu.memory_space<vmem_shared>>
        tpu.wait_indirect_dma semaphore(%run_scoped3A_69 : memref<!tpu.dma_semaphore, #tpu.memory_space<semaphore_mem>>) src(%arg10 : memref<128x128xf32, #tpu.memory_space<vmem>>) dst(%dma_wait3A_81 : memref<10112x128xf32, #tpu.memory_space<vmem_shared>>)
        tpu.yield
      }) : () -> ()
      %lt3A = arith.constant 4 : i32
      %lt3A_67 = arith.cmpi slt, %add3A_40, %lt3A : i32
      %convert_element_type3A = arith.extui %lt3A_67 : i1 to i32
      %cond3A = arith.constant 0 : i32
      %cond3A_68 = arith.cmpi ne, %convert_element_type3A, %cond3A : i32
      scf.if %cond3A_68 {
        %add3A_69 = arith.constant 1 : i32
        %add3A_70 = arith.addi %add3A_40, %add3A_69 : i32
        %mul3A_71 = arith.constant 80 : i32
        %mul3A_72 = arith.muli %add3A, %mul3A_71 : i32
        %mul3A_73 = arith.constant 16 : i32
        %mul3A_74 = arith.muli %add3A_70, %mul3A_73 : i32
        %add3A_75 = arith.addi %mul3A_72, %mul3A_74 : i32
        "tpu.region"() ({
          %run_scoped3A_83 = tpu.sem_alloc : memref<!tpu.dma_semaphore, #tpu.memory_space<semaphore_mem>>
          %dma_start3A_84 = arith.constant 0 : i32
          %dma_start3A_85 = tpu.memref_slice %arg3[%add3A_75, %dma_start3A_84] : memref<2560x128xi32, #tpu.memory_space<hbm>> -> memref<16x128xi32, #tpu.memory_space<hbm>>
          %dma_start3A_86 = arith.constant 0 : i32
          %dma_start3A_87 = tpu.memref_slice %arg3[%add3A_75, %dma_start3A_86] : memref<2560x128xi32, #tpu.memory_space<hbm>> -> memref<16x128xi32, #tpu.memory_space<hbm>>
          tpu.enqueue_dma source(%dma_start3A_87 : memref<16x128xi32, #tpu.memory_space<hbm>>) target(%arg7 : memref<16x128xi32, #tpu.memory_space<vmem>>) target_semaphore(%run_scoped3A_83 : memref<!tpu.dma_semaphore, #tpu.memory_space<semaphore_mem>>)
          %dma_wait3A_88 = arith.constant 0 : i32
          %dma_wait3A_89 = tpu.memref_slice %arg3[%add3A_75, %dma_wait3A_88] : memref<2560x128xi32, #tpu.memory_space<hbm>> -> memref<16x128xi32, #tpu.memory_space<hbm>>
          %dma_wait3A_90 = arith.constant 0 : i32
          %dma_wait3A_91 = tpu.memref_slice %arg3[%add3A_75, %dma_wait3A_90] : memref<2560x128xi32, #tpu.memory_space<hbm>> -> memref<16x128xi32, #tpu.memory_space<hbm>>
          tpu.wait_dma2 semaphore(%run_scoped3A_83 : memref<!tpu.dma_semaphore, #tpu.memory_space<semaphore_mem>>) src(%dma_wait3A_91 : memref<16x128xi32, #tpu.memory_space<hbm>>) dst(%arg7 : memref<16x128xi32, #tpu.memory_space<vmem>>)
          tpu.yield
        }) : () -> ()
        "tpu.region"() ({
          %run_scoped3A_83 = tpu.sem_alloc : memref<!tpu.dma_semaphore, #tpu.memory_space<semaphore_mem>>
          %dma_start3A_84 = arith.constant 0 : i32
          %dma_start3A_85 = tpu.memref_slice %arg4[%add3A_75, %dma_start3A_84] : memref<2560x128xi32, #tpu.memory_space<hbm>> -> memref<16x128xi32, #tpu.memory_space<hbm>>
          %dma_start3A_86 = arith.constant 0 : i32
          %dma_start3A_87 = tpu.memref_slice %arg4[%add3A_75, %dma_start3A_86] : memref<2560x128xi32, #tpu.memory_space<hbm>> -> memref<16x128xi32, #tpu.memory_space<hbm>>
          tpu.enqueue_dma source(%dma_start3A_87 : memref<16x128xi32, #tpu.memory_space<hbm>>) target(%arg8 : memref<16x128xi32, #tpu.memory_space<vmem>>) target_semaphore(%run_scoped3A_83 : memref<!tpu.dma_semaphore, #tpu.memory_space<semaphore_mem>>)
          %dma_wait3A_88 = arith.constant 0 : i32
          %dma_wait3A_89 = tpu.memref_slice %arg4[%add3A_75, %dma_wait3A_88] : memref<2560x128xi32, #tpu.memory_space<hbm>> -> memref<16x128xi32, #tpu.memory_space<hbm>>
          %dma_wait3A_90 = arith.constant 0 : i32
          %dma_wait3A_91 = tpu.memref_slice %arg4[%add3A_75, %dma_wait3A_90] : memref<2560x128xi32, #tpu.memory_space<hbm>> -> memref<16x128xi32, #tpu.memory_space<hbm>>
          tpu.wait_dma2 semaphore(%run_scoped3A_83 : memref<!tpu.dma_semaphore, #tpu.memory_space<semaphore_mem>>) src(%dma_wait3A_91 : memref<16x128xi32, #tpu.memory_space<hbm>>) dst(%arg8 : memref<16x128xi32, #tpu.memory_space<vmem>>)
          tpu.yield
        }) : () -> ()
        %dma_start3A_76 = arith.constant 0 : i32
        %dma_start3A_77 = arith.constant 0 : i32
        %dma_start3A_78 = tpu.memref_slice %arg7[%dma_start3A_76, %dma_start3A_77] : memref<16x128xi32, #tpu.memory_space<vmem>> -> memref<1x128xi32, #tpu.memory_space<vmem>>
        %dma_start3A_79 = tpu.memref_squeeze %dma_start3A_78 : memref<1x128xi32, #tpu.memory_space<vmem>> -> memref<128xi32, #tpu.memory_space<vmem>>
        %dma_start3A_80 = arith.constant 0 : i32
        %dma_start3A_81 = arith.constant 0 : i32
        %dma_start3A_82 = tpu.memref_slice %arg2[%dma_start3A_80, %dma_start3A_81] : memref<10000x128xf32, #tpu.memory_space<hbm>> -> memref<10000x128xf32, #tpu.memory_space<hbm>>
        tpu.enqueue_indirect_dma source(%dma_start3A_82 : memref<10000x128xf32, #tpu.memory_space<hbm>>) target(%arg9 : memref<128x128xf32, #tpu.memory_space<vmem>>) offsets(%dma_start3A_79 : memref<128xi32, #tpu.memory_space<vmem>>) semaphore(%arg11 : memref<!tpu.dma_semaphore, #tpu.memory_space<semaphore_mem>>)
      } else {
      }
    }
    %scan3A_31 = arith.constant 5 : i32
    %barrier3A_32 = arith.constant 0 : index
    tpu.barrier barrier_id(%barrier3A_32)
    %mul3A_33 = arith.constant 10112 : i32
    %mul3A_34 = arith.muli %arg0, %mul3A_33 : i32
    %add3A_35 = arith.addi %mul3A_34, %mul3A_6 : i32
    "tpu.region"() ({
      %run_scoped3A = tpu.sem_alloc : memref<!tpu.dma_semaphore, #tpu.memory_space<semaphore_mem>>
      %dma_start3A_36 = arith.constant 0 : i32
      %dma_start3A_37 = tpu.memref_slice %arg5[%add3A_35, %dma_start3A_36] : memref<20224x128xf32, #tpu.memory_space<hbm>> -> memref<632x128xf32, #tpu.memory_space<hbm>>
      %dma_start3A_38 = arith.constant 0 : i32
      %dma_start3A_39 = tpu.memref_slice %arg6[%mul3A_6, %dma_start3A_38] : memref<10112x128xf32, #tpu.memory_space<vmem_shared>> -> memref<632x128xf32, #tpu.memory_space<vmem_shared>>
      tpu.enqueue_dma source(%dma_start3A_39 : memref<632x128xf32, #tpu.memory_space<vmem_shared>>) target(%dma_start3A_37 : memref<632x128xf32, #tpu.memory_space<hbm>>) target_semaphore(%run_scoped3A : memref<!tpu.dma_semaphore, #tpu.memory_space<semaphore_mem>>)
      %dma_wait3A = arith.constant 0 : i32
      %dma_wait3A_40 = tpu.memref_slice %arg5[%add3A_35, %dma_wait3A] : memref<20224x128xf32, #tpu.memory_space<hbm>> -> memref<632x128xf32, #tpu.memory_space<hbm>>
      %dma_wait3A_41 = arith.constant 0 : i32
      %dma_wait3A_42 = tpu.memref_slice %arg6[%mul3A_6, %dma_wait3A_41] : memref<10112x128xf32, #tpu.memory_space<vmem_shared>> -> memref<632x128xf32, #tpu.memory_space<vmem_shared>>
      tpu.wait_dma2 semaphore(%run_scoped3A : memref<!tpu.dma_semaphore, #tpu.memory_space<semaphore_mem>>) src(%dma_wait3A_42 : memref<632x128xf32, #tpu.memory_space<vmem_shared>>) dst(%dma_wait3A_40 : memref<632x128xf32, #tpu.memory_space<hbm>>)
      tpu.yield
    }) : () -> ()
    return
  }
}

module attributes {stable_mosaic.version = 14 : i64} {
  func.func @_tc_layer_body(%arg0: i32, %arg1: memref<632x128xf32, #tpu.memory_space<vmem>>, %arg2: memref<632x128xf32, #tpu.memory_space<vmem>>, %arg3: memref<632x128xf32, #tpu.memory_space<vmem>>, %arg4: memref<632x16xf32, #tpu.memory_space<vmem>>, %arg5: memref<632x16xf32, #tpu.memory_space<vmem>>, %arg6: memref<128x128xf32, #tpu.memory_space<vmem>>, %arg7: memref<128x128xf32, #tpu.memory_space<vmem>>, %arg8: memref<632x128xf32, #tpu.memory_space<vmem>>) attributes {dimension_semantics = [#tpu.dimension_semantics<arbitrary>], iteration_bounds = array<i64: 16>, scalar_prefetch = 0 : i64, scratch_operands = 0 : i64, tpu.core_type = #tpu.core_type<tc>, window_params = [{transform_indices = @transform_0, window_bounds = array<i64: 632, 128>}, {transform_indices = @transform_1, window_bounds = array<i64: 632, 128>}, {transform_indices = @transform_2, window_bounds = array<i64: 632, 128>}, {transform_indices = @transform_3, window_bounds = array<i64: 632, 16>}, {transform_indices = @transform_4, window_bounds = array<i64: 632, 16>}, {pipeline_mode = #tpu.pipeline_mode<synchronous>, transform_indices = @transform_5, window_bounds = array<i64: 128, 128>}, {pipeline_mode = #tpu.pipeline_mode<synchronous>, transform_indices = @transform_6, window_bounds = array<i64: 128, 128>}, {transform_indices = @transform_7, window_bounds = array<i64: 632, 128>}]} {
    %get3A = arith.constant 0 : index
    %get3A_0 = arith.constant 0 : index
    %get3A_1 = vector.load %arg4[%get3A, %get3A_0] : memref<632x16xf32, #tpu.memory_space<vmem>>, vector<632x1xf32>
    %get3A_2 = arith.constant 0 : index
    %get3A_3 = arith.constant 0 : index
    %get3A_4 = vector.load %arg5[%get3A_2, %get3A_3] : memref<632x16xf32, #tpu.memory_space<vmem>>, vector<632x1xf32>
    %add3A = arith.addf %get3A_1, %get3A_4 : vector<632x1xf32>
    %max3A = arith.constant 1.000000e+00 : f32
    %max3A_5 = vector.broadcast %max3A : f32 to vector<632x1xf32>
    %max3A_6 = arith.maximumf %add3A, %max3A_5 : vector<632x1xf32>
    %div3A = arith.constant 1.000000e+00 : f32
    %div3A_7 = vector.broadcast %div3A : f32 to vector<632x1xf32>
    %div3A_8 = arith.divf %div3A_7, %max3A_6 : vector<632x1xf32>
    %get3A_9 = arith.constant 0 : index
    %get3A_10 = arith.constant 0 : index
    %get3A_11 = vector.load %arg2[%get3A_9, %get3A_10] : memref<632x128xf32, #tpu.memory_space<vmem>>, vector<632x128xf32>
    %get3A_12 = arith.constant 0 : index
    %get3A_13 = arith.constant 0 : index
    %get3A_14 = vector.load %arg3[%get3A_12, %get3A_13] : memref<632x128xf32, #tpu.memory_space<vmem>>, vector<632x128xf32>
    %add3A_15 = arith.addf %get3A_11, %get3A_14 : vector<632x128xf32>
    %mul3A = vector.broadcast %div3A_8 : vector<632x1xf32> to vector<632x128xf32>
    %mul3A_16 = arith.mulf %add3A_15, %mul3A : vector<632x128xf32>
    %get3A_17 = arith.constant 0 : index
    %get3A_18 = arith.constant 0 : index
    %get3A_19 = vector.load %arg1[%get3A_17, %get3A_18] : memref<632x128xf32, #tpu.memory_space<vmem>>, vector<632x128xf32>
    %get3A_20 = arith.constant 0 : index
    %get3A_21 = arith.constant 0 : index
    %get3A_22 = vector.load %arg6[%get3A_20, %get3A_21] : memref<128x128xf32, #tpu.memory_space<vmem>>, vector<128x128xf32>
    %dot_general3A = arith.constant dense<0.000000e+00> : vector<632x128xf32>
    %dot_general3A_23 = tpu.matmul %get3A_19, %get3A_22, %dot_general3A {dimension_numbers = #tpu.dot_dimension_numbers<[1], [0], [0], [1], [0, 0, 1, 1], [], []>, transpose_lhs_hint = false} : vector<632x128xf32>, vector<128x128xf32>, vector<632x128xf32> -> vector<632x128xf32>
    %get3A_24 = arith.constant 0 : index
    %get3A_25 = arith.constant 0 : index
    %get3A_26 = vector.load %arg7[%get3A_24, %get3A_25] : memref<128x128xf32, #tpu.memory_space<vmem>>, vector<128x128xf32>
    %dot_general3A_27 = arith.constant dense<0.000000e+00> : vector<632x128xf32>
    %dot_general3A_28 = tpu.matmul %mul3A_16, %get3A_26, %dot_general3A_27 {dimension_numbers = #tpu.dot_dimension_numbers<[1], [0], [0], [1], [0, 0, 1, 1], [], []>, transpose_lhs_hint = false} : vector<632x128xf32>, vector<128x128xf32>, vector<632x128xf32> -> vector<632x128xf32>
    %add3A_29 = arith.addf %dot_general3A_23, %dot_general3A_28 : vector<632x128xf32>
    %max3A_30 = arith.constant 0.000000e+00 : f32
    %max3A_31 = vector.broadcast %max3A_30 : f32 to vector<632x128xf32>
    %max3A_32 = arith.maximumf %add3A_29, %max3A_31 : vector<632x128xf32>
    %swap3A = arith.constant 0 : index
    %swap3A_33 = arith.constant 0 : index
    %swap3A_34 = vector.load %arg8[%swap3A, %swap3A_33] : memref<632x128xf32, #tpu.memory_space<vmem>>, vector<632x128xf32>
    tpu.vector_store %arg8[%swap3A, %swap3A_33], %max3A_32 {strides = array<i32>} : memref<632x128xf32, #tpu.memory_space<vmem>>, vector<632x128xf32>,
    return
  }
  func.func @transform_0(%arg0: i32) -> (i32, i32) {
    %c0_i32 = arith.constant 0 : i32
    %c0_i32_0 = arith.constant 0 : i32
    return %arg0, %c0_i32 : i32, i32
  }
  func.func @transform_1(%arg0: i32) -> (i32, i32) {
    %c0_i32 = arith.constant 0 : i32
    %c0_i32_0 = arith.constant 0 : i32
    return %arg0, %c0_i32 : i32, i32
  }
  func.func @transform_2(%arg0: i32) -> (i32, i32) {
    %add3A = arith.constant 16 : i32
    %add3A_0 = arith.addi %arg0, %add3A : i32
    %c0_i32 = arith.constant 0 : i32
    %c0_i32_1 = arith.constant 0 : i32
    return %add3A_0, %c0_i32 : i32, i32
  }
  func.func @transform_3(%arg0: i32) -> (i32, i32) {
    %c0_i32 = arith.constant 0 : i32
    %c0_i32_0 = arith.constant 0 : i32
    return %arg0, %c0_i32 : i32, i32
  }
  func.func @transform_4(%arg0: i32) -> (i32, i32) {
    %add3A = arith.constant 16 : i32
    %add3A_0 = arith.addi %arg0, %add3A : i32
    %c0_i32 = arith.constant 0 : i32
    %c0_i32_1 = arith.constant 0 : i32
    return %add3A_0, %c0_i32 : i32, i32
  }
  func.func @transform_5(%arg0: i32) -> (i32, i32) {
    %c0_i32 = arith.constant 0 : i32
    %c0_i32_0 = arith.constant 0 : i32
    %c0_i32_1 = arith.constant 0 : i32
    return %c0_i32, %c0_i32_0 : i32, i32
  }
  func.func @transform_6(%arg0: i32) -> (i32, i32) {
    %c0_i32 = arith.constant 0 : i32
    %c0_i32_0 = arith.constant 0 : i32
    %c0_i32_1 = arith.constant 0 : i32
    return %c0_i32, %c0_i32_0 : i32, i32
  }
  func.func @transform_7(%arg0: i32) -> (i32, i32) {
    %c0_i32 = arith.constant 0 : i32
    %c0_i32_0 = arith.constant 0 : i32
    return %arg0, %c0_i32 : i32, i32
  }
}

module attributes {stable_mosaic.version = 14 : i64} {
  func.func @_tc_layer_body(%arg0: i32, %arg1: memref<632x128xf32, #tpu.memory_space<vmem>>, %arg2: memref<632x128xf32, #tpu.memory_space<vmem>>, %arg3: memref<632x128xf32, #tpu.memory_space<vmem>>, %arg4: memref<632x16xf32, #tpu.memory_space<vmem>>, %arg5: memref<632x16xf32, #tpu.memory_space<vmem>>, %arg6: memref<128x128xf32, #tpu.memory_space<vmem>>, %arg7: memref<128x128xf32, #tpu.memory_space<vmem>>, %arg8: memref<632x128xf32, #tpu.memory_space<vmem>>) attributes {dimension_semantics = [#tpu.dimension_semantics<arbitrary>], iteration_bounds = array<i64: 16>, scalar_prefetch = 0 : i64, scratch_operands = 0 : i64, tpu.core_type = #tpu.core_type<tc>, window_params = [{transform_indices = @transform_0, window_bounds = array<i64: 632, 128>}, {transform_indices = @transform_1, window_bounds = array<i64: 632, 128>}, {transform_indices = @transform_2, window_bounds = array<i64: 632, 128>}, {transform_indices = @transform_3, window_bounds = array<i64: 632, 16>}, {transform_indices = @transform_4, window_bounds = array<i64: 632, 16>}, {pipeline_mode = #tpu.pipeline_mode<synchronous>, transform_indices = @transform_5, window_bounds = array<i64: 128, 128>}, {pipeline_mode = #tpu.pipeline_mode<synchronous>, transform_indices = @transform_6, window_bounds = array<i64: 128, 128>}, {transform_indices = @transform_7, window_bounds = array<i64: 632, 128>}]} {
    %get3A = arith.constant 0 : index
    %get3A_0 = arith.constant 0 : index
    %get3A_1 = vector.load %arg4[%get3A, %get3A_0] : memref<632x16xf32, #tpu.memory_space<vmem>>, vector<632x1xf32>
    %get3A_2 = arith.constant 0 : index
    %get3A_3 = arith.constant 0 : index
    %get3A_4 = vector.load %arg5[%get3A_2, %get3A_3] : memref<632x16xf32, #tpu.memory_space<vmem>>, vector<632x1xf32>
    %add3A = arith.addf %get3A_1, %get3A_4 : vector<632x1xf32>
    %max3A = arith.constant 1.000000e+00 : f32
    %max3A_5 = vector.broadcast %max3A : f32 to vector<632x1xf32>
    %max3A_6 = arith.maximumf %add3A, %max3A_5 : vector<632x1xf32>
    %div3A = arith.constant 1.000000e+00 : f32
    %div3A_7 = vector.broadcast %div3A : f32 to vector<632x1xf32>
    %div3A_8 = arith.divf %div3A_7, %max3A_6 : vector<632x1xf32>
    %get3A_9 = arith.constant 0 : index
    %get3A_10 = arith.constant 0 : index
    %get3A_11 = vector.load %arg2[%get3A_9, %get3A_10] : memref<632x128xf32, #tpu.memory_space<vmem>>, vector<632x128xf32>
    %get3A_12 = arith.constant 0 : index
    %get3A_13 = arith.constant 0 : index
    %get3A_14 = vector.load %arg3[%get3A_12, %get3A_13] : memref<632x128xf32, #tpu.memory_space<vmem>>, vector<632x128xf32>
    %add3A_15 = arith.addf %get3A_11, %get3A_14 : vector<632x128xf32>
    %mul3A = vector.broadcast %div3A_8 : vector<632x1xf32> to vector<632x128xf32>
    %mul3A_16 = arith.mulf %add3A_15, %mul3A : vector<632x128xf32>
    %get3A_17 = arith.constant 0 : index
    %get3A_18 = arith.constant 0 : index
    %get3A_19 = vector.load %arg1[%get3A_17, %get3A_18] : memref<632x128xf32, #tpu.memory_space<vmem>>, vector<632x128xf32>
    %get3A_20 = arith.constant 0 : index
    %get3A_21 = arith.constant 0 : index
    %get3A_22 = vector.load %arg6[%get3A_20, %get3A_21] : memref<128x128xf32, #tpu.memory_space<vmem>>, vector<128x128xf32>
    %dot_general3A = arith.constant dense<0.000000e+00> : vector<632x128xf32>
    %dot_general3A_23 = tpu.matmul %get3A_19, %get3A_22, %dot_general3A {dimension_numbers = #tpu.dot_dimension_numbers<[1], [0], [0], [1], [0, 0, 1, 1], [], []>, transpose_lhs_hint = false} : vector<632x128xf32>, vector<128x128xf32>, vector<632x128xf32> -> vector<632x128xf32>
    %get3A_24 = arith.constant 0 : index
    %get3A_25 = arith.constant 0 : index
    %get3A_26 = vector.load %arg7[%get3A_24, %get3A_25] : memref<128x128xf32, #tpu.memory_space<vmem>>, vector<128x128xf32>
    %dot_general3A_27 = arith.constant dense<0.000000e+00> : vector<632x128xf32>
    %dot_general3A_28 = tpu.matmul %mul3A_16, %get3A_26, %dot_general3A_27 {dimension_numbers = #tpu.dot_dimension_numbers<[1], [0], [0], [1], [0, 0, 1, 1], [], []>, transpose_lhs_hint = false} : vector<632x128xf32>, vector<128x128xf32>, vector<632x128xf32> -> vector<632x128xf32>
    %add3A_29 = arith.addf %dot_general3A_23, %dot_general3A_28 : vector<632x128xf32>
    %swap3A = arith.constant 0 : index
    %swap3A_30 = arith.constant 0 : index
    %swap3A_31 = vector.load %arg8[%swap3A, %swap3A_30] : memref<632x128xf32, #tpu.memory_space<vmem>>, vector<632x128xf32>
    tpu.vector_store %arg8[%swap3A, %swap3A_30], %add3A_29 {strides = array<i32>} : memref<632x128xf32, #tpu.memory_space<vmem>>, vector<632x128xf32>,
    return
  }
  func.func @transform_0(%arg0: i32) -> (i32, i32) {
    %c0_i32 = arith.constant 0 : i32
    %c0_i32_0 = arith.constant 0 : i32
    return %arg0, %c0_i32 : i32, i32
  }
  func.func @transform_1(%arg0: i32) -> (i32, i32) {
    %c0_i32 = arith.constant 0 : i32
    %c0_i32_0 = arith.constant 0 : i32
    return %arg0, %c0_i32 : i32, i32
  }
  func.func @transform_2(%arg0: i32) -> (i32, i32) {
    %add3A = arith.constant 16 : i32
    %add3A_0 = arith.addi %arg0, %add3A : i32
    %c0_i32 = arith.constant 0 : i32
    %c0_i32_1 = arith.constant 0 : i32
    return %add3A_0, %c0_i32 : i32, i32
  }
  func.func @transform_3(%arg0: i32) -> (i32, i32) {
    %c0_i32 = arith.constant 0 : i32
    %c0_i32_0 = arith.constant 0 : i32
    return %arg0, %c0_i32 : i32, i32
  }
  func.func @transform_4(%arg0: i32) -> (i32, i32) {
    %add3A = arith.constant 16 : i32
    %add3A_0 = arith.addi %arg0, %add3A : i32
    %c0_i32 = arith.constant 0 : i32
    %c0_i32_1 = arith.constant 0 : i32
    return %add3A_0, %c0_i32 : i32, i32
  }
  func.func @transform_5(%arg0: i32) -> (i32, i32) {
    %c0_i32 = arith.constant 0 : i32
    %c0_i32_0 = arith.constant 0 : i32
    %c0_i32_1 = arith.constant 0 : i32
    return %c0_i32, %c0_i32_0 : i32, i32
  }
  func.func @transform_6(%arg0: i32) -> (i32, i32) {
    %c0_i32 = arith.constant 0 : i32
    %c0_i32_0 = arith.constant 0 : i32
    %c0_i32_1 = arith.constant 0 : i32
    return %c0_i32, %c0_i32_0 : i32, i32
  }
  func.func @transform_7(%arg0: i32) -> (i32, i32) {
    %c0_i32 = arith.constant 0 : i32
    %c0_i32_0 = arith.constant 0 : i32
    return %arg0, %c0_i32 : i32, i32
  }
}

</mosaic_0001>

<sc_bundles>
// kernel: kernel.10.cloned.1.call-start
scs
__scs_entry_jumppad:
0x0: {  	(pc) =	sbr.rel $0x88, $3  }
0x1: {  	(tag) =	ssettag $0x0;
	lr =	simm.s32 $0x1  }
0x2: {  	[smem:$0x3F9B] =	sst lr;
	_ =	strace $0xD0000000  }
0x3: {  	_ = 	snop  }
0x4: {  	_ = 	snop  }
0x5: {  	_ = 	snop  }
0x6: {  	_ = 	snop  }
0x7: {  	_ = 	snop  }
__scs_overlays_trampoline_lowered:
0x8: {  	[smem:$0x3FAA] =	sst s0  }
0x9: {  	[smem:$0x3FAB] =	sst s1  }
0xa: {  	[smem:$0x3FAC] =	sst s2  }
0xb: {  	[smem:$0x3FAD] =	sst s3  }
0xc: {  	[smem:$0x3FAE] =	sst s4  }
0xd: {  	[smem:$0x3FAF] =	sst s5  }
0xe: {  	[smem:$0x3FB0] =	sst s6  }
0xf: {  	[smem:$0x3FB1] =	sst s7  }
0x10: {  	[smem:$0x3FB2] =	sst s8  }
0x11: {  	[smem:$0x3FB3] =	sst s9;
	s0 =	simm.s32 @!p0 $0x0  }
0x12: {  	s1 =	sld [smem:$0x3F99];
	s0 =	simm.s32 @p0 $0x1  }
0x13: {  	[smem:$0x3FB4] =	sst s0;
	s0 =	simm.s32 @!p1 $0x0  }
0x14: {  	s2 =	sld [smem:$0x3F98];
	s0 =	simm.s32 @p1 $0x1  }
0x15: {  	[smem:$0x3FB5] =	sst s0;
	s0 =	simm.s32 @!p2 $0x0  }
0x16: {  	s3 =	sld [smem:$0x3FDB];
	s0 =	simm.s32 @p2 $0x1  }
0x17: {  	s4 =	simm.s32 $0x1BF5;
	[smem:$0x3FB7] =	sst s0  }
0x18: {  	s0 =	sld [smem:$0x3F9A];
	_ =	swait.ge [sflag:s4], $0x0  }
0x19: {  	s7 =	sld [smem:$0x3F9B]  }
0x1a: {  	s8 =	sadd.s32 $0xFFFFE003, lr  }
0x1b: {  	s9 =	sadd.s32 $0xFFFFFEF7, lr;
	s5 =	simm.s32 $0xFFFFFFFF;
	p2 =	slt.u32 s8, $0xFFFFF086  }
0x1c: {  	p1 =	slt.u32 s9, $0xF7A;
	s5 =	simm.s32 @!p2 $0x0  }
0x1d: {  	s5 =	simm.s32 @p1 $0x1;
	p0 =	seq.s32 s7, s2  }
0x1e: {  	s7 =	smul.u32 @!p0 $0xF7A, s2;
	p2 =	seq.s32 @!p0 s5, $0x0  }
0x1f: {  	s9 =	smul.u32 $0xF7A, s1;
	s8 =	simm.s32 @!p0 $0x1BF5;
	p2 =	por !p2, p0  }
0x20: {  	[sflag:s8] =	ssyncset.s32 @!p0 $0xFFFFF086;
	s6 =	sadd.s32 @!p0 s3, s7;
	s7 =	simm.s32 @!p0 $0x108  }
0x21: {  	s3 =	sadd.s32 s3, s9;
	s6 =	sadd.s32 @!p0 $0x88, s6;
	s7 =	simm.s32 @p2 $0x1082  }
0x22: {  	[simem:s7], [sflag:s8] =	dma.local @!p0 [hbm:s6], $0xF7A  }
0x23: {  	s9 =	sor.u32 $0xD0000000, s2;
	s6 =	simm.s32 $0x108;
	_ =	swait.ge @!p0 [sflag:s8], $0x0  }
0x24: {  	s3 =	sadd.s32 $0x88, s3;
	s6 =	simm.s32 @!p1 $0x1082;
	[sflag:s4] =	ssyncset.s32 $0xFFFFF086  }
0x25: {  	[simem:s6], [sflag:s4] =	dma.local [hbm:s3], $0xF7A  }
0x26: {  	[smem:$0x3F9B] =	sst s1;
	(tag) =	ssettag s2;
	_ =	strace s9  }
0x27: {  	s1 =	sld [smem:$0x3FAB]  }
0x28: {  	s2 =	sld [smem:$0x3FAC]  }
0x29: {  	s4 =	sld [smem:$0x3FAE]  }
0x2a: {  	p0 =	seq.s32 s5, $0x0;
	s5 =	sld [smem:$0x3FAF]  }
0x2b: {  	s6 =	sld [smem:$0x3FB0]  }
0x2c: {  	s7 =	sld [smem:$0x3FB1]  }
0x2d: {  	s3 =	simm.s32 $0x108;
	s8 =	sld [smem:$0x3FB2]  }
0x2e: {  	s3 =	simm.s32 @!p0 $0x1082;
	s9 =	sld [smem:$0x3FB3]  }
0x2f: {  	lr =	sadd.s32 s0, s3;
	s0 =	sld [smem:$0x3FAA]  }
0x30: {  	s3 =	sld [smem:$0x3FAD]  }
0x31: {  	[smem:$0x3FB6] =	sst s10  }
0x32: {  	s10 =	sld [smem:$0x3FB4];
	_ =	sdelay $0x3  }
0x33: {  	p0 =	seq.s32 s10, $0x1;
	s10 =	sld [smem:$0x3FB6];
	_ =	sdelay $0x3  }
0x34: {  	[smem:$0x3FB6] =	sst s10  }
0x35: {  	s10 =	sld [smem:$0x3FB5];
	_ =	sdelay $0x3  }
0x36: {  	p1 =	seq.s32 s10, $0x1;
	s10 =	sld [smem:$0x3FB6];
	_ =	sdelay $0x3  }
0x37: {  	[smem:$0x3FB6] =	sst s10  }
0x38: {  	s10 =	sld [smem:$0x3FB7]  }
0x39: {  	_ = 	snop;
	(pc) =	sbr.ind lr, $3  }
0x3a: {  	_ = 	snop  }
0x3b: {  	_ = 	snop  }
0x3c: {  	p2 =	seq.s32 s10, $0x1;
	s10 =	sld [smem:$0x3FB6]  }
0x3d: {  	_ =	shalt  }
0x3e: {  	_ =	shalt  }
0x3f: {  	_ =	shalt  }
0x40: {  	_ =	shalt  }
0x41: {  	_ =	shalt  }
0x42: {  	_ =	shalt  }
0x43: {  	_ =	shalt  }
0x44: {  	_ =	shalt  }
0x45: {  	_ =	shalt  }
0x46: {  	_ =	shalt  }
0x47: {  	_ =	shalt  }
0x48: {  	_ =	shalt  }
0x49: {  	_ =	shalt  }
0x4a: {  	_ =	shalt  }
0x4b: {  	_ =	shalt  }
0x4c: {  	_ =	shalt  }
0x4d: {  	_ =	shalt  }
0x4e: {  	_ =	shalt  }
0x4f: {  	_ =	shalt  }
0x50: {  	_ =	shalt  }
0x51: {  	_ =	shalt  }
0x52: {  	_ =	shalt  }
0x53: {  	_ =	shalt  }
0x54: {  	_ =	shalt  }
0x55: {  	_ =	shalt  }
0x56: {  	_ =	shalt  }
0x57: {  	_ =	shalt  }
0x58: {  	_ =	shalt  }
0x59: {  	_ =	shalt  }
0x5a: {  	_ =	shalt  }
0x5b: {  	_ =	shalt  }
0x5c: {  	_ =	shalt  }
0x5d: {  	_ =	shalt  }
0x5e: {  	_ =	shalt  }
0x5f: {  	_ =	shalt  }
0x60: {  	_ =	shalt  }
0x61: {  	_ =	shalt  }
0x62: {  	_ =	shalt  }
0x63: {  	_ =	shalt  }
0x64: {  	_ =	shalt  }
0x65: {  	_ =	shalt  }
0x66: {  	_ =	shalt  }
0x67: {  	_ =	shalt  }
0x68: {  	_ =	shalt  }
0x69: {  	_ =	shalt  }
0x6a: {  	_ =	shalt  }
0x6b: {  	_ =	shalt  }
0x6c: {  	_ =	shalt  }
0x6d: {  	_ =	shalt  }
0x6e: {  	_ =	shalt  }
0x6f: {  	_ =	shalt  }
0x70: {  	_ =	shalt  }
0x71: {  	_ =	shalt  }
0x72: {  	_ =	shalt  }
0x73: {  	_ =	shalt  }
0x74: {  	_ =	shalt  }
0x75: {  	_ =	shalt  }
0x76: {  	_ =	shalt  }
0x77: {  	_ =	shalt  }
0x78: {  	_ =	shalt  }
0x79: {  	_ =	shalt  }
0x7a: {  	_ =	shalt  }
0x7b: {  	_ =	shalt  }
0x7c: {  	_ =	shalt  }
0x7d: {  	_ =	shalt  }
0x7e: {  	_ =	shalt  }
0x7f: {  	_ =	shalt  }
0x80: {  	_ =	shalt  }
0x81: {  	_ =	shalt  }
0x82: {  	_ =	shalt  }
0x83: {  	_ =	shalt  }
0x84: {  	_ =	shalt  }
0x85: {  	_ =	shalt  }
0x86: {  	_ =	shalt  }
0x87: {  	_ =	shalt  }
.Lfunc_end0:
.L_simem_size_0:
called_computation.1_lowered:
.L_overlay_start_0:
0x88: {  	s2 =	sld [smem:$0x3FD9]  }
0x89: {  	s3 =	sld [smem:$0x3FFE];
	_ =	sdelay $0x1  }
0x8a: {  	s1 =	srdreg.scid  }
0x8b: {  	s0 =	sand.u32 $0x1, s1  }
0x8c: {  	s17 =	sshll.u32 s0, $0xA;
	s2 =	sadd.s32 s3, s2  }
0x8d: {  	s2 =	sadd.s32 s2, s17  }
0x8e: {  	[smem:$0x3FC2] =	sst s2  }
0x8f: {  	_ = 	snop  }
0x90: {  	s18 =	sld [smem:$0x3FC9]  }
0x91: {  	s4 =	sld [smem:$0x3FD0];
	(tm) =	ssettm $0x1  }
0x92: {  	s19 =	sld [smem:$0x3FFB];
	_ =	sdelay $0x3  }
0x93: {  	_ =	strace s19  }
0x94: {  	s2 =	sld [smem:$0x3FFC];
	_ =	sdelay $0x3  }
0x95: {  	_ =	strace s2  }
0x96: {  	s2 =	sld [smem:$0x3FFD];
	_ =	sdelay $0x3  }
0x97: {  	_ =	strace s2  }
0x98: {  	_ =	strace $0x8FFFFFFF  }
0x99: {  	s20 =	sld [smem:$0x3FDB];
	_ =	sdelay $0x1  }
0x9a: {  	s5 =	simm.s32 $_scs_section_size  }
0x9b: {  	s6 =	simm.s32 $_size__tile_overlayer_lowered;
	s7 =	simm.s32 $_tile_overlayer_lowered  }
0x9c: {  	s8 =	simm.s32 $0x1BFF;
	s21 =	sshll.u32 s7, $0x1;
	s5 =	sadd.s32 s5, s20  }
0x9d: {  	s22 =	simm.s32 $0x0;
	s6 =	sshll.u32 s6, $0x1;
	s7 =	sadd.s32 s21, s5  }
0x9e: {  	[timem:s22], [sflag:s8] =	dma.local [hbm:s7], s6  }
0x9f: {  	_ =	swait.ge [sflag:s8], s6  }
0xa0: {  	s6 =	ssub.s32 $0x0, s6;
	[sflag:s8] =	ssyncset.done $0x0  }
0xa1: {  	[sflag:s8] =	ssyncadd.s32 s6;
	_ =	sdelay $0x1  }
0xa2: {  	s23 =	simm.s32 $0x1B8B  }
0xa3: {  	_ =	swait.ge [sflag:s23], $0x1  }
0xa4: {  	[sflag:s23] =	ssyncset.done $0x0  }
0xa5: {  	[sflag:s23] =	ssyncadd.s32 $0xFFFFFFFF  }
0xa6: {  	s6 =	sld [smem:$0x0]  }
0xa7: {  	s7 =	sand.u32 $0xFFFFFFFE, s1  }
0xa8: {  	p0 =	sne.s32 s1, s7  }
0xa9: {  	s7 =	sshll.u32 @p0 s7, $0xE  }
0xaa: {  	s7 =	sadd.s32 @p0 $0x11B8D, s7;
	s8 =	sshll.u32 @p0 s6, $0x11  }
0xab: {  	s7 =	sor.u32 @p0 s8, s7  }
0xac: {  	[sflag:s7] =	ssyncadd.remote.s32 @p0 $0x1;
	_ =	sdelay $0x1  }
0xad: {  	s7 =	simm.s32 @p0 $0x1B8D  }
0xae: {  	_ =	swait.eq @p0 [sflag:s7], $0x1  }
0xaf: {  	[sflag:s7] =	ssyncadd.s32 @p0 $0xFFFFFFFF  }
0xb0: {  	s8 =	sshll.u32 @!p0 s1, $0xE  }
0xb1: {  	s8 =	sor.u32 @!p0 $0x4000, s8;
	s7 =	simm.s32 @!p0 $0x1B8D  }
0xb2: {  	s6 =	sshll.u32 @!p0 s6, $0x11;
	s8 =	sadd.s32 @!p0 $0x11B8D, s8;
	_ =	swait.eq @!p0 [sflag:s7], $0x1  }
0xb3: {  	s6 =	sor.u32 @!p0 s6, s8;
	[sflag:s7] =	ssyncadd.s32 @!p0 $0xFFFFFFFF  }
0xb4: {  	s25 =	simm.s32 $0x1B8E;
	s24 =	sld [smem:$0x3FFE];
	[sflag:s6] =	ssyncadd.remote.s32 @!p0 $0x1  }
0xb5: {  	s26 =	simm.s32 $execute0_lowered;
	[smem:$0x3FD2] =	sst s25  }
0xb6: {  	s7 =	sshll.u32 s26, $0x1;
	_ =	strace $0x80000049;
	[dreg:$0x1] =	wrdreg $0xFFFFFFFF  }
0xb7: {  	s28 =	simm.s32 $_size_execute0_lowered;
	s5 =	sadd.s32 s5, s7;
	[dreg:$0x0] =	wrdreg $0x0  }
0xb8: {  	s7 =	sshll.u32 s28, $0x1;
	[dreg:$0x2] =	wrdreg s5  }
0xb9: {  	[dreg:$0x3] =	wrdreg s7  }
0xba: {  	[dreg:$0x4] =	wrdreg $0xC0  }
0xbb: {  	_ =	task [dreg:s22], $0x5FFFF  }
0xbc: {  	[dreg:$0x1] =	wrdreg $0xFFFFFFFF  }
0xbd: {  	[dreg:$0x0] =	wrdreg $0x60  }
0xbe: {  	[dreg:$0x2] =	wrdreg s18  }
0xbf: {  	[dreg:$0x3] =	wrdreg s4  }
0xc0: {  	[dreg:$0x4] =	wrdreg s24  }
0xc1: {  	[dreg:$0x5] =	wrdreg $0x0  }
0xc2: {  	[dreg:$0x6] =	wrdreg $0xA  }
0xc3: {  	_ =	task.clear_ibuf [dreg:s22], $0x7FFFF;
	_ =	strace $0x90000049  }
0xc4: {  	s29 =	simm.s32 $0xA;
	_ =	strace $0x8000004B  }
0xc5: {  	_ =	swait.ge [sflag:s29], $0x1  }
0xc6: {  	[sflag:s29] =	ssyncadd.s32 $0xFFFFFFFF  }
0xc7: {  	_ =	strace $0x9000004B  }
0xc8: {  	_ =	sfence  }
0xc9: {  	s30 =	sld [smem:$0x0];
	_ =	sdelay $0x2  }
0xca: {  	s31 =	sshll.u32 s1, $0xD;
	s1 =	sshrl.u32 s1, $0x2  }
0xcb: {  	s4 =	sand.u32 $0x4000, s31;
	s1 =	sadd.s32 s1, s30  }
0xcc: {  	s0 =	sor.u32 s4, s0;
	s1 =	sshll.u32 s1, $0x11  }
0xcd: {  	s0 =	sor.u32 s1, s0  }
0xce: {  	s0 =	sadd.s32 $0x8F2B, s0  }
0xcf: {  	[sflag:s0] =	ssyncadd.remote.s32 $0x1  }
0xd0: {  	_ =	sfence.sel $0xFFFF  }
0xd1: {  	[dreg:$0x0] =	wrdreg $0xFFFFFFFF;
	(pc) =	sbr.abs _section_cstart, $3  }
0xd2: {  	[dreg:$0x1] =	wrdreg $0xFFFFFFFF  }
0xd3: {  	_ =	task.clear_ibuf [dreg:s22], $0x2FFFF;
	_ =	strace $0x9FFFFFFF  }
0xd4: {  	(tm) =	ssettm $0x7FFFFFFF  }
0xd5: {  	_ =	shalt  }
tec
execute0_lowered:
.L_overlay_start_1:
0x0: {  	(tag) =	ssettag $0x1  }
0x1: {  	s1 =	rddreg [dreg:$0x0]  }
0x2: {  	s0 =	rddreg [dreg:$0x1]  }
0x3: {  	s2 =	srdreg.scid;
	s5 =	rddreg [dreg:$0x2]  }
0x4: {  	s11 =	stileid.u32;
	s3 =	rddreg [dreg:$0x3]  }
0x5: {  	s4 =	simm.s32 $0x0;
	s13 =	simm.s32 $0x14800;
	s28 =	simm.s32 $0x14200  }
0x6: {  	s29 =	simm.s32 $0x14980;
	s30 =	simm.s32 $0x14280;
	s6 =	smul.u32 $0x2780, s11  }
0x7: {  	s31 =	simm.s32 $0x14A00;
	s2 =	sand.u32 $0x1, s2;
	s15 =	smul.u32 $0x4F000, s11  }
0x8: {  	[smem:$0x7FF] =	sst s4;
	s8 =	sadd.s32 $0x1A00, s5;
	s22 =	smul.u32 $0x500, s11  }
0x9: {  	s7 =	smul.u32 $0x27800, s2;
	_ =	strace $0x8000004A;
	s16 =	ssub.s32 $0x2, s2  }
0xa: {  	s9 =	sshll.u32 s2, $0x4;
	s2 =	smul.u32 $0x5000, s2;
	s10 =	sshrl.u32 s16, $0x1  }
0xb: {  	s9 =	sor.u32 s11, s9;
	s11 =	simm.s32 $0x13C80;
	s6 =	sadd.s32 s6, s7  }
0xc: {  	s7 =	sshrl.u32 s15, $0x2;
	s17 =	smul.u32 $0x500, s9;
	s23 =	sadd.s32 s2, s8  }
0xd: {  	s5 =	sadd.s32 s6, s5;
	s12 =	sadd.s32 s7, s3;
	s6 =	ssub.s32 s16, s10  }
0xe: {  	s25 =	sadd.s32 s22, s23;
	s16 =	simm.s32 $0x14C00;
	s23 =	simm.s32 $0x18C00  }
0xf: {  	s10 =	simm.s32 $0x0;
	s7 =	sadd.s32 $0x4000, s12;
	s18 =	sadd.s32 $0x8000, s12  }
0x10: {  	s19 =	sadd.s32 $0xC000, s12;
	[dreg:$0x5] =	wrdreg s12;
	s20 =	sadd.s32 $0xFC00, s12  }
0x11: {  	s21 =	sadd.s32 s0, s17;
	s0 =	sadd.s32 s2, s0;
	[dreg:$0x6] =	wrdreg s7  }
0x12: {  	s24 =	sadd.s32 $0xC400, s5;
	s26 =	smax.u32 s6, $0x1;
	[dreg:$0x7] =	wrdreg s18  }
0x13: {  	s14 =	sadd.s32 $0x100, s25;
	s12 =	simm.s32 $0x14080;
	[dreg:$0x8] =	wrdreg s19  }
0x14: {  	s5 =	simm.s32 $0x14100;
	s25 =	simm.s32 $0x14180;
	[dreg:$0x9] =	wrdreg s20  }
0x15: {  	s2 =	simm.s32 $0x14300;
	s6 =	simm.s32 $0x14380;
	[dreg:$0xa] =	wrdreg s21  }
0x16: {  	s7 =	sadd.s32 s8, s17;
	[dreg:$0xc] =	wrdreg s24;
	s0 =	sadd.s32 s22, s0  }
.Ltmp0:
0x17: {  	[dreg:$0xd] =	wrdreg s26;
	s17 =	simm.s32 $0x3;
	(pc) =	sbr.rel .LBB2_1-.Ltmp0, $4  }
0x18: {  	s18 =	simm.s32 $0x13C00;
	s19 =	simm.s32 $0x14400;
	s20 =	simm.s32 $0x80  }
0x19: {  	s21 =	simm.s32 $0x1;
	s24 =	simm.s32 $0x2;
	s22 =	simm.s32 $0x14880  }
0x1a: {  	s26 =	simm.s32 $0x14900;
	s8 =	simm.s32 $0x14B80;
	[dreg:$0xb] =	wrdreg s7  }
0x1b: {  	v0 =	vimm.f32 $0.0e+00;
	s15 =	sadd.s32 $0x100, s0;
	s0 =	simm.s32 $0x14A80;
	s7 =	simm.s32 $0x14B00  }
.LBB2_6:
0x1c: {  	s9 =	stileid.u32;
	[bflag:$0x0] =	sbarrier.arrive $0xFFFF  }
0x1d: {  	s9 =	sshll.u32 s9, $0x6;
	s10 =	rddreg [dreg:$0x5]  }
0x1e: {  	s11 =	rddreg [dreg:$0xc];
	s9 =	sor.u32 $0x1C03, s9;
	s10 =	sshrl.u32 s10, $0x3  }
0x1f: {  	[hbm:s11], [sflag:s9] =	dma.local [spmem:s10], $0x2780  }
0x20: {  	_ =	swait.ge [sflag:s17], $0x2780  }
0x21: {  	s9 =	rddreg [dreg:$0xe]  }
0x22: {  	s10 =	sadd.s32 $0x1, s9;
	s9 =	rddreg [dreg:$0xd]  }
0x23: {  	p0 =	sne.s32 s10, s9  }
.Ltmp1:
0x24: {  	_ = 	snop;
	(pc) =	sbr.rel @!p0 .LBB2_7-.Ltmp1, $3  }
0x25: {  	_ =	sdelay $0x1  }
0x26: {  	[sflag:s17] =	ssyncset.done $0x0  }
0x27: {  	s11 =	simm.s32 $0x13C80;
	[sflag:s17] =	ssyncadd.s32 $0xFFFFD880  }
.LBB2_1:
0x28: {  	[dreg:$0xe] =	wrdreg s10;
	s9 =	simm.s32 $0x0;
	s10 =	simm.s32 $0x200  }
.LBB2_2:
0x29: {  	p0 =	sne.s32 s10, $0xFE00;
	[tilespmem:s9+$0x14C70] =	vst v0  }
0x2a: {  	[tilespmem:s9+$0x14C00] =	vst v0  }
0x2b: {  	[tilespmem:s9+$0x14C10] =	vst v0  }
.Ltmp2:
0x2c: {  	[tilespmem:s9+$0x14C20] =	vst v0;
	(pc) =	sbr.rel @p0 .LBB2_2-.Ltmp2, $4  }
0x2d: {  	[tilespmem:s9+$0x14C30] =	vst v0  }
0x2e: {  	[tilespmem:s9+$0x14C40] =	vst v0  }
0x2f: {  	[tilespmem:s9+$0x14C50] =	vst v0  }
0x30: {  	[tilespmem:s9+$0x14C60] =	vst v0;
	s9 =	sshra.s32 s10, $0x2;
	s10 =	sadd.s32 $0x200, s10  }
0x31: {  	[tilespmem:s9+$0x14C70] =	vst v0  }
0x32: {  	[tilespmem:s9+$0x14C00] =	vst v0  }
0x33: {  	[tilespmem:s9+$0x14C10] =	vst v0  }
0x34: {  	[tilespmem:s9+$0x14C20] =	vst v0  }
0x35: {  	[tilespmem:s9+$0x14C30] =	vst v0  }
0x36: {  	[tilespmem:s9+$0x14C40] =	vst v0  }
0x37: {  	[tilespmem:s9+$0x14C50] =	vst v0  }
0x38: {  	[tilespmem:s9+$0x14C60] =	vst v0;
	s10 =	rddreg [dreg:$0x5]  }
0x39: {  	[spmem:s10] =	stream.linear.scatter [tilespmem:s16], [sflag:$0x3], $0x4000, $0x38;
	[tilespmem:$0x1CC00] =	vst v63  }
0x3a: {  	_ =	swait.ge [sflag:s17], $0x4000  }
0x3b: {  	[sflag:s17] =	ssyncset.done $0x0  }
0x3c: {  	s10 =	rddreg [dreg:$0x6];
	[sflag:s17] =	ssyncadd.s32 $0xFFFFC000  }
0x3d: {  	[spmem:s10] =	stream.linear.scatter [tilespmem:s16], [sflag:$0x3], $0x4000, $0x38;
	[tilespmem:$0x1CC00] =	vst v63  }
0x3e: {  	_ =	swait.ge [sflag:s17], $0x4000  }
0x3f: {  	[sflag:s17] =	ssyncset.done $0x0  }
0x40: {  	s10 =	rddreg [dreg:$0x7];
	[sflag:s17] =	ssyncadd.s32 $0xFFFFC000  }
0x41: {  	[spmem:s10] =	stream.linear.scatter [tilespmem:s16], [sflag:$0x3], $0x4000, $0x38;
	[tilespmem:$0x1CC00] =	vst v63  }
0x42: {  	_ =	swait.ge [sflag:s17], $0x4000  }
0x43: {  	[sflag:s17] =	ssyncset.done $0x0  }
0x44: {  	s10 =	rddreg [dreg:$0x8];
	[sflag:s17] =	ssyncadd.s32 $0xFFFFC000  }
0x45: {  	[spmem:s10] =	stream.linear.scatter [tilespmem:s16], [sflag:$0x3], $0x4000, $0x38;
	[tilespmem:$0x1CC00] =	vst v63  }
0x46: {  	_ =	swait.ge [sflag:s17], $0x4000  }
0x47: {  	[sflag:s17] =	ssyncset.done $0x0  }
0x48: {  	s10 =	rddreg [dreg:$0x9];
	[sflag:s17] =	ssyncadd.s32 $0xFFFFC000  }
0x49: {  	[spmem:s10] =	stream.linear.scatter [tilespmem:s16], [sflag:$0x3], $0x4000, $0x38;
	[tilespmem:$0x1CC00] =	vst v63  }
0x4a: {  	_ =	swait.ge [sflag:s17], $0x4000  }
0x4b: {  	[sflag:s17] =	ssyncset.done $0x0  }
0x4c: {  	[sflag:s17] =	ssyncadd.s32 $0xFFFFC000  }
0x4d: {  	[bflag:$0x0] =	sbarrier.arrive $0xFFFF  }
0x4e: {  	s9 =	simm.s32 $0x0;
	s10 =	rddreg [dreg:$0xa]  }
0x4f: {  	[tilespmem:s18], [sflag:$0x3] =	stream.linear.gather [hbm4b:s10+s9], $0x800, $0x38;
	[tilespmem:$0x1CC00] =	vst v63  }
0x50: {  	_ =	swait.ge [sflag:s17], $0x800  }
0x51: {  	[sflag:s17] =	ssyncset.done $0x0  }
0x52: {  	s10 =	rddreg [dreg:$0xb];
	[sflag:s17] =	ssyncadd.s32 $0xFFFFF800  }
0x53: {  	[tilespmem:s19], [sflag:$0x3] =	stream.linear.gather [hbm4b:s10+s9], $0x800, $0x38;
	[tilespmem:$0x1CC00] =	vst v63  }
0x54: {  	_ =	swait.ge [sflag:s17], $0x800  }
0x55: {  	[sflag:s17] =	ssyncset.done $0x0  }
0x56: {  	[sflag:s17] =	ssyncadd.s32 $0xFFFFF800  }
0x57: {  	[tilespmem:s16], [sflag:$0x1] =	stream.indirect.gather [hbm4b:s1+s20], $0x80, s18, s20, $0xb8;
	[tilespmem:$0x1CC00] =	vst v63  }
.LBB2_4:
0x58: {  	_ =	swait.ge [sflag:s21], $0x4000  }
0x59: {  	[sflag:s21] =	ssyncset.done $0x0  }
0x5a: {  	[sflag:s21] =	ssyncadd.s32 $0xFFFFC000  }
0x5b: {  	[tilespmem:s23], [sflag:$0x2] =	stream.indirect.gather [hbm4b:s1+s20], $0x80, s11, s20, $0xb8;
	[tilespmem:$0x1CC00] =	vst v63  }
0x5c: {  	_ = 	snop  }
0x5d: {  	[spmem:s3] =	stream.indirect.scatter.add.f32 [tilespmem:s16], [sflag:$0x3], $0x80, s19, s20, $0xb8;
	[tilespmem:$0x1CC00] =	vst v63  }
0x5e: {  	_ =	swait.ge [sflag:s17], $0x4000  }
0x5f: {  	[sflag:s17] =	ssyncset.done $0x0  }
0x60: {  	[sflag:s17] =	ssyncadd.s32 $0xFFFFC000  }
0x61: {  	_ =	swait.ge [sflag:s24], $0x4000  }
0x62: {  	[sflag:s24] =	ssyncset.done $0x0  }
0x63: {  	s10 =	simm.s32 $0x13D00;
	[sflag:s24] =	ssyncadd.s32 $0xFFFFC000  }
0x64: {  	[tilespmem:s16], [sflag:$0x1] =	stream.indirect.gather [hbm4b:s1+s20], $0x80, s10, s20, $0xb8;
	[tilespmem:$0x1CC00] =	vst v63  }
0x65: {  	s10 =	simm.s32 $0x14480  }
0x66: {  	[spmem:s3] =	stream.indirect.scatter.add.f32 [tilespmem:s23], [sflag:$0x3], $0x80, s10, s20, $0xb8;
	[tilespmem:$0x1CC00] =	vst v63  }
0x67: {  	_ =	swait.ge [sflag:s17], $0x4000  }
0x68: {  	[sflag:s17] =	ssyncset.done $0x0  }
0x69: {  	[sflag:s17] =	ssyncadd.s32 $0xFFFFC000  }
0x6a: {  	_ =	swait.ge [sflag:s21], $0x4000  }
0x6b: {  	[sflag:s21] =	ssyncset.done $0x0  }
0x6c: {  	s10 =	simm.s32 $0x13D80;
	[sflag:s21] =	ssyncadd.s32 $0xFFFFC000  }
0x6d: {  	[tilespmem:s23], [sflag:$0x2] =	stream.indirect.gather [hbm4b:s1+s20], $0x80, s10, s20, $0xb8;
	[tilespmem:$0x1CC00] =	vst v63  }
0x6e: {  	s10 =	simm.s32 $0x14500  }
0x6f: {  	[spmem:s3] =	stream.indirect.scatter.add.f32 [tilespmem:s16], [sflag:$0x3], $0x80, s10, s20, $0xb8;
	[tilespmem:$0x1CC00] =	vst v63  }
0x70: {  	_ =	swait.ge [sflag:s17], $0x4000  }
0x71: {  	[sflag:s17] =	ssyncset.done $0x0  }
0x72: {  	[sflag:s17] =	ssyncadd.s32 $0xFFFFC000  }
0x73: {  	_ =	swait.ge [sflag:s24], $0x4000  }
0x74: {  	[sflag:s24] =	ssyncset.done $0x0  }
0x75: {  	s10 =	simm.s32 $0x13E00;
	[sflag:s24] =	ssyncadd.s32 $0xFFFFC000  }
0x76: {  	[tilespmem:s16], [sflag:$0x1] =	stream.indirect.gather [hbm4b:s1+s20], $0x80, s10, s20, $0xb8;
	[tilespmem:$0x1CC00] =	vst v63  }
0x77: {  	s10 =	simm.s32 $0x14580  }
0x78: {  	[spmem:s3] =	stream.indirect.scatter.add.f32 [tilespmem:s23], [sflag:$0x3], $0x80, s10, s20, $0xb8;
	[tilespmem:$0x1CC00] =	vst v63  }
0x79: {  	_ =	swait.ge [sflag:s17], $0x4000  }
0x7a: {  	[sflag:s17] =	ssyncset.done $0x0  }
0x7b: {  	[sflag:s17] =	ssyncadd.s32 $0xFFFFC000  }
0x7c: {  	_ =	swait.ge [sflag:s21], $0x4000  }
0x7d: {  	[sflag:s21] =	ssyncset.done $0x0  }
0x7e: {  	s10 =	simm.s32 $0x13E80;
	[sflag:s21] =	ssyncadd.s32 $0xFFFFC000  }
0x7f: {  	[tilespmem:s23], [sflag:$0x2] =	stream.indirect.gather [hbm4b:s1+s20], $0x80, s10, s20, $0xb8;
	[tilespmem:$0x1CC00] =	vst v63  }
0x80: {  	s10 =	simm.s32 $0x14600  }
0x81: {  	[spmem:s3] =	stream.indirect.scatter.add.f32 [tilespmem:s16], [sflag:$0x3], $0x80, s10, s20, $0xb8;
	[tilespmem:$0x1CC00] =	vst v63  }
0x82: {  	_ =	swait.ge [sflag:s17], $0x4000  }
0x83: {  	[sflag:s17] =	ssyncset.done $0x0  }
0x84: {  	[sflag:s17] =	ssyncadd.s32 $0xFFFFC000  }
0x85: {  	_ =	swait.ge [sflag:s24], $0x4000  }
0x86: {  	[sflag:s24] =	ssyncset.done $0x0  }
0x87: {  	s10 =	simm.s32 $0x13F00;
	[sflag:s24] =	ssyncadd.s32 $0xFFFFC000  }
0x88: {  	[tilespmem:s16], [sflag:$0x1] =	stream.indirect.gather [hbm4b:s1+s20], $0x80, s10, s20, $0xb8;
	[tilespmem:$0x1CC00] =	vst v63  }
0x89: {  	s10 =	simm.s32 $0x14680  }
0x8a: {  	[spmem:s3] =	stream.indirect.scatter.add.f32 [tilespmem:s23], [sflag:$0x3], $0x80, s10, s20, $0xb8;
	[tilespmem:$0x1CC00] =	vst v63  }
0x8b: {  	_ =	swait.ge [sflag:s17], $0x4000  }
0x8c: {  	[sflag:s17] =	ssyncset.done $0x0  }
0x8d: {  	[sflag:s17] =	ssyncadd.s32 $0xFFFFC000  }
0x8e: {  	_ =	swait.ge [sflag:s21], $0x4000  }
0x8f: {  	[sflag:s21] =	ssyncset.done $0x0  }
0x90: {  	s10 =	simm.s32 $0x13F80;
	[sflag:s21] =	ssyncadd.s32 $0xFFFFC000  }
0x91: {  	[tilespmem:s23], [sflag:$0x2] =	stream.indirect.gather [hbm4b:s1+s20], $0x80, s10, s20, $0xb8;
	[tilespmem:$0x1CC00] =	vst v63  }
0x92: {  	s10 =	simm.s32 $0x14700  }
0x93: {  	[spmem:s3] =	stream.indirect.scatter.add.f32 [tilespmem:s16], [sflag:$0x3], $0x80, s10, s20, $0xb8;
	[tilespmem:$0x1CC00] =	vst v63  }
0x94: {  	_ =	swait.ge [sflag:s17], $0x4000  }
0x95: {  	[sflag:s17] =	ssyncset.done $0x0  }
0x96: {  	[sflag:s17] =	ssyncadd.s32 $0xFFFFC000  }
0x97: {  	_ =	swait.ge [sflag:s24], $0x4000  }
0x98: {  	[sflag:s24] =	ssyncset.done $0x0  }
0x99: {  	s10 =	simm.s32 $0x14000;
	[sflag:s24] =	ssyncadd.s32 $0xFFFFC000  }
0x9a: {  	[tilespmem:s16], [sflag:$0x1] =	stream.indirect.gather [hbm4b:s1+s20], $0x80, s10, s20, $0xb8;
	[tilespmem:$0x1CC00] =	vst v63  }
0x9b: {  	s10 =	simm.s32 $0x14780  }
0x9c: {  	[spmem:s3] =	stream.indirect.scatter.add.f32 [tilespmem:s23], [sflag:$0x3], $0x80, s10, s20, $0xb8;
	[tilespmem:$0x1CC00] =	vst v63  }
0x9d: {  	_ =	swait.ge [sflag:s17], $0x4000  }
0x9e: {  	[sflag:s17] =	ssyncset.done $0x0  }
0x9f: {  	[sflag:s17] =	ssyncadd.s32 $0xFFFFC000  }
0xa0: {  	_ =	swait.ge [sflag:s21], $0x4000  }
0xa1: {  	[sflag:s21] =	ssyncset.done $0x0  }
0xa2: {  	[sflag:s21] =	ssyncadd.s32 $0xFFFFC000  }
0xa3: {  	[tilespmem:s23], [sflag:$0x2] =	stream.indirect.gather [hbm4b:s1+s20], $0x80, s12, s20, $0xb8;
	[tilespmem:$0x1CC00] =	vst v63  }
0xa4: {  	_ = 	snop  }
0xa5: {  	[spmem:s3] =	stream.indirect.scatter.add.f32 [tilespmem:s16], [sflag:$0x3], $0x80, s13, s20, $0xb8;
	[tilespmem:$0x1CC00] =	vst v63  }
0xa6: {  	_ =	swait.ge [sflag:s17], $0x4000  }
0xa7: {  	[sflag:s17] =	ssyncset.done $0x0  }
0xa8: {  	[sflag:s17] =	ssyncadd.s32 $0xFFFFC000  }
0xa9: {  	_ =	swait.ge [sflag:s24], $0x4000  }
0xaa: {  	[sflag:s24] =	ssyncset.done $0x0  }
0xab: {  	[sflag:s24] =	ssyncadd.s32 $0xFFFFC000  }
0xac: {  	[tilespmem:s16], [sflag:$0x1] =	stream.indirect.gather [hbm4b:s1+s20], $0x80, s5, s20, $0xb8;
	[tilespmem:$0x1CC00] =	vst v63  }
0xad: {  	_ = 	snop  }
0xae: {  	[spmem:s3] =	stream.indirect.scatter.add.f32 [tilespmem:s23], [sflag:$0x3], $0x80, s22, s20, $0xb8;
	[tilespmem:$0x1CC00] =	vst v63  }
0xaf: {  	_ =	swait.ge [sflag:s17], $0x4000  }
0xb0: {  	[sflag:s17] =	ssyncset.done $0x0  }
0xb1: {  	[sflag:s17] =	ssyncadd.s32 $0xFFFFC000  }
0xb2: {  	_ =	swait.ge [sflag:s21], $0x4000  }
0xb3: {  	[sflag:s21] =	ssyncset.done $0x0  }
0xb4: {  	[sflag:s21] =	ssyncadd.s32 $0xFFFFC000  }
0xb5: {  	[tilespmem:s23], [sflag:$0x2] =	stream.indirect.gather [hbm4b:s1+s20], $0x80, s25, s20, $0xb8;
	[tilespmem:$0x1CC00] =	vst v63  }
0xb6: {  	_ = 	snop  }
0xb7: {  	[spmem:s3] =	stream.indirect.scatter.add.f32 [tilespmem:s16], [sflag:$0x3], $0x80, s26, s20, $0xb8;
	[tilespmem:$0x1CC00] =	vst v63  }
0xb8: {  	_ =	swait.ge [sflag:s17], $0x4000  }
0xb9: {  	[sflag:s17] =	ssyncset.done $0x0  }
0xba: {  	[sflag:s17] =	ssyncadd.s32 $0xFFFFC000  }
0xbb: {  	_ =	swait.ge [sflag:s24], $0x4000  }
0xbc: {  	[sflag:s24] =	ssyncset.done $0x0  }
0xbd: {  	[sflag:s24] =	ssyncadd.s32 $0xFFFFC000  }
0xbe: {  	[tilespmem:s16], [sflag:$0x1] =	stream.indirect.gather [hbm4b:s1+s20], $0x80, s28, s20, $0xb8;
	[tilespmem:$0x1CC00] =	vst v63  }
0xbf: {  	_ = 	snop  }
0xc0: {  	[spmem:s3] =	stream.indirect.scatter.add.f32 [tilespmem:s23], [sflag:$0x3], $0x80, s29, s20, $0xb8;
	[tilespmem:$0x1CC00] =	vst v63  }
0xc1: {  	_ =	swait.ge [sflag:s17], $0x4000  }
0xc2: {  	[sflag:s17] =	ssyncset.done $0x0  }
0xc3: {  	[sflag:s17] =	ssyncadd.s32 $0xFFFFC000  }
0xc4: {  	_ =	swait.ge [sflag:s21], $0x4000  }
0xc5: {  	[sflag:s21] =	ssyncset.done $0x0  }
0xc6: {  	[sflag:s21] =	ssyncadd.s32 $0xFFFFC000  }
0xc7: {  	[tilespmem:s23], [sflag:$0x2] =	stream.indirect.gather [hbm4b:s1+s20], $0x80, s30, s20, $0xb8;
	[tilespmem:$0x1CC00] =	vst v63  }
0xc8: {  	_ = 	snop  }
0xc9: {  	[spmem:s3] =	stream.indirect.scatter.add.f32 [tilespmem:s16], [sflag:$0x3], $0x80, s31, s20, $0xb8;
	[tilespmem:$0x1CC00] =	vst v63  }
0xca: {  	_ =	swait.ge [sflag:s17], $0x4000  }
0xcb: {  	[sflag:s17] =	ssyncset.done $0x0  }
0xcc: {  	[sflag:s17] =	ssyncadd.s32 $0xFFFFC000  }
0xcd: {  	_ =	swait.ge [sflag:s24], $0x4000  }
0xce: {  	[sflag:s24] =	ssyncset.done $0x0  }
0xcf: {  	[sflag:s24] =	ssyncadd.s32 $0xFFFFC000  }
0xd0: {  	[tilespmem:s16], [sflag:$0x1] =	stream.indirect.gather [hbm4b:s1+s20], $0x80, s2, s20, $0xb8;
	[tilespmem:$0x1CC00] =	vst v63  }
0xd1: {  	_ = 	snop  }
0xd2: {  	[spmem:s3] =	stream.indirect.scatter.add.f32 [tilespmem:s23], [sflag:$0x3], $0x80, s0, s20, $0xb8;
	[tilespmem:$0x1CC00] =	vst v63  }
0xd3: {  	_ =	swait.ge [sflag:s17], $0x4000  }
0xd4: {  	[sflag:s17] =	ssyncset.done $0x0  }
0xd5: {  	[sflag:s17] =	ssyncadd.s32 $0xFFFFC000  }
0xd6: {  	_ =	swait.ge [sflag:s21], $0x4000  }
0xd7: {  	[sflag:s21] =	ssyncset.done $0x0  }
0xd8: {  	[sflag:s21] =	ssyncadd.s32 $0xFFFFC000  }
0xd9: {  	[tilespmem:s23], [sflag:$0x2] =	stream.indirect.gather [hbm4b:s1+s20], $0x80, s6, s20, $0xb8;
	[tilespmem:$0x1CC00] =	vst v63  }
0xda: {  	_ = 	snop  }
0xdb: {  	[spmem:s3] =	stream.indirect.scatter.add.f32 [tilespmem:s16], [sflag:$0x3], $0x80, s7, s20, $0xb8;
	[tilespmem:$0x1CC00] =	vst v63  }
0xdc: {  	_ =	swait.ge [sflag:s17], $0x4000  }
0xdd: {  	[sflag:s17] =	ssyncset.done $0x0  }
0xde: {  	[sflag:s17] =	ssyncadd.s32 $0xFFFFC000  }
0xdf: {  	_ =	swait.ge [sflag:s24], $0x4000  }
0xe0: {  	p0 =	seq.s32 s9, $0x400;
	[sflag:s24] =	ssyncset.done $0x0  }
.Ltmp3:
0xe1: {  	[sflag:s24] =	ssyncadd.s32 $0xFFFFC000;
	(pc) =	sbr.rel @p0 .LBB2_6-.Ltmp3, $4  }
0xe2: {  	[spmem:s3] =	stream.indirect.scatter.add.f32 [tilespmem:s23], [sflag:$0x3], $0x80, s8, s20, $0xb8;
	[tilespmem:$0x1CC00] =	vst v63  }
0xe3: {  	_ =	swait.ge [sflag:s17], $0x4000  }
0xe4: {  	[sflag:s17] =	ssyncset.done $0x0  }
0xe5: {  	[sflag:s17] =	ssyncadd.s32 $0xFFFFC000  }
0xe6: {  	s10 =	sadd.s32 s9, s15  }
0xe7: {  	[tilespmem:s18], [sflag:$0x3] =	stream.linear.gather [hbm4b:s10+s4], $0x800, $0x38;
	[tilespmem:$0x1CC00] =	vst v63  }
0xe8: {  	_ =	swait.ge [sflag:s17], $0x800  }
0xe9: {  	[sflag:s17] =	ssyncset.done $0x0  }
0xea: {  	s10 =	sadd.s32 s9, s14;
	[sflag:s17] =	ssyncadd.s32 $0xFFFFF800  }
0xeb: {  	[tilespmem:s19], [sflag:$0x3] =	stream.linear.gather [hbm4b:s10+s4], $0x800, $0x38;
	[tilespmem:$0x1CC00] =	vst v63  }
.Ltmp4:
0xec: {  	_ = 	snop;
	(pc) =	sbr.rel .LBB2_4-.Ltmp4, $4  }
0xed: {  	_ =	swait.ge [sflag:s17], $0x800  }
0xee: {  	[sflag:s17] =	ssyncset.done $0x0  }
0xef: {  	s9 =	sadd.s32 $0x100, s9;
	[sflag:s17] =	ssyncadd.s32 $0xFFFFF800  }
0xf0: {  	[tilespmem:s16], [sflag:$0x1] =	stream.indirect.gather [hbm4b:s1+s20], $0x80, s18, s20, $0xb8;
	[tilespmem:$0x1CC00] =	vst v63  }
.LBB2_7:
0xf1: {  	_ =	sfence.sel $0x180000  }
0xf2: {  	[bflag:$0x0] =	sbarrier.arrive $0xFFFF  }
0xf3: {  	_ =	strace $0x9000004A  }
0xf4: {  	s0 =	stileid.u32;
	[bflag:$0x2] =	sbarrier.arrive $0xFFFF  }
0xf5: {  	p0 =	sne.s32 s0, $0x0;
	s0 =	rddreg [dreg:$0x4]  }
0xf6: {  	s0 =	sadd.s32 @!p0 $0x100000, s0  }
0xf7: {  	[sflag:s0] =	ssyncadd.tile.s32 @!p0 $0x1;
	_ =	shalt  }
.Lfunc_end2:
_tile_overlayer_lowered:
.L_overlay_start_2:
0xf8: {  	(tag) =	ssettag $0x2  }
0xf9: {  	s0 =	rddreg [dreg:$0x0];
	s2 =	stileid.u32  }
0xfa: {  	s1 =	rddreg [dreg:$0x1];
	p0 =	sne.s32 s2, $0x0  }
0xfb: {  	s3 =	rddreg [dreg:$0x2];
	[bflag:$0x3] =	sbarrier.arrive $0xFFFF;
	s2 =	simm.s32 @!p0 $0x1C03  }
0xfc: {  	[timem:s3], [sflag:s2] =	dma.local @!p0 [hbm:s0], s1  }
0xfd: {  	s0 =	simm.s32 @!p0 $0x3  }
0xfe: {  	_ =	swait.ge @!p0 [sflag:s0], s1  }
0xff: {  	s1 =	ssub.s32 @!p0 $0x0, s1;
	[sflag:s0] =	ssyncset.done @!p0 $0x0  }
0x100: {  	[sflag:s0] =	ssyncadd.s32 @!p0 s1  }
0x101: {  	[bflag:$0x3] =	sbarrier.arrive $0xFFFF  }
0x102: {  	_ =	shalt  }

// kernel: kernel.13.cloned.1.call-start
scs
__scs_entry_jumppad:
0x0: {  	(pc) =	sbr.rel $0x88, $3  }
0x1: {  	(tag) =	ssettag $0x0;
	lr =	simm.s32 $0x1  }
0x2: {  	[smem:$0x3F9B] =	sst lr;
	_ =	strace $0xD0000000  }
0x3: {  	_ = 	snop  }
0x4: {  	_ = 	snop  }
0x5: {  	_ = 	snop  }
0x6: {  	_ = 	snop  }
0x7: {  	_ = 	snop  }
__scs_overlays_trampoline_lowered:
0x8: {  	[smem:$0x3FAA] =	sst s0  }
0x9: {  	[smem:$0x3FAB] =	sst s1  }
0xa: {  	[smem:$0x3FAC] =	sst s2  }
0xb: {  	[smem:$0x3FAD] =	sst s3  }
0xc: {  	[smem:$0x3FAE] =	sst s4  }
0xd: {  	[smem:$0x3FAF] =	sst s5  }
0xe: {  	[smem:$0x3FB0] =	sst s6  }
0xf: {  	[smem:$0x3FB1] =	sst s7  }
0x10: {  	[smem:$0x3FB2] =	sst s8  }
0x11: {  	[smem:$0x3FB3] =	sst s9;
	s0 =	simm.s32 @!p0 $0x0  }
0x12: {  	s1 =	sld [smem:$0x3F99];
	s0 =	simm.s32 @p0 $0x1  }
0x13: {  	[smem:$0x3FB4] =	sst s0;
	s0 =	simm.s32 @!p1 $0x0  }
0x14: {  	s2 =	sld [smem:$0x3F98];
	s0 =	simm.s32 @p1 $0x1  }
0x15: {  	[smem:$0x3FB5] =	sst s0;
	s0 =	simm.s32 @!p2 $0x0  }
0x16: {  	s3 =	sld [smem:$0x3FDB];
	s0 =	simm.s32 @p2 $0x1  }
0x17: {  	s4 =	simm.s32 $0x1BF5;
	[smem:$0x3FB7] =	sst s0  }
0x18: {  	s0 =	sld [smem:$0x3F9A];
	_ =	swait.ge [sflag:s4], $0x0  }
0x19: {  	s7 =	sld [smem:$0x3F9B]  }
0x1a: {  	s8 =	sadd.s32 $0xFFFFE003, lr  }
0x1b: {  	s9 =	sadd.s32 $0xFFFFFEF7, lr;
	s5 =	simm.s32 $0xFFFFFFFF;
	p2 =	slt.u32 s8, $0xFFFFF086  }
0x1c: {  	p1 =	slt.u32 s9, $0xF7A;
	s5 =	simm.s32 @!p2 $0x0  }
0x1d: {  	s5 =	simm.s32 @p1 $0x1;
	p0 =	seq.s32 s7, s2  }
0x1e: {  	s7 =	smul.u32 @!p0 $0xF7A, s2;
	p2 =	seq.s32 @!p0 s5, $0x0  }
0x1f: {  	s9 =	smul.u32 $0xF7A, s1;
	s8 =	simm.s32 @!p0 $0x1BF5;
	p2 =	por !p2, p0  }
0x20: {  	[sflag:s8] =	ssyncset.s32 @!p0 $0xFFFFF086;
	s6 =	sadd.s32 @!p0 s3, s7;
	s7 =	simm.s32 @!p0 $0x108  }
0x21: {  	s3 =	sadd.s32 s3, s9;
	s6 =	sadd.s32 @!p0 $0x88, s6;
	s7 =	simm.s32 @p2 $0x1082  }
0x22: {  	[simem:s7], [sflag:s8] =	dma.local @!p0 [hbm:s6], $0xF7A  }
0x23: {  	s9 =	sor.u32 $0xD0000000, s2;
	s6 =	simm.s32 $0x108;
	_ =	swait.ge @!p0 [sflag:s8], $0x0  }
0x24: {  	s3 =	sadd.s32 $0x88, s3;
	s6 =	simm.s32 @!p1 $0x1082;
	[sflag:s4] =	ssyncset.s32 $0xFFFFF086  }
0x25: {  	[simem:s6], [sflag:s4] =	dma.local [hbm:s3], $0xF7A  }
0x26: {  	[smem:$0x3F9B] =	sst s1;
	(tag) =	ssettag s2;
	_ =	strace s9  }
0x27: {  	s1 =	sld [smem:$0x3FAB]  }
0x28: {  	s2 =	sld [smem:$0x3FAC]  }
0x29: {  	s4 =	sld [smem:$0x3FAE]  }
0x2a: {  	p0 =	seq.s32 s5, $0x0;
	s5 =	sld [smem:$0x3FAF]  }
0x2b: {  	s6 =	sld [smem:$0x3FB0]  }
0x2c: {  	s7 =	sld [smem:$0x3FB1]  }
0x2d: {  	s3 =	simm.s32 $0x108;
	s8 =	sld [smem:$0x3FB2]  }
0x2e: {  	s3 =	simm.s32 @!p0 $0x1082;
	s9 =	sld [smem:$0x3FB3]  }
0x2f: {  	lr =	sadd.s32 s0, s3;
	s0 =	sld [smem:$0x3FAA]  }
0x30: {  	s3 =	sld [smem:$0x3FAD]  }
0x31: {  	[smem:$0x3FB6] =	sst s10  }
0x32: {  	s10 =	sld [smem:$0x3FB4];
	_ =	sdelay $0x3  }
0x33: {  	p0 =	seq.s32 s10, $0x1;
	s10 =	sld [smem:$0x3FB6];
	_ =	sdelay $0x3  }
0x34: {  	[smem:$0x3FB6] =	sst s10  }
0x35: {  	s10 =	sld [smem:$0x3FB5];
	_ =	sdelay $0x3  }
0x36: {  	p1 =	seq.s32 s10, $0x1;
	s10 =	sld [smem:$0x3FB6];
	_ =	sdelay $0x3  }
0x37: {  	[smem:$0x3FB6] =	sst s10  }
0x38: {  	s10 =	sld [smem:$0x3FB7]  }
0x39: {  	_ = 	snop;
	(pc) =	sbr.ind lr, $3  }
0x3a: {  	_ = 	snop  }
0x3b: {  	_ = 	snop  }
0x3c: {  	p2 =	seq.s32 s10, $0x1;
	s10 =	sld [smem:$0x3FB6]  }
0x3d: {  	_ =	shalt  }
0x3e: {  	_ =	shalt  }
0x3f: {  	_ =	shalt  }
0x40: {  	_ =	shalt  }
0x41: {  	_ =	shalt  }
0x42: {  	_ =	shalt  }
0x43: {  	_ =	shalt  }
0x44: {  	_ =	shalt  }
0x45: {  	_ =	shalt  }
0x46: {  	_ =	shalt  }
0x47: {  	_ =	shalt  }
0x48: {  	_ =	shalt  }
0x49: {  	_ =	shalt  }
0x4a: {  	_ =	shalt  }
0x4b: {  	_ =	shalt  }
0x4c: {  	_ =	shalt  }
0x4d: {  	_ =	shalt  }
0x4e: {  	_ =	shalt  }
0x4f: {  	_ =	shalt  }
0x50: {  	_ =	shalt  }
0x51: {  	_ =	shalt  }
0x52: {  	_ =	shalt  }
0x53: {  	_ =	shalt  }
0x54: {  	_ =	shalt  }
0x55: {  	_ =	shalt  }
0x56: {  	_ =	shalt  }
0x57: {  	_ =	shalt  }
0x58: {  	_ =	shalt  }
0x59: {  	_ =	shalt  }
0x5a: {  	_ =	shalt  }
0x5b: {  	_ =	shalt  }
0x5c: {  	_ =	shalt  }
0x5d: {  	_ =	shalt  }
0x5e: {  	_ =	shalt  }
0x5f: {  	_ =	shalt  }
0x60: {  	_ =	shalt  }
0x61: {  	_ =	shalt  }
0x62: {  	_ =	shalt  }
0x63: {  	_ =	shalt  }
0x64: {  	_ =	shalt  }
0x65: {  	_ =	shalt  }
0x66: {  	_ =	shalt  }
0x67: {  	_ =	shalt  }
0x68: {  	_ =	shalt  }
0x69: {  	_ =	shalt  }
0x6a: {  	_ =	shalt  }
0x6b: {  	_ =	shalt  }
0x6c: {  	_ =	shalt  }
0x6d: {  	_ =	shalt  }
0x6e: {  	_ =	shalt  }
0x6f: {  	_ =	shalt  }
0x70: {  	_ =	shalt  }
0x71: {  	_ =	shalt  }
0x72: {  	_ =	shalt  }
0x73: {  	_ =	shalt  }
0x74: {  	_ =	shalt  }
0x75: {  	_ =	shalt  }
0x76: {  	_ =	shalt  }
0x77: {  	_ =	shalt  }
0x78: {  	_ =	shalt  }
0x79: {  	_ =	shalt  }
0x7a: {  	_ =	shalt  }
0x7b: {  	_ =	shalt  }
0x7c: {  	_ =	shalt  }
0x7d: {  	_ =	shalt  }
0x7e: {  	_ =	shalt  }
0x7f: {  	_ =	shalt  }
0x80: {  	_ =	shalt  }
0x81: {  	_ =	shalt  }
0x82: {  	_ =	shalt  }
0x83: {  	_ =	shalt  }
0x84: {  	_ =	shalt  }
0x85: {  	_ =	shalt  }
0x86: {  	_ =	shalt  }
0x87: {  	_ =	shalt  }
.Lfunc_end0:
.L_simem_size_0:
called_computation.2_lowered:
.L_overlay_start_0:
0x88: {  	s2 =	sld [smem:$0x3FD9]  }
0x89: {  	s3 =	sld [smem:$0x3FFE];
	_ =	sdelay $0x1  }
0x8a: {  	s1 =	srdreg.scid  }
0x8b: {  	s0 =	sand.u32 $0x1, s1  }
0x8c: {  	s17 =	sshll.u32 s0, $0xA;
	s2 =	sadd.s32 s3, s2  }
0x8d: {  	s2 =	sadd.s32 s2, s17  }
0x8e: {  	[smem:$0x3FC2] =	sst s2  }
0x8f: {  	_ = 	snop  }
0x90: {  	s2 =	sld [smem:$0x3FD0];
	(tm) =	ssettm $0x1  }
0x91: {  	s18 =	sld [smem:$0x3FFB];
	_ =	sdelay $0x3  }
0x92: {  	_ =	strace s18  }
0x93: {  	s3 =	sld [smem:$0x3FFC];
	_ =	sdelay $0x3  }
0x94: {  	_ =	strace s3  }
0x95: {  	s3 =	sld [smem:$0x3FFD];
	_ =	sdelay $0x3  }
0x96: {  	_ =	strace s3  }
0x97: {  	_ =	strace $0x8FFFFFFF  }
0x98: {  	s19 =	sld [smem:$0x3FDB];
	_ =	sdelay $0x1  }
0x99: {  	s4 =	simm.s32 $_scs_section_size  }
0x9a: {  	s5 =	simm.s32 $_size__tile_overlayer_lowered;
	s6 =	simm.s32 $_tile_overlayer_lowered  }
0x9b: {  	s22 =	simm.s32 $0x1BFF;
	s21 =	sshll.u32 s6, $0x1;
	s3 =	sadd.s32 s4, s19  }
0x9c: {  	s7 =	simm.s32 $0x0;
	s20 =	sshll.u32 s5, $0x1;
	s5 =	sadd.s32 s21, s3  }
0x9d: {  	[timem:s7], [sflag:s22] =	dma.local [hbm:s5], s20  }
0x9e: {  	_ =	swait.ge [sflag:s22], s20  }
0x9f: {  	s4 =	ssub.s32 $0x0, s20;
	[sflag:s22] =	ssyncset.done $0x0  }
0xa0: {  	[sflag:s22] =	ssyncadd.s32 s4;
	_ =	sdelay $0x1  }
0xa1: {  	s23 =	simm.s32 $0x1B8B  }
0xa2: {  	_ =	swait.ge [sflag:s23], $0x1  }
0xa3: {  	[sflag:s23] =	ssyncset.done $0x0  }
0xa4: {  	s25 =	simm.s32 $0x1B8E;
	s24 =	sld [smem:$0x3FFE];
	[sflag:s23] =	ssyncadd.s32 $0xFFFFFFFF  }
0xa5: {  	s26 =	simm.s32 $execute0_lowered;
	[smem:$0x3FD2] =	sst s25  }
0xa6: {  	s5 =	sshll.u32 s26, $0x1;
	_ =	strace $0x8000004C;
	[dreg:$0x1] =	wrdreg $0xFFFFFFFF  }
0xa7: {  	s28 =	simm.s32 $_size_execute0_lowered;
	s3 =	sadd.s32 s3, s5;
	[dreg:$0x0] =	wrdreg $0x0  }
0xa8: {  	s5 =	sshll.u32 s28, $0x1;
	[dreg:$0x2] =	wrdreg s3  }
0xa9: {  	[dreg:$0x3] =	wrdreg s5  }
0xaa: {  	[dreg:$0x4] =	wrdreg $0xC0  }
0xab: {  	_ =	task [dreg:s7], $0x5FFFF  }
0xac: {  	[dreg:$0x1] =	wrdreg $0xFFFFFFFF  }
0xad: {  	[dreg:$0x0] =	wrdreg $0x60  }
0xae: {  	[dreg:$0x2] =	wrdreg s24  }
0xaf: {  	[dreg:$0x3] =	wrdreg s2  }
0xb0: {  	[dreg:$0x4] =	wrdreg $0x0  }
0xb1: {  	[dreg:$0x5] =	wrdreg $0x9  }
0xb2: {  	_ =	task.clear_ibuf [dreg:s7], $0x6FFFF;
	_ =	strace $0x9000004C  }
0xb3: {  	s29 =	simm.s32 $0x9;
	_ =	strace $0x8000004E  }
0xb4: {  	_ =	swait.ge [sflag:s29], $0x1  }
0xb5: {  	[sflag:s29] =	ssyncadd.s32 $0xFFFFFFFF  }
0xb6: {  	_ =	strace $0x9000004E  }
0xb7: {  	_ =	sfence  }
0xb8: {  	s30 =	sld [smem:$0x0];
	_ =	sdelay $0x2  }
0xb9: {  	s31 =	sshll.u32 s1, $0xD;
	s1 =	sshrl.u32 s1, $0x2  }
0xba: {  	s3 =	sand.u32 $0x4000, s31;
	s1 =	sadd.s32 s1, s30  }
0xbb: {  	s0 =	sor.u32 s3, s0;
	s1 =	sshll.u32 s1, $0x11  }
0xbc: {  	s0 =	sor.u32 s1, s0  }
0xbd: {  	s0 =	sadd.s32 $0x8F2B, s0  }
0xbe: {  	[sflag:s0] =	ssyncadd.remote.s32 $0x1  }
0xbf: {  	_ =	sfence.sel $0xFFFF  }
0xc0: {  	[dreg:$0x0] =	wrdreg $0xFFFFFFFF;
	(pc) =	sbr.abs _section_cstart, $3  }
0xc1: {  	[dreg:$0x1] =	wrdreg $0xFFFFFFFF  }
0xc2: {  	_ =	task.clear_ibuf [dreg:s7], $0x2FFFF;
	_ =	strace $0x9FFFFFFF  }
0xc3: {  	(tm) =	ssettm $0x7FFFFFFF  }
tec
execute0_lowered:
.L_overlay_start_1:
0x0: {  	(tag) =	ssettag $0x1  }
0x1: {  	s0 =	rddreg [dreg:$0x0]  }
0x2: {  	s1 =	rddreg [dreg:$0x1];
	s3 =	srdreg.scid  }
0x3: {  	s11 =	stileid.u32;
	s2 =	rddreg [dreg:$0x2];
	s16 =	simm.s32 $0x14C00  }
0x4: {  	s13 =	simm.s32 $0x14800;
	s28 =	simm.s32 $0x14200;
	s4 =	smul.u32 $0x2780, s11  }
0x5: {  	s29 =	simm.s32 $0x14980;
	s30 =	simm.s32 $0x14280;
	s7 =	smul.u32 $0x4F000, s11  }
0x6: {  	s31 =	simm.s32 $0x14A00;
	s5 =	sand.u32 $0x1, s3;
	s23 =	smul.u32 $0x500, s11  }
0x7: {  	s3 =	simm.s32 $0x0;
	s8 =	sadd.s32 $0x1A00, s0;
	s6 =	smul.u32 $0x27800, s5  }
0x8: {  	[smem:$0x7FF] =	sst s3;
	s17 =	ssub.s32 $0x2, s5;
	s9 =	sshll.u32 s5, $0x4  }
0x9: {  	s5 =	smul.u32 $0x5000, s5;
	_ =	strace $0x8000004D;
	s7 =	sshrl.u32 s7, $0x2  }
0xa: {  	s10 =	sshrl.u32 s17, $0x1;
	s9 =	sor.u32 s11, s9;
	s11 =	simm.s32 $0x13C80  }
0xb: {  	s6 =	sadd.s32 s4, s6;
	s4 =	sadd.s32 $0xBA00, s0;
	s12 =	sadd.s32 s7, s2  }
0xc: {  	s18 =	smul.u32 $0x500, s9;
	s24 =	sadd.s32 s5, s8;
	s0 =	sadd.s32 s6, s0  }
0xd: {  	s6 =	ssub.s32 s17, s10;
	s7 =	sadd.s32 $0x4000, s12;
	[dreg:$0x4] =	wrdreg s12  }
0xe: {  	s19 =	sadd.s32 $0x8000, s12;
	s20 =	sadd.s32 $0xC000, s12;
	[dreg:$0x5] =	wrdreg s7  }
0xf: {  	s21 =	sadd.s32 $0xFC00, s12;
	s25 =	sadd.s32 s23, s24;
	[dreg:$0x6] =	wrdreg s19  }
0x10: {  	s17 =	simm.s32 $0x3;
	s24 =	simm.s32 $0x2;
	[dreg:$0x7] =	wrdreg s20  }
0x11: {  	s12 =	simm.s32 $0x14080;
	s10 =	simm.s32 $0x0;
	[dreg:$0x8] =	wrdreg s21  }
0x12: {  	s22 =	sadd.s32 s1, s18;
	s7 =	sadd.s32 s8, s18;
	s1 =	sadd.s32 s5, s1  }
0x13: {  	s0 =	sadd.s32 $0xAA400, s0;
	s26 =	smax.u32 s6, $0x1;
	s14 =	sadd.s32 $0x100, s25  }
0x14: {  	s18 =	simm.s32 $0x13C00;
	s19 =	simm.s32 $0x14400;
	s20 =	simm.s32 $0x80  }
0x15: {  	s21 =	simm.s32 $0x1;
	s5 =	simm.s32 $0x14100;
	[dreg:$0x9] =	wrdreg s22  }
.Ltmp0:
0x16: {  	s25 =	simm.s32 $0x14180;
	[dreg:$0xa] =	wrdreg s7;
	(pc) =	sbr.rel .LBB2_1-.Ltmp0, $4  }
0x17: {  	s6 =	simm.s32 $0x14380;
	s8 =	simm.s32 $0x14B80;
	[dreg:$0xb] =	wrdreg s0  }
0x18: {  	s1 =	sadd.s32 s23, s1;
	[dreg:$0xc] =	wrdreg s26;
	s23 =	simm.s32 $0x18C00  }
0x19: {  	s22 =	simm.s32 $0x14880;
	s26 =	simm.s32 $0x14900;
	s0 =	simm.s32 $0x14A80  }
0x1a: {  	v0 =	vimm.f32 $0.0e+00;
	s7 =	simm.s32 $0x14B00;
	s15 =	sadd.s32 $0x100, s1;
	s1 =	simm.s32 $0x14300  }
.LBB2_6:
0x1b: {  	s9 =	stileid.u32;
	[bflag:$0x0] =	sbarrier.arrive $0xFFFF  }
0x1c: {  	s9 =	sshll.u32 s9, $0x6;
	s10 =	rddreg [dreg:$0x4]  }
0x1d: {  	s11 =	rddreg [dreg:$0xb];
	s9 =	sor.u32 $0x1C03, s9;
	s10 =	sshrl.u32 s10, $0x3  }
0x1e: {  	[hbm:s11], [sflag:s9] =	dma.local [spmem:s10], $0x2780  }
0x1f: {  	_ =	swait.ge [sflag:s17], $0x2780  }
0x20: {  	s9 =	rddreg [dreg:$0xd]  }
0x21: {  	s10 =	sadd.s32 $0x1, s9;
	s9 =	rddreg [dreg:$0xc]  }
0x22: {  	p0 =	sne.s32 s10, s9  }
.Ltmp1:
0x23: {  	_ = 	snop;
	(pc) =	sbr.rel @!p0 .LBB2_7-.Ltmp1, $3  }
0x24: {  	_ =	sdelay $0x1  }
0x25: {  	[sflag:s17] =	ssyncset.done $0x0  }
0x26: {  	s11 =	simm.s32 $0x13C80;
	[sflag:s17] =	ssyncadd.s32 $0xFFFFD880  }
.LBB2_1:
0x27: {  	[dreg:$0xd] =	wrdreg s10;
	s9 =	simm.s32 $0x0;
	s10 =	simm.s32 $0x200  }
.LBB2_2:
0x28: {  	p0 =	sne.s32 s10, $0xFE00;
	[tilespmem:s9+$0x14C70] =	vst v0  }
0x29: {  	[tilespmem:s9+$0x14C00] =	vst v0  }
0x2a: {  	[tilespmem:s9+$0x14C10] =	vst v0  }
.Ltmp2:
0x2b: {  	[tilespmem:s9+$0x14C20] =	vst v0;
	(pc) =	sbr.rel @p0 .LBB2_2-.Ltmp2, $4  }
0x2c: {  	[tilespmem:s9+$0x14C30] =	vst v0  }
0x2d: {  	[tilespmem:s9+$0x14C40] =	vst v0  }
0x2e: {  	[tilespmem:s9+$0x14C50] =	vst v0  }
0x2f: {  	[tilespmem:s9+$0x14C60] =	vst v0;
	s9 =	sshra.s32 s10, $0x2;
	s10 =	sadd.s32 $0x200, s10  }
0x30: {  	[tilespmem:s9+$0x14C70] =	vst v0  }
0x31: {  	[tilespmem:s9+$0x14C00] =	vst v0  }
0x32: {  	[tilespmem:s9+$0x14C10] =	vst v0  }
0x33: {  	[tilespmem:s9+$0x14C20] =	vst v0  }
0x34: {  	[tilespmem:s9+$0x14C30] =	vst v0  }
0x35: {  	[tilespmem:s9+$0x14C40] =	vst v0  }
0x36: {  	[tilespmem:s9+$0x14C50] =	vst v0  }
0x37: {  	[tilespmem:s9+$0x14C60] =	vst v0;
	s10 =	rddreg [dreg:$0x4]  }
0x38: {  	[spmem:s10] =	stream.linear.scatter [tilespmem:s16], [sflag:$0x3], $0x4000, $0x38;
	[tilespmem:$0x1CC00] =	vst v63  }
0x39: {  	_ =	swait.ge [sflag:s17], $0x4000  }
0x3a: {  	[sflag:s17] =	ssyncset.done $0x0  }
0x3b: {  	s10 =	rddreg [dreg:$0x5];
	[sflag:s17] =	ssyncadd.s32 $0xFFFFC000  }
0x3c: {  	[spmem:s10] =	stream.linear.scatter [tilespmem:s16], [sflag:$0x3], $0x4000, $0x38;
	[tilespmem:$0x1CC00] =	vst v63  }
0x3d: {  	_ =	swait.ge [sflag:s17], $0x4000  }
0x3e: {  	[sflag:s17] =	ssyncset.done $0x0  }
0x3f: {  	s10 =	rddreg [dreg:$0x6];
	[sflag:s17] =	ssyncadd.s32 $0xFFFFC000  }
0x40: {  	[spmem:s10] =	stream.linear.scatter [tilespmem:s16], [sflag:$0x3], $0x4000, $0x38;
	[tilespmem:$0x1CC00] =	vst v63  }
0x41: {  	_ =	swait.ge [sflag:s17], $0x4000  }
0x42: {  	[sflag:s17] =	ssyncset.done $0x0  }
0x43: {  	s10 =	rddreg [dreg:$0x7];
	[sflag:s17] =	ssyncadd.s32 $0xFFFFC000  }
0x44: {  	[spmem:s10] =	stream.linear.scatter [tilespmem:s16], [sflag:$0x3], $0x4000, $0x38;
	[tilespmem:$0x1CC00] =	vst v63  }
0x45: {  	_ =	swait.ge [sflag:s17], $0x4000  }
0x46: {  	[sflag:s17] =	ssyncset.done $0x0  }
0x47: {  	s10 =	rddreg [dreg:$0x8];
	[sflag:s17] =	ssyncadd.s32 $0xFFFFC000  }
0x48: {  	[spmem:s10] =	stream.linear.scatter [tilespmem:s16], [sflag:$0x3], $0x4000, $0x38;
	[tilespmem:$0x1CC00] =	vst v63  }
0x49: {  	_ =	swait.ge [sflag:s17], $0x4000  }
0x4a: {  	[sflag:s17] =	ssyncset.done $0x0  }
0x4b: {  	[sflag:s17] =	ssyncadd.s32 $0xFFFFC000  }
0x4c: {  	[bflag:$0x0] =	sbarrier.arrive $0xFFFF  }
0x4d: {  	s9 =	simm.s32 $0x0;
	s10 =	rddreg [dreg:$0x9]  }
0x4e: {  	[tilespmem:s18], [sflag:$0x3] =	stream.linear.gather [hbm4b:s10+s9], $0x800, $0x38;
	[tilespmem:$0x1CC00] =	vst v63  }
0x4f: {  	_ =	swait.ge [sflag:s17], $0x800  }
0x50: {  	[sflag:s17] =	ssyncset.done $0x0  }
0x51: {  	s10 =	rddreg [dreg:$0xa];
	[sflag:s17] =	ssyncadd.s32 $0xFFFFF800  }
0x52: {  	[tilespmem:s19], [sflag:$0x3] =	stream.linear.gather [hbm4b:s10+s9], $0x800, $0x38;
	[tilespmem:$0x1CC00] =	vst v63  }
0x53: {  	_ =	swait.ge [sflag:s17], $0x800  }
0x54: {  	[sflag:s17] =	ssyncset.done $0x0  }
0x55: {  	[sflag:s17] =	ssyncadd.s32 $0xFFFFF800  }
0x56: {  	[tilespmem:s16], [sflag:$0x1] =	stream.indirect.gather [hbm4b:s4+s20], $0x80, s18, s20, $0xb8;
	[tilespmem:$0x1CC00] =	vst v63  }
.LBB2_4:
0x57: {  	_ =	swait.ge [sflag:s21], $0x4000  }
0x58: {  	[sflag:s21] =	ssyncset.done $0x0  }
0x59: {  	[sflag:s21] =	ssyncadd.s32 $0xFFFFC000  }
0x5a: {  	[tilespmem:s23], [sflag:$0x2] =	stream.indirect.gather [hbm4b:s4+s20], $0x80, s11, s20, $0xb8;
	[tilespmem:$0x1CC00] =	vst v63  }
0x5b: {  	_ = 	snop  }
0x5c: {  	[spmem:s2] =	stream.indirect.scatter.add.f32 [tilespmem:s16], [sflag:$0x3], $0x80, s19, s20, $0xb8;
	[tilespmem:$0x1CC00] =	vst v63  }
0x5d: {  	_ =	swait.ge [sflag:s17], $0x4000  }
0x5e: {  	[sflag:s17] =	ssyncset.done $0x0  }
0x5f: {  	[sflag:s17] =	ssyncadd.s32 $0xFFFFC000  }
0x60: {  	_ =	swait.ge [sflag:s24], $0x4000  }
0x61: {  	[sflag:s24] =	ssyncset.done $0x0  }
0x62: {  	s10 =	simm.s32 $0x13D00;
	[sflag:s24] =	ssyncadd.s32 $0xFFFFC000  }
0x63: {  	[tilespmem:s16], [sflag:$0x1] =	stream.indirect.gather [hbm4b:s4+s20], $0x80, s10, s20, $0xb8;
	[tilespmem:$0x1CC00] =	vst v63  }
0x64: {  	s10 =	simm.s32 $0x14480  }
0x65: {  	[spmem:s2] =	stream.indirect.scatter.add.f32 [tilespmem:s23], [sflag:$0x3], $0x80, s10, s20, $0xb8;
	[tilespmem:$0x1CC00] =	vst v63  }
0x66: {  	_ =	swait.ge [sflag:s17], $0x4000  }
0x67: {  	[sflag:s17] =	ssyncset.done $0x0  }
0x68: {  	[sflag:s17] =	ssyncadd.s32 $0xFFFFC000  }
0x69: {  	_ =	swait.ge [sflag:s21], $0x4000  }
0x6a: {  	[sflag:s21] =	ssyncset.done $0x0  }
0x6b: {  	s10 =	simm.s32 $0x13D80;
	[sflag:s21] =	ssyncadd.s32 $0xFFFFC000  }
0x6c: {  	[tilespmem:s23], [sflag:$0x2] =	stream.indirect.gather [hbm4b:s4+s20], $0x80, s10, s20, $0xb8;
	[tilespmem:$0x1CC00] =	vst v63  }
0x6d: {  	s10 =	simm.s32 $0x14500  }
0x6e: {  	[spmem:s2] =	stream.indirect.scatter.add.f32 [tilespmem:s16], [sflag:$0x3], $0x80, s10, s20, $0xb8;
	[tilespmem:$0x1CC00] =	vst v63  }
0x6f: {  	_ =	swait.ge [sflag:s17], $0x4000  }
0x70: {  	[sflag:s17] =	ssyncset.done $0x0  }
0x71: {  	[sflag:s17] =	ssyncadd.s32 $0xFFFFC000  }
0x72: {  	_ =	swait.ge [sflag:s24], $0x4000  }
0x73: {  	[sflag:s24] =	ssyncset.done $0x0  }
0x74: {  	s10 =	simm.s32 $0x13E00;
	[sflag:s24] =	ssyncadd.s32 $0xFFFFC000  }
0x75: {  	[tilespmem:s16], [sflag:$0x1] =	stream.indirect.gather [hbm4b:s4+s20], $0x80, s10, s20, $0xb8;
	[tilespmem:$0x1CC00] =	vst v63  }
0x76: {  	s10 =	simm.s32 $0x14580  }
0x77: {  	[spmem:s2] =	stream.indirect.scatter.add.f32 [tilespmem:s23], [sflag:$0x3], $0x80, s10, s20, $0xb8;
	[tilespmem:$0x1CC00] =	vst v63  }
0x78: {  	_ =	swait.ge [sflag:s17], $0x4000  }
0x79: {  	[sflag:s17] =	ssyncset.done $0x0  }
0x7a: {  	[sflag:s17] =	ssyncadd.s32 $0xFFFFC000  }
0x7b: {  	_ =	swait.ge [sflag:s21], $0x4000  }
0x7c: {  	[sflag:s21] =	ssyncset.done $0x0  }
0x7d: {  	s10 =	simm.s32 $0x13E80;
	[sflag:s21] =	ssyncadd.s32 $0xFFFFC000  }
0x7e: {  	[tilespmem:s23], [sflag:$0x2] =	stream.indirect.gather [hbm4b:s4+s20], $0x80, s10, s20, $0xb8;
	[tilespmem:$0x1CC00] =	vst v63  }
0x7f: {  	s10 =	simm.s32 $0x14600  }
0x80: {  	[spmem:s2] =	stream.indirect.scatter.add.f32 [tilespmem:s16], [sflag:$0x3], $0x80, s10, s20, $0xb8;
	[tilespmem:$0x1CC00] =	vst v63  }
0x81: {  	_ =	swait.ge [sflag:s17], $0x4000  }
0x82: {  	[sflag:s17] =	ssyncset.done $0x0  }
0x83: {  	[sflag:s17] =	ssyncadd.s32 $0xFFFFC000  }
0x84: {  	_ =	swait.ge [sflag:s24], $0x4000  }
0x85: {  	[sflag:s24] =	ssyncset.done $0x0  }
0x86: {  	s10 =	simm.s32 $0x13F00;
	[sflag:s24] =	ssyncadd.s32 $0xFFFFC000  }
0x87: {  	[tilespmem:s16], [sflag:$0x1] =	stream.indirect.gather [hbm4b:s4+s20], $0x80, s10, s20, $0xb8;
	[tilespmem:$0x1CC00] =	vst v63  }
0x88: {  	s10 =	simm.s32 $0x14680  }
0x89: {  	[spmem:s2] =	stream.indirect.scatter.add.f32 [tilespmem:s23], [sflag:$0x3], $0x80, s10, s20, $0xb8;
	[tilespmem:$0x1CC00] =	vst v63  }
0x8a: {  	_ =	swait.ge [sflag:s17], $0x4000  }
0x8b: {  	[sflag:s17] =	ssyncset.done $0x0  }
0x8c: {  	[sflag:s17] =	ssyncadd.s32 $0xFFFFC000  }
0x8d: {  	_ =	swait.ge [sflag:s21], $0x4000  }
0x8e: {  	[sflag:s21] =	ssyncset.done $0x0  }
0x8f: {  	s10 =	simm.s32 $0x13F80;
	[sflag:s21] =	ssyncadd.s32 $0xFFFFC000  }
0x90: {  	[tilespmem:s23], [sflag:$0x2] =	stream.indirect.gather [hbm4b:s4+s20], $0x80, s10, s20, $0xb8;
	[tilespmem:$0x1CC00] =	vst v63  }
0x91: {  	s10 =	simm.s32 $0x14700  }
0x92: {  	[spmem:s2] =	stream.indirect.scatter.add.f32 [tilespmem:s16], [sflag:$0x3], $0x80, s10, s20, $0xb8;
	[tilespmem:$0x1CC00] =	vst v63  }
0x93: {  	_ =	swait.ge [sflag:s17], $0x4000  }
0x94: {  	[sflag:s17] =	ssyncset.done $0x0  }
0x95: {  	[sflag:s17] =	ssyncadd.s32 $0xFFFFC000  }
0x96: {  	_ =	swait.ge [sflag:s24], $0x4000  }
0x97: {  	[sflag:s24] =	ssyncset.done $0x0  }
0x98: {  	s10 =	simm.s32 $0x14000;
	[sflag:s24] =	ssyncadd.s32 $0xFFFFC000  }
0x99: {  	[tilespmem:s16], [sflag:$0x1] =	stream.indirect.gather [hbm4b:s4+s20], $0x80, s10, s20, $0xb8;
	[tilespmem:$0x1CC00] =	vst v63  }
0x9a: {  	s10 =	simm.s32 $0x14780  }
0x9b: {  	[spmem:s2] =	stream.indirect.scatter.add.f32 [tilespmem:s23], [sflag:$0x3], $0x80, s10, s20, $0xb8;
	[tilespmem:$0x1CC00] =	vst v63  }
0x9c: {  	_ =	swait.ge [sflag:s17], $0x4000  }
0x9d: {  	[sflag:s17] =	ssyncset.done $0x0  }
0x9e: {  	[sflag:s17] =	ssyncadd.s32 $0xFFFFC000  }
0x9f: {  	_ =	swait.ge [sflag:s21], $0x4000  }
0xa0: {  	[sflag:s21] =	ssyncset.done $0x0  }
0xa1: {  	[sflag:s21] =	ssyncadd.s32 $0xFFFFC000  }
0xa2: {  	[tilespmem:s23], [sflag:$0x2] =	stream.indirect.gather [hbm4b:s4+s20], $0x80, s12, s20, $0xb8;
	[tilespmem:$0x1CC00] =	vst v63  }
0xa3: {  	_ = 	snop  }
0xa4: {  	[spmem:s2] =	stream.indirect.scatter.add.f32 [tilespmem:s16], [sflag:$0x3], $0x80, s13, s20, $0xb8;
	[tilespmem:$0x1CC00] =	vst v63  }
0xa5: {  	_ =	swait.ge [sflag:s17], $0x4000  }
0xa6: {  	[sflag:s17] =	ssyncset.done $0x0  }
0xa7: {  	[sflag:s17] =	ssyncadd.s32 $0xFFFFC000  }
0xa8: {  	_ =	swait.ge [sflag:s24], $0x4000  }
0xa9: {  	[sflag:s24] =	ssyncset.done $0x0  }
0xaa: {  	[sflag:s24] =	ssyncadd.s32 $0xFFFFC000  }
0xab: {  	[tilespmem:s16], [sflag:$0x1] =	stream.indirect.gather [hbm4b:s4+s20], $0x80, s5, s20, $0xb8;
	[tilespmem:$0x1CC00] =	vst v63  }
0xac: {  	_ = 	snop  }
0xad: {  	[spmem:s2] =	stream.indirect.scatter.add.f32 [tilespmem:s23], [sflag:$0x3], $0x80, s22, s20, $0xb8;
	[tilespmem:$0x1CC00] =	vst v63  }
0xae: {  	_ =	swait.ge [sflag:s17], $0x4000  }
0xaf: {  	[sflag:s17] =	ssyncset.done $0x0  }
0xb0: {  	[sflag:s17] =	ssyncadd.s32 $0xFFFFC000  }
0xb1: {  	_ =	swait.ge [sflag:s21], $0x4000  }
0xb2: {  	[sflag:s21] =	ssyncset.done $0x0  }
0xb3: {  	[sflag:s21] =	ssyncadd.s32 $0xFFFFC000  }
0xb4: {  	[tilespmem:s23], [sflag:$0x2] =	stream.indirect.gather [hbm4b:s4+s20], $0x80, s25, s20, $0xb8;
	[tilespmem:$0x1CC00] =	vst v63  }
0xb5: {  	_ = 	snop  }
0xb6: {  	[spmem:s2] =	stream.indirect.scatter.add.f32 [tilespmem:s16], [sflag:$0x3], $0x80, s26, s20, $0xb8;
	[tilespmem:$0x1CC00] =	vst v63  }
0xb7: {  	_ =	swait.ge [sflag:s17], $0x4000  }
0xb8: {  	[sflag:s17] =	ssyncset.done $0x0  }
0xb9: {  	[sflag:s17] =	ssyncadd.s32 $0xFFFFC000  }
0xba: {  	_ =	swait.ge [sflag:s24], $0x4000  }
0xbb: {  	[sflag:s24] =	ssyncset.done $0x0  }
0xbc: {  	[sflag:s24] =	ssyncadd.s32 $0xFFFFC000  }
0xbd: {  	[tilespmem:s16], [sflag:$0x1] =	stream.indirect.gather [hbm4b:s4+s20], $0x80, s28, s20, $0xb8;
	[tilespmem:$0x1CC00] =	vst v63  }
0xbe: {  	_ = 	snop  }
0xbf: {  	[spmem:s2] =	stream.indirect.scatter.add.f32 [tilespmem:s23], [sflag:$0x3], $0x80, s29, s20, $0xb8;
	[tilespmem:$0x1CC00] =	vst v63  }
0xc0: {  	_ =	swait.ge [sflag:s17], $0x4000  }
0xc1: {  	[sflag:s17] =	ssyncset.done $0x0  }
0xc2: {  	[sflag:s17] =	ssyncadd.s32 $0xFFFFC000  }
0xc3: {  	_ =	swait.ge [sflag:s21], $0x4000  }
0xc4: {  	[sflag:s21] =	ssyncset.done $0x0  }
0xc5: {  	[sflag:s21] =	ssyncadd.s32 $0xFFFFC000  }
0xc6: {  	[tilespmem:s23], [sflag:$0x2] =	stream.indirect.gather [hbm4b:s4+s20], $0x80, s30, s20, $0xb8;
	[tilespmem:$0x1CC00] =	vst v63  }
0xc7: {  	_ = 	snop  }
0xc8: {  	[spmem:s2] =	stream.indirect.scatter.add.f32 [tilespmem:s16], [sflag:$0x3], $0x80, s31, s20, $0xb8;
	[tilespmem:$0x1CC00] =	vst v63  }
0xc9: {  	_ =	swait.ge [sflag:s17], $0x4000  }
0xca: {  	[sflag:s17] =	ssyncset.done $0x0  }
0xcb: {  	[sflag:s17] =	ssyncadd.s32 $0xFFFFC000  }
0xcc: {  	_ =	swait.ge [sflag:s24], $0x4000  }
0xcd: {  	[sflag:s24] =	ssyncset.done $0x0  }
0xce: {  	[sflag:s24] =	ssyncadd.s32 $0xFFFFC000  }
0xcf: {  	[tilespmem:s16], [sflag:$0x1] =	stream.indirect.gather [hbm4b:s4+s20], $0x80, s1, s20, $0xb8;
	[tilespmem:$0x1CC00] =	vst v63  }
0xd0: {  	_ = 	snop  }
0xd1: {  	[spmem:s2] =	stream.indirect.scatter.add.f32 [tilespmem:s23], [sflag:$0x3], $0x80, s0, s20, $0xb8;
	[tilespmem:$0x1CC00] =	vst v63  }
0xd2: {  	_ =	swait.ge [sflag:s17], $0x4000  }
0xd3: {  	[sflag:s17] =	ssyncset.done $0x0  }
0xd4: {  	[sflag:s17] =	ssyncadd.s32 $0xFFFFC000  }
0xd5: {  	_ =	swait.ge [sflag:s21], $0x4000  }
0xd6: {  	[sflag:s21] =	ssyncset.done $0x0  }
0xd7: {  	[sflag:s21] =	ssyncadd.s32 $0xFFFFC000  }
0xd8: {  	[tilespmem:s23], [sflag:$0x2] =	stream.indirect.gather [hbm4b:s4+s20], $0x80, s6, s20, $0xb8;
	[tilespmem:$0x1CC00] =	vst v63  }
0xd9: {  	_ = 	snop  }
0xda: {  	[spmem:s2] =	stream.indirect.scatter.add.f32 [tilespmem:s16], [sflag:$0x3], $0x80, s7, s20, $0xb8;
	[tilespmem:$0x1CC00] =	vst v63  }
0xdb: {  	_ =	swait.ge [sflag:s17], $0x4000  }
0xdc: {  	[sflag:s17] =	ssyncset.done $0x0  }
0xdd: {  	[sflag:s17] =	ssyncadd.s32 $0xFFFFC000  }
0xde: {  	_ =	swait.ge [sflag:s24], $0x4000  }
0xdf: {  	p0 =	seq.s32 s9, $0x400;
	[sflag:s24] =	ssyncset.done $0x0  }
.Ltmp3:
0xe0: {  	[sflag:s24] =	ssyncadd.s32 $0xFFFFC000;
	(pc) =	sbr.rel @p0 .LBB2_6-.Ltmp3, $4  }
0xe1: {  	[spmem:s2] =	stream.indirect.scatter.add.f32 [tilespmem:s23], [sflag:$0x3], $0x80, s8, s20, $0xb8;
	[tilespmem:$0x1CC00] =	vst v63  }
0xe2: {  	_ =	swait.ge [sflag:s17], $0x4000  }
0xe3: {  	[sflag:s17] =	ssyncset.done $0x0  }
0xe4: {  	[sflag:s17] =	ssyncadd.s32 $0xFFFFC000  }
0xe5: {  	s10 =	sadd.s32 s9, s15  }
0xe6: {  	[tilespmem:s18], [sflag:$0x3] =	stream.linear.gather [hbm4b:s10+s3], $0x800, $0x38;
	[tilespmem:$0x1CC00] =	vst v63  }
0xe7: {  	_ =	swait.ge [sflag:s17], $0x800  }
0xe8: {  	[sflag:s17] =	ssyncset.done $0x0  }
0xe9: {  	s10 =	sadd.s32 s9, s14;
	[sflag:s17] =	ssyncadd.s32 $0xFFFFF800  }
0xea: {  	[tilespmem:s19], [sflag:$0x3] =	stream.linear.gather [hbm4b:s10+s3], $0x800, $0x38;
	[tilespmem:$0x1CC00] =	vst v63  }
.Ltmp4:
0xeb: {  	_ = 	snop;
	(pc) =	sbr.rel .LBB2_4-.Ltmp4, $4  }
0xec: {  	_ =	swait.ge [sflag:s17], $0x800  }
0xed: {  	[sflag:s17] =	ssyncset.done $0x0  }
0xee: {  	s9 =	sadd.s32 $0x100, s9;
	[sflag:s17] =	ssyncadd.s32 $0xFFFFF800  }
0xef: {  	[tilespmem:s16], [sflag:$0x1] =	stream.indirect.gather [hbm4b:s4+s20], $0x80, s18, s20, $0xb8;
	[tilespmem:$0x1CC00] =	vst v63  }
.LBB2_7:
0xf0: {  	_ =	sfence.sel $0x180000  }
0xf1: {  	[bflag:$0x0] =	sbarrier.arrive $0xFFFF  }
0xf2: {  	_ =	strace $0x9000004D  }
0xf3: {  	s0 =	stileid.u32;
	[bflag:$0x2] =	sbarrier.arrive $0xFFFF  }
0xf4: {  	p0 =	sne.s32 s0, $0x0;
	s0 =	rddreg [dreg:$0x3]  }
0xf5: {  	s0 =	sadd.s32 @!p0 $0x100000, s0  }
0xf6: {  	[sflag:s0] =	ssyncadd.tile.s32 @!p0 $0x1;
	_ =	shalt  }
.Lfunc_end2:
_tile_overlayer_lowered:
.L_overlay_start_2:
0xf7: {  	(tag) =	ssettag $0x2  }
0xf8: {  	s0 =	rddreg [dreg:$0x0];
	s2 =	stileid.u32  }
0xf9: {  	s1 =	rddreg [dreg:$0x1];
	p0 =	sne.s32 s2, $0x0  }
0xfa: {  	s3 =	rddreg [dreg:$0x2];
	[bflag:$0x3] =	sbarrier.arrive $0xFFFF;
	s2 =	simm.s32 @!p0 $0x1C03  }
0xfb: {  	[timem:s3], [sflag:s2] =	dma.local @!p0 [hbm:s0], s1  }
0xfc: {  	s0 =	simm.s32 @!p0 $0x3  }
0xfd: {  	_ =	swait.ge @!p0 [sflag:s0], s1  }
0xfe: {  	s1 =	ssub.s32 @!p0 $0x0, s1;
	[sflag:s0] =	ssyncset.done @!p0 $0x0  }
0xff: {  	[sflag:s0] =	ssyncadd.s32 @!p0 s1  }
0x100: {  	[bflag:$0x3] =	sbarrier.arrive $0xFFFF  }
0x101: {  	_ =	shalt  }

// kernel: kernel.7.cloned.1.call-start
scs
__scs_entry_jumppad:
0x0: {  	(pc) =	sbr.rel $0x88, $3  }
0x1: {  	(tag) =	ssettag $0x0;
	lr =	simm.s32 $0x1  }
0x2: {  	[smem:$0x3F9B] =	sst lr;
	_ =	strace $0xD0000000  }
0x3: {  	_ = 	snop  }
0x4: {  	_ = 	snop  }
0x5: {  	_ = 	snop  }
0x6: {  	_ = 	snop  }
0x7: {  	_ = 	snop  }
__scs_overlays_trampoline_lowered:
0x8: {  	[smem:$0x3FAA] =	sst s0  }
0x9: {  	[smem:$0x3FAB] =	sst s1  }
0xa: {  	[smem:$0x3FAC] =	sst s2  }
0xb: {  	[smem:$0x3FAD] =	sst s3  }
0xc: {  	[smem:$0x3FAE] =	sst s4  }
0xd: {  	[smem:$0x3FAF] =	sst s5  }
0xe: {  	[smem:$0x3FB0] =	sst s6  }
0xf: {  	[smem:$0x3FB1] =	sst s7  }
0x10: {  	[smem:$0x3FB2] =	sst s8  }
0x11: {  	[smem:$0x3FB3] =	sst s9;
	s0 =	simm.s32 @!p0 $0x0  }
0x12: {  	s1 =	sld [smem:$0x3F99];
	s0 =	simm.s32 @p0 $0x1  }
0x13: {  	[smem:$0x3FB4] =	sst s0;
	s0 =	simm.s32 @!p1 $0x0  }
0x14: {  	s2 =	sld [smem:$0x3F98];
	s0 =	simm.s32 @p1 $0x1  }
0x15: {  	[smem:$0x3FB5] =	sst s0;
	s0 =	simm.s32 @!p2 $0x0  }
0x16: {  	s3 =	sld [smem:$0x3FDB];
	s0 =	simm.s32 @p2 $0x1  }
0x17: {  	s4 =	simm.s32 $0x1BF5;
	[smem:$0x3FB7] =	sst s0  }
0x18: {  	s0 =	sld [smem:$0x3F9A];
	_ =	swait.ge [sflag:s4], $0x0  }
0x19: {  	s7 =	sld [smem:$0x3F9B]  }
0x1a: {  	s8 =	sadd.s32 $0xFFFFE003, lr  }
0x1b: {  	s9 =	sadd.s32 $0xFFFFFEF7, lr;
	s5 =	simm.s32 $0xFFFFFFFF;
	p2 =	slt.u32 s8, $0xFFFFF086  }
0x1c: {  	p1 =	slt.u32 s9, $0xF7A;
	s5 =	simm.s32 @!p2 $0x0  }
0x1d: {  	s5 =	simm.s32 @p1 $0x1;
	p0 =	seq.s32 s7, s2  }
0x1e: {  	s7 =	smul.u32 @!p0 $0xF7A, s2;
	p2 =	seq.s32 @!p0 s5, $0x0  }
0x1f: {  	s9 =	smul.u32 $0xF7A, s1;
	s8 =	simm.s32 @!p0 $0x1BF5;
	p2 =	por !p2, p0  }
0x20: {  	[sflag:s8] =	ssyncset.s32 @!p0 $0xFFFFF086;
	s6 =	sadd.s32 @!p0 s3, s7;
	s7 =	simm.s32 @!p0 $0x108  }
0x21: {  	s3 =	sadd.s32 s3, s9;
	s6 =	sadd.s32 @!p0 $0x88, s6;
	s7 =	simm.s32 @p2 $0x1082  }
0x22: {  	[simem:s7], [sflag:s8] =	dma.local @!p0 [hbm:s6], $0xF7A  }
0x23: {  	s9 =	sor.u32 $0xD0000000, s2;
	s6 =	simm.s32 $0x108;
	_ =	swait.ge @!p0 [sflag:s8], $0x0  }
0x24: {  	s3 =	sadd.s32 $0x88, s3;
	s6 =	simm.s32 @!p1 $0x1082;
	[sflag:s4] =	ssyncset.s32 $0xFFFFF086  }
0x25: {  	[simem:s6], [sflag:s4] =	dma.local [hbm:s3], $0xF7A  }
0x26: {  	[smem:$0x3F9B] =	sst s1;
	(tag) =	ssettag s2;
	_ =	strace s9  }
0x27: {  	s1 =	sld [smem:$0x3FAB]  }
0x28: {  	s2 =	sld [smem:$0x3FAC]  }
0x29: {  	s4 =	sld [smem:$0x3FAE]  }
0x2a: {  	p0 =	seq.s32 s5, $0x0;
	s5 =	sld [smem:$0x3FAF]  }
0x2b: {  	s6 =	sld [smem:$0x3FB0]  }
0x2c: {  	s7 =	sld [smem:$0x3FB1]  }
0x2d: {  	s3 =	simm.s32 $0x108;
	s8 =	sld [smem:$0x3FB2]  }
0x2e: {  	s3 =	simm.s32 @!p0 $0x1082;
	s9 =	sld [smem:$0x3FB3]  }
0x2f: {  	lr =	sadd.s32 s0, s3;
	s0 =	sld [smem:$0x3FAA]  }
0x30: {  	s3 =	sld [smem:$0x3FAD]  }
0x31: {  	[smem:$0x3FB6] =	sst s10  }
0x32: {  	s10 =	sld [smem:$0x3FB4];
	_ =	sdelay $0x3  }
0x33: {  	p0 =	seq.s32 s10, $0x1;
	s10 =	sld [smem:$0x3FB6];
	_ =	sdelay $0x3  }
0x34: {  	[smem:$0x3FB6] =	sst s10  }
0x35: {  	s10 =	sld [smem:$0x3FB5];
	_ =	sdelay $0x3  }
0x36: {  	p1 =	seq.s32 s10, $0x1;
	s10 =	sld [smem:$0x3FB6];
	_ =	sdelay $0x3  }
0x37: {  	[smem:$0x3FB6] =	sst s10  }
0x38: {  	s10 =	sld [smem:$0x3FB7]  }
0x39: {  	_ = 	snop;
	(pc) =	sbr.ind lr, $3  }
0x3a: {  	_ = 	snop  }
0x3b: {  	_ = 	snop  }
0x3c: {  	p2 =	seq.s32 s10, $0x1;
	s10 =	sld [smem:$0x3FB6]  }
0x3d: {  	_ =	shalt  }
0x3e: {  	_ =	shalt  }
0x3f: {  	_ =	shalt  }
0x40: {  	_ =	shalt  }
0x41: {  	_ =	shalt  }
0x42: {  	_ =	shalt  }
0x43: {  	_ =	shalt  }
0x44: {  	_ =	shalt  }
0x45: {  	_ =	shalt  }
0x46: {  	_ =	shalt  }
0x47: {  	_ =	shalt  }
0x48: {  	_ =	shalt  }
0x49: {  	_ =	shalt  }
0x4a: {  	_ =	shalt  }
0x4b: {  	_ =	shalt  }
0x4c: {  	_ =	shalt  }
0x4d: {  	_ =	shalt  }
0x4e: {  	_ =	shalt  }
0x4f: {  	_ =	shalt  }
0x50: {  	_ =	shalt  }
0x51: {  	_ =	shalt  }
0x52: {  	_ =	shalt  }
0x53: {  	_ =	shalt  }
0x54: {  	_ =	shalt  }
0x55: {  	_ =	shalt  }
0x56: {  	_ =	shalt  }
0x57: {  	_ =	shalt  }
0x58: {  	_ =	shalt  }
0x59: {  	_ =	shalt  }
0x5a: {  	_ =	shalt  }
0x5b: {  	_ =	shalt  }
0x5c: {  	_ =	shalt  }
0x5d: {  	_ =	shalt  }
0x5e: {  	_ =	shalt  }
0x5f: {  	_ =	shalt  }
0x60: {  	_ =	shalt  }
0x61: {  	_ =	shalt  }
0x62: {  	_ =	shalt  }
0x63: {  	_ =	shalt  }
0x64: {  	_ =	shalt  }
0x65: {  	_ =	shalt  }
0x66: {  	_ =	shalt  }
0x67: {  	_ =	shalt  }
0x68: {  	_ =	shalt  }
0x69: {  	_ =	shalt  }
0x6a: {  	_ =	shalt  }
0x6b: {  	_ =	shalt  }
0x6c: {  	_ =	shalt  }
0x6d: {  	_ =	shalt  }
0x6e: {  	_ =	shalt  }
0x6f: {  	_ =	shalt  }
0x70: {  	_ =	shalt  }
0x71: {  	_ =	shalt  }
0x72: {  	_ =	shalt  }
0x73: {  	_ =	shalt  }
0x74: {  	_ =	shalt  }
0x75: {  	_ =	shalt  }
0x76: {  	_ =	shalt  }
0x77: {  	_ =	shalt  }
0x78: {  	_ =	shalt  }
0x79: {  	_ =	shalt  }
0x7a: {  	_ =	shalt  }
0x7b: {  	_ =	shalt  }
0x7c: {  	_ =	shalt  }
0x7d: {  	_ =	shalt  }
0x7e: {  	_ =	shalt  }
0x7f: {  	_ =	shalt  }
0x80: {  	_ =	shalt  }
0x81: {  	_ =	shalt  }
0x82: {  	_ =	shalt  }
0x83: {  	_ =	shalt  }
0x84: {  	_ =	shalt  }
0x85: {  	_ =	shalt  }
0x86: {  	_ =	shalt  }
0x87: {  	_ =	shalt  }
.Lfunc_end0:
.L_simem_size_0:
called_computation_lowered:
.L_overlay_start_0:
0x88: {  	s2 =	sld [smem:$0x3FD9]  }
0x89: {  	s3 =	sld [smem:$0x3FFE];
	_ =	sdelay $0x1  }
0x8a: {  	s1 =	srdreg.scid  }
0x8b: {  	s0 =	sand.u32 $0x1, s1  }
0x8c: {  	s16 =	sshll.u32 s0, $0xA;
	s2 =	sadd.s32 s3, s2  }
0x8d: {  	s2 =	sadd.s32 s2, s16  }
0x8e: {  	[smem:$0x3FC2] =	sst s2  }
0x8f: {  	_ = 	snop  }
0x90: {  	(tm) =	ssettm $0x1  }
0x91: {  	s17 =	sld [smem:$0x3FFB];
	_ =	sdelay $0x3  }
0x92: {  	_ =	strace s17  }
0x93: {  	s2 =	sld [smem:$0x3FFC];
	_ =	sdelay $0x3  }
0x94: {  	_ =	strace s2  }
0x95: {  	s2 =	sld [smem:$0x3FFD];
	_ =	sdelay $0x3  }
0x96: {  	_ =	strace s2  }
0x97: {  	_ =	strace $0x8FFFFFFF  }
0x98: {  	s18 =	sld [smem:$0x3FDB];
	_ =	sdelay $0x1  }
0x99: {  	s19 =	simm.s32 $_scs_section_size  }
0x9a: {  	s4 =	simm.s32 $_size__tile_overlayer_lowered;
	s5 =	simm.s32 $_tile_overlayer_lowered  }
0x9b: {  	s22 =	simm.s32 $0x1BFF;
	s21 =	sshll.u32 s5, $0x1;
	s2 =	sadd.s32 s19, s18  }
0x9c: {  	s6 =	simm.s32 $0x0;
	s20 =	sshll.u32 s4, $0x1;
	s4 =	sadd.s32 s21, s2  }
0x9d: {  	[timem:s6], [sflag:s22] =	dma.local [hbm:s4], s20  }
0x9e: {  	_ =	swait.ge [sflag:s22], s20  }
0x9f: {  	s3 =	ssub.s32 $0x0, s20;
	[sflag:s22] =	ssyncset.done $0x0  }
0xa0: {  	[sflag:s22] =	ssyncadd.s32 s3;
	_ =	sdelay $0x1  }
0xa1: {  	s23 =	simm.s32 $0x1B8B  }
0xa2: {  	_ =	swait.ge [sflag:s23], $0x1  }
0xa3: {  	[sflag:s23] =	ssyncset.done $0x0  }
0xa4: {  	s25 =	simm.s32 $0x1B8E;
	s24 =	sld [smem:$0x3FFE];
	[sflag:s23] =	ssyncadd.s32 $0xFFFFFFFF  }
0xa5: {  	s26 =	simm.s32 $execute0_lowered;
	[smem:$0x3FD2] =	sst s25  }
0xa6: {  	s4 =	sshll.u32 s26, $0x1;
	_ =	strace $0x80000046;
	[dreg:$0x1] =	wrdreg $0xFFFFFFFF  }
0xa7: {  	s28 =	simm.s32 $_size_execute0_lowered;
	s2 =	sadd.s32 s2, s4;
	[dreg:$0x0] =	wrdreg $0x0  }
0xa8: {  	s4 =	sshll.u32 s28, $0x1;
	[dreg:$0x2] =	wrdreg s2  }
0xa9: {  	[dreg:$0x3] =	wrdreg s4  }
0xaa: {  	[dreg:$0x4] =	wrdreg $0xC0  }
0xab: {  	_ =	task [dreg:s6], $0x5FFFF  }
0xac: {  	[dreg:$0x1] =	wrdreg $0xFFFFFFFF  }
0xad: {  	[dreg:$0x0] =	wrdreg $0x60  }
0xae: {  	[dreg:$0x2] =	wrdreg s24  }
0xaf: {  	[dreg:$0x3] =	wrdreg $0x0  }
0xb0: {  	[dreg:$0x4] =	wrdreg $0x9  }
0xb1: {  	_ =	task.clear_ibuf [dreg:s6], $0x5FFFF;
	_ =	strace $0x90000046  }
0xb2: {  	s29 =	simm.s32 $0x9;
	_ =	strace $0x80000048  }
0xb3: {  	_ =	swait.ge [sflag:s29], $0x1  }
0xb4: {  	[sflag:s29] =	ssyncadd.s32 $0xFFFFFFFF  }
0xb5: {  	_ =	strace $0x90000048  }
0xb6: {  	_ =	sfence  }
0xb7: {  	s30 =	sld [smem:$0x0];
	_ =	sdelay $0x2  }
0xb8: {  	s31 =	sshll.u32 s1, $0xD;
	s1 =	sshrl.u32 s1, $0x2  }
0xb9: {  	s3 =	sand.u32 $0x4000, s31;
	s1 =	sadd.s32 s1, s30  }
0xba: {  	s0 =	sor.u32 s3, s0;
	s1 =	sshll.u32 s1, $0x11  }
0xbb: {  	s0 =	sor.u32 s1, s0  }
0xbc: {  	s0 =	sadd.s32 $0x8F2B, s0  }
0xbd: {  	[sflag:s0] =	ssyncadd.remote.s32 $0x1  }
0xbe: {  	_ =	sfence.sel $0xFFFF  }
0xbf: {  	[dreg:$0x0] =	wrdreg $0xFFFFFFFF;
	(pc) =	sbr.abs _section_cstart, $3  }
0xc0: {  	[dreg:$0x1] =	wrdreg $0xFFFFFFFF  }
0xc1: {  	_ =	task.clear_ibuf [dreg:s6], $0x2FFFF;
	_ =	strace $0x9FFFFFFF  }
0xc2: {  	(tm) =	ssettm $0x7FFFFFFF  }
0xc3: {  	_ =	shalt  }
tec
execute0_lowered:
.L_overlay_start_1:
0x0: {  	(tag) =	ssettag $0x1  }
0x1: {  	s0 =	srdreg.scid;
	s1 =	rddreg [dreg:$0x0]  }
0x2: {  	s24 =	stileid.u32;
	s2 =	rddreg [dreg:$0x1]  }
0x3: {  	s3 =	simm.s32 $0x0;
	s9 =	simm.s32 $0x1;
	s10 =	simm.s32 $0x278  }
0x4: {  	s11 =	simm.s32 $0x80;
	s12 =	simm.s32 $0xA78;
	s13 =	simm.s32 $0x2F8  }
0x5: {  	s14 =	simm.s32 $0x378;
	s15 =	simm.s32 $0x3F8;
	s16 =	simm.s32 $0x478  }
0x6: {  	s17 =	simm.s32 $0x4F8;
	s18 =	simm.s32 $0x578;
	s19 =	simm.s32 $0x5F8  }
0x7: {  	s20 =	simm.s32 $0x678;
	s21 =	simm.s32 $0x6F8;
	s6 =	smul.u32 $0x2800, s24  }
0x8: {  	s22 =	simm.s32 $0x778;
	s4 =	sand.u32 $0x1, s0;
	s7 =	smul.u32 $0x278, s24  }
0x9: {  	s23 =	simm.s32 $0x7F8;
	s28 =	simm.s32 $0x9F8;
	s5 =	smul.u32 $0x28000, s4  }
0xa: {  	s29 =	simm.s32 $0x0;
	[smem:$0x7FF] =	sst s3;
	s8 =	smul.u32 $0x2780, s4  }
0xb: {  	s24 =	simm.s32 $0x878;
	_ =	strace $0x80000047;
	s4 =	ssub.s32 $0x2, s4  }
0xc: {  	s31 =	sshrl.u32 s4, $0x1;
	s5 =	sadd.s32 s6, s5;
	s25 =	sadd.s32 s7, s8  }
0xd: {  	s6 =	ssub.s32 s4, s31;
	s4 =	sadd.s32 s7, s2;
	s8 =	simm.s32 $0xAF8  }
0xe: {  	s5 =	sshrl.u32 s5, $0x3;
	s30 =	sshrl.u32 s25, $0x3;
	s6 =	smax.u32 s6, $0x1  }
0xf: {  	s25 =	simm.s32 $0x8F8;
	s26 =	sadd.s32 s5, s1;
	s1 =	sadd.s32 s30, s1  }
0x10: {  	v0 =	vimm.f32 $1.000000000e+00;
	v1 =	vimm.f32 $0.0e+00;
	s5 =	sadd.s32 $0xBA00, s1;
	s7 =	sadd.s32 $0x1A00, s26;
	s26 =	simm.s32 $0x978  }
.LBB2_1:
0x11: {  	[tilespmem:$0xA78] =	vst v0  }
0x12: {  	[tilespmem:$0xA88] =	vst v0  }
0x13: {  	[tilespmem:$0xA98] =	vst v0  }
0x14: {  	[tilespmem:$0xAA8] =	vst v0  }
0x15: {  	[tilespmem:$0xAB8] =	vst v0  }
0x16: {  	[tilespmem:$0xAC8] =	vst v0  }
0x17: {  	[tilespmem:$0xAD8] =	vst v0  }
0x18: {  	[tilespmem:$0xAE8] =	vst v0  }
0x19: {  	[tilespmem:$0xAF8] =	vst v1  }
0x1a: {  	[tilespmem:$0xB08] =	vst v1  }
0x1b: {  	[tilespmem:$0xB18] =	vst v1  }
0x1c: {  	[tilespmem:$0xB28] =	vst v1  }
0x1d: {  	[tilespmem:$0xB38] =	vst v1  }
0x1e: {  	[tilespmem:$0xB48] =	vst v1  }
0x1f: {  	[tilespmem:$0xB58] =	vst v1  }
0x20: {  	[tilespmem:$0xB68] =	vst v1  }
0x21: {  	[tilespmem:$0xB78] =	vst v1  }
0x22: {  	[tilespmem:$0xB88] =	vst v1  }
0x23: {  	[tilespmem:$0xB98] =	vst v1  }
0x24: {  	[tilespmem:$0xBA8] =	vst v1  }
0x25: {  	[tilespmem:$0xBB8] =	vst v1  }
0x26: {  	[tilespmem:$0xBC8] =	vst v1  }
0x27: {  	[tilespmem:$0xBD8] =	vst v1  }
0x28: {  	[tilespmem:$0xBE8] =	vst v1  }
0x29: {  	[tilespmem:$0xBF8] =	vst v1  }
0x2a: {  	[tilespmem:$0xC08] =	vst v1  }
0x2b: {  	[tilespmem:$0xC18] =	vst v1  }
0x2c: {  	[tilespmem:$0xC28] =	vst v1  }
0x2d: {  	[tilespmem:$0xC38] =	vst v1  }
0x2e: {  	[tilespmem:$0xC48] =	vst v1  }
0x2f: {  	[tilespmem:$0xC58] =	vst v1  }
0x30: {  	[tilespmem:$0xC68] =	vst v1  }
0x31: {  	[tilespmem:$0xC78] =	vst v1  }
0x32: {  	[tilespmem:$0xC88] =	vst v1  }
0x33: {  	[tilespmem:$0xC98] =	vst v1  }
0x34: {  	[tilespmem:$0xCA8] =	vst v1  }
0x35: {  	[tilespmem:$0xCB8] =	vst v1  }
0x36: {  	[tilespmem:$0xCC8] =	vst v1  }
0x37: {  	[tilespmem:$0xCD8] =	vst v1  }
0x38: {  	[tilespmem:$0xCE8] =	vst v1  }
0x39: {  	[tilespmem:$0xCF8] =	vst v1  }
0x3a: {  	[tilespmem:$0xD08] =	vst v1  }
0x3b: {  	[tilespmem:$0xD18] =	vst v1  }
0x3c: {  	[tilespmem:$0xD28] =	vst v1  }
0x3d: {  	[tilespmem:$0xD38] =	vst v1  }
0x3e: {  	[tilespmem:$0xD48] =	vst v1  }
0x3f: {  	[tilespmem:$0xD58] =	vst v1  }
0x40: {  	[tilespmem:$0xD60] =	vst v1  }
0x41: {  	[spmem:s4] =	stream.linear.scatter [tilespmem:s8], [sflag:$0x1], $0x278, $0x38;
	[tilespmem:$0xD78] =	vst v63  }
0x42: {  	_ =	swait.ge [sflag:s9], $0x278  }
0x43: {  	[sflag:s9] =	ssyncset.done $0x0  }
0x44: {  	[sflag:s9] =	ssyncadd.s32 $0xFFFFFD88  }
0x45: {  	s1 =	sadd.s32 $0x0, s7;
	[bflag:$0x0] =	sbarrier.arrive $0xFFFF  }
0x46: {  	[tilespmem:s10], [sflag:$0x1] =	stream.linear.gather [hbm4b:s1+s3], $0x800, $0x38;
	[tilespmem:$0xD78] =	vst v63  }
0x47: {  	_ =	swait.ge [sflag:s9], $0x800  }
0x48: {  	[sflag:s9] =	ssyncset.done $0x0  }
0x49: {  	[sflag:s9] =	ssyncadd.s32 $0xFFFFF800  }
0x4a: {  	[spmem:s2] =	stream.indirect.scatter.add.f32 [tilespmem:s12], [sflag:$0x1], $0x1, s10, s11, $0xb8;
	[tilespmem:$0xD78] =	vst v63  }
0x4b: {  	_ =	swait.ge [sflag:s9], $0x80  }
0x4c: {  	[sflag:s9] =	ssyncset.done $0x0  }
0x4d: {  	[sflag:s9] =	ssyncadd.s32 $0xFFFFFF80  }
0x4e: {  	[spmem:s2] =	stream.indirect.scatter.add.f32 [tilespmem:s12], [sflag:$0x1], $0x1, s13, s11, $0xb8;
	[tilespmem:$0xD78] =	vst v63  }
0x4f: {  	_ =	swait.ge [sflag:s9], $0x80  }
0x50: {  	[sflag:s9] =	ssyncset.done $0x0  }
0x51: {  	[sflag:s9] =	ssyncadd.s32 $0xFFFFFF80  }
0x52: {  	[spmem:s2] =	stream.indirect.scatter.add.f32 [tilespmem:s12], [sflag:$0x1], $0x1, s14, s11, $0xb8;
	[tilespmem:$0xD78] =	vst v63  }
0x53: {  	_ =	swait.ge [sflag:s9], $0x80  }
0x54: {  	[sflag:s9] =	ssyncset.done $0x0  }
0x55: {  	[sflag:s9] =	ssyncadd.s32 $0xFFFFFF80  }
0x56: {  	[spmem:s2] =	stream.indirect.scatter.add.f32 [tilespmem:s12], [sflag:$0x1], $0x1, s15, s11, $0xb8;
	[tilespmem:$0xD78] =	vst v63  }
0x57: {  	_ =	swait.ge [sflag:s9], $0x80  }
0x58: {  	[sflag:s9] =	ssyncset.done $0x0  }
0x59: {  	[sflag:s9] =	ssyncadd.s32 $0xFFFFFF80  }
0x5a: {  	[spmem:s2] =	stream.indirect.scatter.add.f32 [tilespmem:s12], [sflag:$0x1], $0x1, s16, s11, $0xb8;
	[tilespmem:$0xD78] =	vst v63  }
0x5b: {  	_ =	swait.ge [sflag:s9], $0x80  }
0x5c: {  	[sflag:s9] =	ssyncset.done $0x0  }
0x5d: {  	[sflag:s9] =	ssyncadd.s32 $0xFFFFFF80  }
0x5e: {  	[spmem:s2] =	stream.indirect.scatter.add.f32 [tilespmem:s12], [sflag:$0x1], $0x1, s17, s11, $0xb8;
	[tilespmem:$0xD78] =	vst v63  }
0x5f: {  	_ =	swait.ge [sflag:s9], $0x80  }
0x60: {  	[sflag:s9] =	ssyncset.done $0x0  }
0x61: {  	[sflag:s9] =	ssyncadd.s32 $0xFFFFFF80  }
0x62: {  	[spmem:s2] =	stream.indirect.scatter.add.f32 [tilespmem:s12], [sflag:$0x1], $0x1, s18, s11, $0xb8;
	[tilespmem:$0xD78] =	vst v63  }
0x63: {  	_ =	swait.ge [sflag:s9], $0x80  }
0x64: {  	[sflag:s9] =	ssyncset.done $0x0  }
0x65: {  	[sflag:s9] =	ssyncadd.s32 $0xFFFFFF80  }
0x66: {  	[spmem:s2] =	stream.indirect.scatter.add.f32 [tilespmem:s12], [sflag:$0x1], $0x1, s19, s11, $0xb8;
	[tilespmem:$0xD78] =	vst v63  }
0x67: {  	_ =	swait.ge [sflag:s9], $0x80  }
0x68: {  	[sflag:s9] =	ssyncset.done $0x0  }
0x69: {  	[sflag:s9] =	ssyncadd.s32 $0xFFFFFF80  }
0x6a: {  	[spmem:s2] =	stream.indirect.scatter.add.f32 [tilespmem:s12], [sflag:$0x1], $0x1, s20, s11, $0xb8;
	[tilespmem:$0xD78] =	vst v63  }
0x6b: {  	_ =	swait.ge [sflag:s9], $0x80  }
0x6c: {  	[sflag:s9] =	ssyncset.done $0x0  }
0x6d: {  	[sflag:s9] =	ssyncadd.s32 $0xFFFFFF80  }
0x6e: {  	[spmem:s2] =	stream.indirect.scatter.add.f32 [tilespmem:s12], [sflag:$0x1], $0x1, s21, s11, $0xb8;
	[tilespmem:$0xD78] =	vst v63  }
0x6f: {  	_ =	swait.ge [sflag:s9], $0x80  }
0x70: {  	[sflag:s9] =	ssyncset.done $0x0  }
0x71: {  	[sflag:s9] =	ssyncadd.s32 $0xFFFFFF80  }
0x72: {  	[spmem:s2] =	stream.indirect.scatter.add.f32 [tilespmem:s12], [sflag:$0x1], $0x1, s22, s11, $0xb8;
	[tilespmem:$0xD78] =	vst v63  }
0x73: {  	_ =	swait.ge [sflag:s9], $0x80  }
0x74: {  	[sflag:s9] =	ssyncset.done $0x0  }
0x75: {  	[sflag:s9] =	ssyncadd.s32 $0xFFFFFF80  }
0x76: {  	[spmem:s2] =	stream.indirect.scatter.add.f32 [tilespmem:s12], [sflag:$0x1], $0x1, s23, s11, $0xb8;
	[tilespmem:$0xD78] =	vst v63  }
0x77: {  	_ =	swait.ge [sflag:s9], $0x80  }
0x78: {  	[sflag:s9] =	ssyncset.done $0x0  }
0x79: {  	[sflag:s9] =	ssyncadd.s32 $0xFFFFFF80  }
0x7a: {  	[spmem:s2] =	stream.indirect.scatter.add.f32 [tilespmem:s12], [sflag:$0x1], $0x1, s24, s11, $0xb8;
	[tilespmem:$0xD78] =	vst v63  }
0x7b: {  	_ =	swait.ge [sflag:s9], $0x80  }
0x7c: {  	[sflag:s9] =	ssyncset.done $0x0  }
0x7d: {  	[sflag:s9] =	ssyncadd.s32 $0xFFFFFF80  }
0x7e: {  	[spmem:s2] =	stream.indirect.scatter.add.f32 [tilespmem:s12], [sflag:$0x1], $0x1, s25, s11, $0xb8;
	[tilespmem:$0xD78] =	vst v63  }
0x7f: {  	_ =	swait.ge [sflag:s9], $0x80  }
0x80: {  	[sflag:s9] =	ssyncset.done $0x0  }
0x81: {  	[sflag:s9] =	ssyncadd.s32 $0xFFFFFF80  }
0x82: {  	[spmem:s2] =	stream.indirect.scatter.add.f32 [tilespmem:s12], [sflag:$0x1], $0x1, s26, s11, $0xb8;
	[tilespmem:$0xD78] =	vst v63  }
0x83: {  	_ =	swait.ge [sflag:s9], $0x80  }
0x84: {  	[sflag:s9] =	ssyncset.done $0x0  }
0x85: {  	[sflag:s9] =	ssyncadd.s32 $0xFFFFFF80  }
0x86: {  	[spmem:s2] =	stream.indirect.scatter.add.f32 [tilespmem:s12], [sflag:$0x1], $0x1, s28, s11, $0xb8;
	[tilespmem:$0xD78] =	vst v63  }
0x87: {  	_ =	swait.ge [sflag:s9], $0x80  }
0x88: {  	s30 =	simm.s32 $0x100;
	s31 =	simm.s32 $0x200;
	[sflag:s9] =	ssyncset.done $0x0  }
.LBB2_2:
0x89: {  	s0 =	sadd.s32 s30, s7  }
0x8a: {  	[sflag:s9] =	ssyncadd.s32 $0xFFFFFF80;
	s30 =	smov.u32 s31;
	s1 =	sadd.s32 $0x100, s31  }
0x8b: {  	[tilespmem:s10], [sflag:$0x1] =	stream.linear.gather [hbm4b:s0+s3], $0x800, $0x38;
	[tilespmem:$0xD78] =	vst v63  }
0x8c: {  	p0 =	sne.s32 s31, $0x400;
	_ =	swait.ge [sflag:s9], $0x800  }
0x8d: {  	[sflag:s9] =	ssyncset.done $0x0  }
0x8e: {  	[sflag:s9] =	ssyncadd.s32 $0xFFFFF800  }
0x8f: {  	[spmem:s2] =	stream.indirect.scatter.add.f32 [tilespmem:s12], [sflag:$0x1], $0x1, s10, s11, $0xb8;
	[tilespmem:$0xD78] =	vst v63  }
0x90: {  	_ =	swait.ge [sflag:s9], $0x80  }
0x91: {  	[sflag:s9] =	ssyncset.done $0x0  }
0x92: {  	[sflag:s9] =	ssyncadd.s32 $0xFFFFFF80  }
0x93: {  	[spmem:s2] =	stream.indirect.scatter.add.f32 [tilespmem:s12], [sflag:$0x1], $0x1, s13, s11, $0xb8;
	[tilespmem:$0xD78] =	vst v63  }
0x94: {  	_ =	swait.ge [sflag:s9], $0x80  }
0x95: {  	[sflag:s9] =	ssyncset.done $0x0  }
0x96: {  	[sflag:s9] =	ssyncadd.s32 $0xFFFFFF80  }
0x97: {  	[spmem:s2] =	stream.indirect.scatter.add.f32 [tilespmem:s12], [sflag:$0x1], $0x1, s14, s11, $0xb8;
	[tilespmem:$0xD78] =	vst v63  }
0x98: {  	_ =	swait.ge [sflag:s9], $0x80  }
0x99: {  	[sflag:s9] =	ssyncset.done $0x0  }
0x9a: {  	[sflag:s9] =	ssyncadd.s32 $0xFFFFFF80  }
0x9b: {  	[spmem:s2] =	stream.indirect.scatter.add.f32 [tilespmem:s12], [sflag:$0x1], $0x1, s15, s11, $0xb8;
	[tilespmem:$0xD78] =	vst v63  }
0x9c: {  	_ =	swait.ge [sflag:s9], $0x80  }
0x9d: {  	[sflag:s9] =	ssyncset.done $0x0  }
0x9e: {  	[sflag:s9] =	ssyncadd.s32 $0xFFFFFF80  }
0x9f: {  	[spmem:s2] =	stream.indirect.scatter.add.f32 [tilespmem:s12], [sflag:$0x1], $0x1, s16, s11, $0xb8;
	[tilespmem:$0xD78] =	vst v63  }
0xa0: {  	_ =	swait.ge [sflag:s9], $0x80  }
0xa1: {  	[sflag:s9] =	ssyncset.done $0x0  }
0xa2: {  	[sflag:s9] =	ssyncadd.s32 $0xFFFFFF80  }
0xa3: {  	[spmem:s2] =	stream.indirect.scatter.add.f32 [tilespmem:s12], [sflag:$0x1], $0x1, s17, s11, $0xb8;
	[tilespmem:$0xD78] =	vst v63  }
0xa4: {  	_ =	swait.ge [sflag:s9], $0x80  }
0xa5: {  	[sflag:s9] =	ssyncset.done $0x0  }
0xa6: {  	[sflag:s9] =	ssyncadd.s32 $0xFFFFFF80  }
0xa7: {  	[spmem:s2] =	stream.indirect.scatter.add.f32 [tilespmem:s12], [sflag:$0x1], $0x1, s18, s11, $0xb8;
	[tilespmem:$0xD78] =	vst v63  }
0xa8: {  	_ =	swait.ge [sflag:s9], $0x80  }
0xa9: {  	[sflag:s9] =	ssyncset.done $0x0  }
0xaa: {  	[sflag:s9] =	ssyncadd.s32 $0xFFFFFF80  }
0xab: {  	[spmem:s2] =	stream.indirect.scatter.add.f32 [tilespmem:s12], [sflag:$0x1], $0x1, s19, s11, $0xb8;
	[tilespmem:$0xD78] =	vst v63  }
0xac: {  	_ =	swait.ge [sflag:s9], $0x80  }
0xad: {  	[sflag:s9] =	ssyncset.done $0x0  }
0xae: {  	[sflag:s9] =	ssyncadd.s32 $0xFFFFFF80  }
0xaf: {  	[spmem:s2] =	stream.indirect.scatter.add.f32 [tilespmem:s12], [sflag:$0x1], $0x1, s20, s11, $0xb8;
	[tilespmem:$0xD78] =	vst v63  }
0xb0: {  	_ =	swait.ge [sflag:s9], $0x80  }
0xb1: {  	[sflag:s9] =	ssyncset.done $0x0  }
0xb2: {  	[sflag:s9] =	ssyncadd.s32 $0xFFFFFF80  }
0xb3: {  	[spmem:s2] =	stream.indirect.scatter.add.f32 [tilespmem:s12], [sflag:$0x1], $0x1, s21, s11, $0xb8;
	[tilespmem:$0xD78] =	vst v63  }
0xb4: {  	_ =	swait.ge [sflag:s9], $0x80  }
0xb5: {  	[sflag:s9] =	ssyncset.done $0x0  }
0xb6: {  	[sflag:s9] =	ssyncadd.s32 $0xFFFFFF80  }
0xb7: {  	[spmem:s2] =	stream.indirect.scatter.add.f32 [tilespmem:s12], [sflag:$0x1], $0x1, s22, s11, $0xb8;
	[tilespmem:$0xD78] =	vst v63  }
0xb8: {  	_ =	swait.ge [sflag:s9], $0x80  }
0xb9: {  	[sflag:s9] =	ssyncset.done $0x0  }
0xba: {  	[sflag:s9] =	ssyncadd.s32 $0xFFFFFF80  }
0xbb: {  	[spmem:s2] =	stream.indirect.scatter.add.f32 [tilespmem:s12], [sflag:$0x1], $0x1, s23, s11, $0xb8;
	[tilespmem:$0xD78] =	vst v63  }
0xbc: {  	_ =	swait.ge [sflag:s9], $0x80  }
0xbd: {  	[sflag:s9] =	ssyncset.done $0x0  }
0xbe: {  	[sflag:s9] =	ssyncadd.s32 $0xFFFFFF80  }
0xbf: {  	[spmem:s2] =	stream.indirect.scatter.add.f32 [tilespmem:s12], [sflag:$0x1], $0x1, s24, s11, $0xb8;
	[tilespmem:$0xD78] =	vst v63  }
0xc0: {  	_ =	swait.ge [sflag:s9], $0x80  }
0xc1: {  	[sflag:s9] =	ssyncset.done $0x0  }
0xc2: {  	[sflag:s9] =	ssyncadd.s32 $0xFFFFFF80  }
0xc3: {  	[spmem:s2] =	stream.indirect.scatter.add.f32 [tilespmem:s12], [sflag:$0x1], $0x1, s25, s11, $0xb8;
	[tilespmem:$0xD78] =	vst v63  }
0xc4: {  	_ =	swait.ge [sflag:s9], $0x80  }
0xc5: {  	[sflag:s9] =	ssyncset.done $0x0  }
0xc6: {  	[sflag:s9] =	ssyncadd.s32 $0xFFFFFF80  }
0xc7: {  	[spmem:s2] =	stream.indirect.scatter.add.f32 [tilespmem:s12], [sflag:$0x1], $0x1, s26, s11, $0xb8;
	[tilespmem:$0xD78] =	vst v63  }
0xc8: {  	_ =	swait.ge [sflag:s9], $0x80  }
.Ltmp0:
0xc9: {  	[sflag:s9] =	ssyncset.done $0x0;
	(pc) =	sbr.rel @p0 .LBB2_2-.Ltmp0, $4  }
0xca: {  	[sflag:s9] =	ssyncadd.s32 $0xFFFFFF80  }
0xcb: {  	[spmem:s2] =	stream.indirect.scatter.add.f32 [tilespmem:s12], [sflag:$0x1], $0x1, s28, s11, $0xb8;
	[tilespmem:$0xD78] =	vst v63  }
0xcc: {  	_ =	swait.ge [sflag:s9], $0x80  }
0xcd: {  	s31 =	smov.u32 s1;
	[sflag:s9] =	ssyncset.done $0x0  }
0xce: {  	s0 =	sadd.s32 s30, s7;
	[sflag:s9] =	ssyncadd.s32 $0xFFFFFF80  }
0xcf: {  	[tilespmem:s10], [sflag:$0x1] =	stream.linear.gather [hbm4b:s0+s3], $0x800, $0x38;
	[tilespmem:$0xD78] =	vst v63  }
0xd0: {  	_ =	swait.ge [sflag:s9], $0x800  }
0xd1: {  	[sflag:s9] =	ssyncset.done $0x0  }
0xd2: {  	[sflag:s9] =	ssyncadd.s32 $0xFFFFF800  }
0xd3: {  	[spmem:s2] =	stream.indirect.scatter.add.f32 [tilespmem:s12], [sflag:$0x1], $0x1, s10, s11, $0xb8;
	[tilespmem:$0xD78] =	vst v63  }
0xd4: {  	_ =	swait.ge [sflag:s9], $0x80  }
0xd5: {  	[sflag:s9] =	ssyncset.done $0x0  }
0xd6: {  	[sflag:s9] =	ssyncadd.s32 $0xFFFFFF80  }
0xd7: {  	[spmem:s2] =	stream.indirect.scatter.add.f32 [tilespmem:s12], [sflag:$0x1], $0x1, s13, s11, $0xb8;
	[tilespmem:$0xD78] =	vst v63  }
0xd8: {  	_ =	swait.ge [sflag:s9], $0x80  }
0xd9: {  	[sflag:s9] =	ssyncset.done $0x0  }
0xda: {  	[sflag:s9] =	ssyncadd.s32 $0xFFFFFF80  }
0xdb: {  	[spmem:s2] =	stream.indirect.scatter.add.f32 [tilespmem:s12], [sflag:$0x1], $0x1, s14, s11, $0xb8;
	[tilespmem:$0xD78] =	vst v63  }
0xdc: {  	_ =	swait.ge [sflag:s9], $0x80  }
0xdd: {  	[sflag:s9] =	ssyncset.done $0x0  }
0xde: {  	[sflag:s9] =	ssyncadd.s32 $0xFFFFFF80  }
0xdf: {  	[spmem:s2] =	stream.indirect.scatter.add.f32 [tilespmem:s12], [sflag:$0x1], $0x1, s15, s11, $0xb8;
	[tilespmem:$0xD78] =	vst v63  }
0xe0: {  	_ =	swait.ge [sflag:s9], $0x80  }
0xe1: {  	[sflag:s9] =	ssyncset.done $0x0  }
0xe2: {  	[sflag:s9] =	ssyncadd.s32 $0xFFFFFF80  }
0xe3: {  	[spmem:s2] =	stream.indirect.scatter.add.f32 [tilespmem:s12], [sflag:$0x1], $0x1, s16, s11, $0xb8;
	[tilespmem:$0xD78] =	vst v63  }
0xe4: {  	_ =	swait.ge [sflag:s9], $0x80  }
0xe5: {  	[sflag:s9] =	ssyncset.done $0x0  }
0xe6: {  	[sflag:s9] =	ssyncadd.s32 $0xFFFFFF80  }
0xe7: {  	[spmem:s2] =	stream.indirect.scatter.add.f32 [tilespmem:s12], [sflag:$0x1], $0x1, s17, s11, $0xb8;
	[tilespmem:$0xD78] =	vst v63  }
0xe8: {  	_ =	swait.ge [sflag:s9], $0x80  }
0xe9: {  	[sflag:s9] =	ssyncset.done $0x0  }
0xea: {  	[sflag:s9] =	ssyncadd.s32 $0xFFFFFF80  }
0xeb: {  	[spmem:s2] =	stream.indirect.scatter.add.f32 [tilespmem:s12], [sflag:$0x1], $0x1, s18, s11, $0xb8;
	[tilespmem:$0xD78] =	vst v63  }
0xec: {  	_ =	swait.ge [sflag:s9], $0x80  }
0xed: {  	[sflag:s9] =	ssyncset.done $0x0  }
0xee: {  	[sflag:s9] =	ssyncadd.s32 $0xFFFFFF80  }
0xef: {  	[spmem:s2] =	stream.indirect.scatter.add.f32 [tilespmem:s12], [sflag:$0x1], $0x1, s19, s11, $0xb8;
	[tilespmem:$0xD78] =	vst v63  }
0xf0: {  	_ =	swait.ge [sflag:s9], $0x80  }
0xf1: {  	[sflag:s9] =	ssyncset.done $0x0  }
0xf2: {  	[sflag:s9] =	ssyncadd.s32 $0xFFFFFF80  }
0xf3: {  	[spmem:s2] =	stream.indirect.scatter.add.f32 [tilespmem:s12], [sflag:$0x1], $0x1, s20, s11, $0xb8;
	[tilespmem:$0xD78] =	vst v63  }
0xf4: {  	_ =	swait.ge [sflag:s9], $0x80  }
0xf5: {  	[sflag:s9] =	ssyncset.done $0x0  }
0xf6: {  	[sflag:s9] =	ssyncadd.s32 $0xFFFFFF80  }
0xf7: {  	[spmem:s2] =	stream.indirect.scatter.add.f32 [tilespmem:s12], [sflag:$0x1], $0x1, s21, s11, $0xb8;
	[tilespmem:$0xD78] =	vst v63  }
0xf8: {  	_ =	swait.ge [sflag:s9], $0x80  }
0xf9: {  	[sflag:s9] =	ssyncset.done $0x0  }
0xfa: {  	[sflag:s9] =	ssyncadd.s32 $0xFFFFFF80  }
0xfb: {  	[spmem:s2] =	stream.indirect.scatter.add.f32 [tilespmem:s12], [sflag:$0x1], $0x1, s22, s11, $0xb8;
	[tilespmem:$0xD78] =	vst v63  }
0xfc: {  	_ =	swait.ge [sflag:s9], $0x80  }
0xfd: {  	[sflag:s9] =	ssyncset.done $0x0  }
0xfe: {  	[sflag:s9] =	ssyncadd.s32 $0xFFFFFF80  }
0xff: {  	[spmem:s2] =	stream.indirect.scatter.add.f32 [tilespmem:s12], [sflag:$0x1], $0x1, s23, s11, $0xb8;
	[tilespmem:$0xD78] =	vst v63  }
0x100: {  	_ =	swait.ge [sflag:s9], $0x80  }
0x101: {  	[sflag:s9] =	ssyncset.done $0x0  }
0x102: {  	[sflag:s9] =	ssyncadd.s32 $0xFFFFFF80  }
0x103: {  	[spmem:s2] =	stream.indirect.scatter.add.f32 [tilespmem:s12], [sflag:$0x1], $0x1, s24, s11, $0xb8;
	[tilespmem:$0xD78] =	vst v63  }
0x104: {  	_ =	swait.ge [sflag:s9], $0x80  }
0x105: {  	[sflag:s9] =	ssyncset.done $0x0  }
0x106: {  	[sflag:s9] =	ssyncadd.s32 $0xFFFFFF80  }
0x107: {  	[spmem:s2] =	stream.indirect.scatter.add.f32 [tilespmem:s12], [sflag:$0x1], $0x1, s25, s11, $0xb8;
	[tilespmem:$0xD78] =	vst v63  }
0x108: {  	_ =	swait.ge [sflag:s9], $0x80  }
0x109: {  	[sflag:s9] =	ssyncset.done $0x0  }
0x10a: {  	[sflag:s9] =	ssyncadd.s32 $0xFFFFFF80  }
0x10b: {  	[spmem:s2] =	stream.indirect.scatter.add.f32 [tilespmem:s12], [sflag:$0x1], $0x1, s26, s11, $0xb8;
	[tilespmem:$0xD78] =	vst v63  }
0x10c: {  	_ =	swait.ge [sflag:s9], $0x80  }
0x10d: {  	[sflag:s9] =	ssyncset.done $0x0  }
0x10e: {  	[sflag:s9] =	ssyncadd.s32 $0xFFFFFF80  }
0x10f: {  	[spmem:s2] =	stream.indirect.scatter.add.f32 [tilespmem:s12], [sflag:$0x1], $0x1, s28, s11, $0xb8;
	[tilespmem:$0xD78] =	vst v63  }
0x110: {  	_ =	swait.ge [sflag:s9], $0x80  }
0x111: {  	[sflag:s9] =	ssyncset.done $0x0  }
0x112: {  	[sflag:s9] =	ssyncadd.s32 $0xFFFFFF80  }
0x113: {  	[bflag:$0x0] =	sbarrier.arrive $0xFFFF  }
0x114: {  	[tilespmem:s8], [sflag:$0x1] =	stream.linear.gather [spmem:s4], $0x278, $0x38;
	[tilespmem:$0xD78] =	vst v63  }
0x115: {  	s29 =	sadd.s32 $0x1, s29;
	_ =	swait.ge [sflag:s9], $0x278  }
0x116: {  	p0 =	sne.s32 s29, s6;
	[sflag:s9] =	ssyncset.done $0x0  }
.Ltmp1:
0x117: {  	[sflag:s9] =	ssyncadd.s32 $0xFFFFFD88;
	(pc) =	sbr.rel @p0 .LBB2_1-.Ltmp1, $4  }
0x118: {  	[hbm4b:s5+s3] =	stream.linear.scatter [tilespmem:s8], [sflag:$0x1], $0x278, $0x38;
	[tilespmem:$0xD78] =	vst v63  }
0x119: {  	_ =	swait.ge [sflag:s9], $0x278  }
0x11a: {  	[sflag:s9] =	ssyncset.done $0x0  }
0x11b: {  	[sflag:s9] =	ssyncadd.s32 $0xFFFFFD88  }
0x11c: {  	_ =	sfence.sel $0x180000  }
0x11d: {  	[bflag:$0x0] =	sbarrier.arrive $0xFFFF  }
0x11e: {  	_ =	strace $0x90000047  }
0x11f: {  	s0 =	stileid.u32;
	[bflag:$0x2] =	sbarrier.arrive $0xFFFF  }
0x120: {  	p0 =	sne.s32 s0, $0x0;
	s0 =	rddreg [dreg:$0x2]  }
0x121: {  	s0 =	sadd.s32 @!p0 $0x100000, s0  }
0x122: {  	[sflag:s0] =	ssyncadd.tile.s32 @!p0 $0x1;
	_ =	shalt  }
.Lfunc_end2:
_tile_overlayer_lowered:
.L_overlay_start_2:
0x123: {  	(tag) =	ssettag $0x2  }
0x124: {  	s0 =	rddreg [dreg:$0x0];
	s2 =	stileid.u32  }
0x125: {  	s1 =	rddreg [dreg:$0x1];
	p0 =	sne.s32 s2, $0x0  }
0x126: {  	s3 =	rddreg [dreg:$0x2];
	[bflag:$0x3] =	sbarrier.arrive $0xFFFF;
	s2 =	simm.s32 @!p0 $0x1C01  }
0x127: {  	[timem:s3], [sflag:s2] =	dma.local @!p0 [hbm:s0], s1  }
0x128: {  	s0 =	simm.s32 @!p0 $0x1  }
0x129: {  	_ =	swait.ge @!p0 [sflag:s0], s1  }
0x12a: {  	s1 =	ssub.s32 @!p0 $0x0, s1;
	[sflag:s0] =	ssyncset.done @!p0 $0x0  }
0x12b: {  	[sflag:s0] =	ssyncadd.s32 @!p0 s1  }
0x12c: {  	[bflag:$0x3] =	sbarrier.arrive $0xFFFF  }
0x12d: {  	_ =	shalt  }

</sc_bundles>
